<compile_context>
chip_gen: v7x
topology: tpu7x:2x2x1
jax: 0.10.2.dev20260603
libtpu: 0.0.44.dev20260713+nightly
codegen_flags: <defaults>
</compile_context>

<pallas_src>
import functools

import jax
import jax.numpy as jnp
from jax import lax
from jax.experimental import pallas as pl
from jax.experimental.pallas import tpu as pltpu
from jax.experimental.pallas import tpu_sc as plsc

N = 10000
E = 320000
D_IN = 128
D_HID = 16
D_OUT = 40

NC = 2
NS = 16
NW = NC * NS
B = 128
NBAT = E // B
NB = NBAT // NW
NXTRA = NBAT - NB * NW
NBUF1 = 13
PIPE1 = 6
NBUF = 6
PIPE = 3
NPAD = 10112
RPT = NPAD // NS


def _seg_sum_pipeline(eidx, tab_sh, acc, src_v, dst_v, rows, srcx, dstx,
                      gsem, ssem, wid, nbuf, pipe):
    pltpu.sync_copy(eidx.at[0, pl.ds(wid * NB, NB)], src_v)
    pltpu.sync_copy(eidx.at[1, pl.ds(wid * NB, NB)], dst_v)

    for b in range(pipe):
        pltpu.async_copy(tab_sh.at[src_v.at[b]], rows[b], gsem[b])

    def group(g, _):
        j0 = g * nbuf
        for b in range(nbuf):
            j = j0 + b
            pltpu.make_async_copy(
                tab_sh.at[src_v.at[j]], rows[b], gsem[b]).wait()
            pltpu.async_copy(rows[b], acc.at[dst_v.at[j]], ssem[b],
                             add=True)
            b2 = (b + pipe) % nbuf
            jn = j + pipe
            prev = jn - nbuf

            @pl.when(jn < NB)
            def _():
                @pl.when(prev >= 0)
                def _():
                    pltpu.make_async_copy(
                        rows[b2], acc.at[dst_v.at[prev]], ssem[b2]).wait()
                pltpu.async_copy(tab_sh.at[src_v.at[jn]], rows[b2],
                                 gsem[b2])
        return 0

    lax.fori_loop(0, NB // nbuf, group, 0)
    for b in range(nbuf):
        pltpu.make_async_copy(
            rows[b], acc.at[dst_v.at[NB - nbuf + b]], ssem[b]).wait()

    @pl.when(wid < NXTRA)
    def _():
        pltpu.sync_copy(eidx.at[0, pl.ds(NB * NW + wid, 1)], srcx)
        pltpu.sync_copy(eidx.at[1, pl.ds(NB * NW + wid, 1)], dstx)
        pltpu.async_copy(tab_sh.at[srcx.at[0]], rows[0], gsem[0]).wait()
        pltpu.sync_copy(rows[0], acc.at[dstx.at[0]], add=True)


@functools.cache
def _sc_kernels():
  mesh = plsc.VectorSubcoreMesh(core_axis_name="c", subcore_axis_name="s",
                                num_cores=NC, num_subcores=NS)
  sc_params = pltpu.CompilerParams(use_tc_tiling_on_sc=False)

  @functools.partial(
    pl.kernel,
    out_type=jax.ShapeDtypeStruct((NC, NPAD, 32), jnp.float32),
    mesh=mesh,
    scratch_types=[
        pltpu.VMEM((NB, B), jnp.int32),
        pltpu.VMEM((NB, B), jnp.int32),
        [pltpu.VMEM((B, 32), jnp.float32)] * NBUF1,
        pltpu.VMEM((1, B), jnp.int32),
        pltpu.VMEM((1, B), jnp.int32),
        pltpu.VMEM_SHARED((NPAD, 32), jnp.float32),
        pltpu.VMEM_SHARED((NPAD, 32), jnp.float32),
        [pltpu.SemaphoreType.DMA] * NBUF1,
        [pltpu.SemaphoreType.DMA] * NBUF1,
    ],
    compiler_params=sc_params,
  )
  def _sc_layer1(t1x, eidx, out, src_v, dst_v, rows, srcx, dstx,
               acc, tab_sh, gsem, ssem):
    c = lax.axis_index("c")
    s = lax.axis_index("s")
    wid = c * NS + s
    r0 = s * RPT

    stage = pltpu.async_copy(t1x.at[pl.ds(r0, RPT), pl.ds(0, 32)],
                             tab_sh.at[pl.ds(r0, RPT)], gsem[0])

    def zero_body(i, _):
        for j in range(2):
            rows[0][i, pl.ds(j * 16, 16)] = jnp.zeros((16,), jnp.float32)
        return 0

    lax.fori_loop(0, B, zero_body, 0)
    nfull = RPT // B
    for k in range(nfull):
        pltpu.async_copy(rows[0], acc.at[pl.ds(r0 + k * B, B)],
                         ssem[k])
    rem = RPT - nfull * B
    pltpu.async_copy(rows[0].at[pl.ds(0, rem)],
                     acc.at[pl.ds(r0 + nfull * B, rem)], ssem[nfull])
    for k in range(nfull):
        pltpu.make_async_copy(rows[0], acc.at[pl.ds(r0 + k * B, B)],
                              ssem[k]).wait()
    pltpu.make_async_copy(rows[0].at[pl.ds(0, rem)],
                          acc.at[pl.ds(r0 + nfull * B, rem)],
                          ssem[nfull]).wait()
    stage.wait()
    plsc.subcore_barrier()

    _seg_sum_pipeline(eidx, tab_sh, acc, src_v, dst_v, rows, srcx, dstx,
                      gsem, ssem, wid, NBUF1, PIPE1)
    plsc.subcore_barrier()

    pltpu.sync_copy(acc.at[pl.ds(r0, RPT)], out.at[c, pl.ds(r0, RPT)])


  @functools.partial(
    pl.kernel,
    out_type=jax.ShapeDtypeStruct((NPAD, 128), jnp.float32),
    mesh=mesh,
    scratch_types=[
        pltpu.VMEM((NB, B), jnp.int32),
        pltpu.VMEM((NB, B), jnp.int32),
        [pltpu.VMEM((B, 16), jnp.float32)] * NBUF,
        pltpu.VMEM((1, B), jnp.int32),
        pltpu.VMEM((1, B), jnp.int32),
        pltpu.VMEM((RPT, 32), jnp.float32),
        pltpu.VMEM((RPT, 32), jnp.float32),
        pltpu.VMEM((RPT, 16), jnp.float32),
        pltpu.VMEM((RPT, 16), jnp.float32),
        pltpu.VMEM((RPT, 16), jnp.float32),
        pltpu.VMEM((16,), jnp.float32),
        pltpu.VMEM_SHARED((NPAD, 16), jnp.float32),
        pltpu.VMEM_SHARED((NPAD, 16), jnp.float32),
        [pltpu.SemaphoreType.DMA] * NBUF,
        [pltpu.SemaphoreType.DMA] * NBUF,
    ],
    compiler_params=sc_params,
  )
  def _sc_layer2(t1x, acc1, b1, eidx, fin, src_v, dst_v, rows, srcx, dstx,
               a0_v, a1_v, r1_v, h_v, di_v, b1_v, acc, tab_sh, gsem, ssem):
    c = lax.axis_index("c")
    s = lax.axis_index("s")
    wid = c * NS + s
    r0 = s * RPT

    d0 = pltpu.async_copy(acc1.at[0, pl.ds(r0, RPT)], a0_v, gsem[0])
    d1 = pltpu.async_copy(acc1.at[1, pl.ds(r0, RPT)], a1_v, gsem[1])
    d2 = pltpu.async_copy(t1x.at[pl.ds(r0, RPT), pl.ds(32, 16)], r1_v,
                          gsem[2])
    d3 = pltpu.async_copy(b1, b1_v, gsem[3])
    d0.wait()
    d1.wait()
    d2.wait()
    d3.wait()
    b1r = b1_v[...]

    def h_row(i):
        srow = a0_v[i, pl.ds(0, 16)] + a1_v[i, pl.ds(0, 16)]
        degv = a0_v[i, pl.ds(16, 16)] + a1_v[i, pl.ds(16, 16)]
        dinvv = 1.0 / jnp.maximum(degv, 1.0)
        hrow = jnp.maximum(srow * dinvv + b1r + r1_v[i, pl.ds(0, 16)], 0.0)
        h_v[i, :] = hrow
        di_v[i, :] = dinvv
        a0_v[i, pl.ds(0, 16)] = jnp.zeros((16,), jnp.float32)

    def h_body(k, _):
        h_row(2 * k)
        h_row(2 * k + 1)
        return 0

    lax.fori_loop(0, RPT // 2, h_body, 0)
    p0 = pltpu.async_copy(h_v, tab_sh.at[pl.ds(r0, RPT)], gsem[0])
    p1 = pltpu.async_copy(a0_v.at[:, pl.ds(0, 16)], acc.at[pl.ds(r0, RPT)],
                          gsem[1])

    @pl.when(c == 0)
    def _():
        pltpu.async_copy(h_v, fin.at[pl.ds(r0, RPT), pl.ds(32, 16)],
                         ssem[0])
        pltpu.async_copy(di_v, fin.at[pl.ds(r0, RPT), pl.ds(48, 16)],
                         ssem[1])
        pltpu.make_async_copy(h_v, fin.at[pl.ds(r0, RPT), pl.ds(32, 16)],
                              ssem[0]).wait()
        pltpu.make_async_copy(di_v, fin.at[pl.ds(r0, RPT), pl.ds(48, 16)],
                              ssem[1]).wait()

    p0.wait()
    p1.wait()
    plsc.subcore_barrier()

    _seg_sum_pipeline(eidx, tab_sh, acc, src_v, dst_v, rows, srcx, dstx,
                      gsem, ssem, wid, NBUF, PIPE)
    plsc.subcore_barrier()

    pltpu.sync_copy(acc.at[pl.ds(r0, RPT)],
                    fin.at[pl.ds(r0, RPT), pl.ds(c * 16, 16)])

  return _sc_layer1, _sc_layer2


def _k1_body(x_ref, w_ref, oh_ref, t1x_ref):
    pc = jnp.dot(x_ref[:, :], w_ref[:, :], preferred_element_type=jnp.float32)
    t1x_ref[0:N, 0:48] = pc + oh_ref[:, :]
    t1x_ref[N:NPAD, 0:48] = jnp.zeros((NPAD - N, 48), jnp.float32)


def _k3_body(fin_ref, w2_ref, b2_ref, out_ref):
    s2 = fin_ref[0:N, 0:16] + fin_ref[0:N, 16:32]
    h = fin_ref[0:N, 32:48]
    dinv = fin_ref[0:N, 48:49]
    cat = jnp.concatenate([s2 * dinv, h], axis=1)
    z = jnp.dot(cat, w2_ref[:, :], preferred_element_type=jnp.float32)
    z = z + b2_ref[:, :]
    m = jnp.max(z, axis=1, keepdims=True)
    e = jnp.exp(z - m)
    lse = jnp.log(jnp.sum(e, axis=1, keepdims=True))
    out_ref[:, :] = z - m - lse


def kernel(x, edge_index, Wl1, Wr1, b1, Wl2, Wr2, b2):
    eidx = edge_index.astype(jnp.int32).reshape(2, NBAT, B)

    w = jnp.concatenate(
        [Wl1.T, jnp.zeros((D_IN, 16), jnp.float32), Wr1.T], axis=1)
    oh = jnp.concatenate(
        [jnp.zeros((1, 16), jnp.float32), jnp.ones((1, 16), jnp.float32),
         jnp.zeros((1, 16), jnp.float32)], axis=1)
    t1x = pl.pallas_call(
        _k1_body,
        out_shape=jax.ShapeDtypeStruct((NPAD, 128), jnp.float32),
    )(x, w, oh)

    sc_layer1, sc_layer2 = _sc_kernels()
    acc1 = sc_layer1(t1x, eidx)
    fin = sc_layer2(t1x, acc1, b1, eidx)

    w2 = jnp.concatenate([Wl2.T, Wr2.T], axis=0)
    out = pl.pallas_call(
        _k3_body,
        out_shape=jax.ShapeDtypeStruct((N, D_OUT), jnp.float32),
    )(fin, w2, b2.reshape(1, D_OUT))
    return out

# --- scband reference (transcript-rebuilt; emitter-appended) ---
"""Pipeline reference for scband-sage-60146722013608 (READ-ONLY COPY).

The authoritative reference and input builder live on the scoring server;
editing this copy changes nothing except your own understanding.
"""

import jax, jax.numpy as jnp
import numpy as np

N = 10000
E = 320000
D_IN = 128
D_HID = 16
D_OUT = 40


def setup_inputs(seed: int = 0) -> dict:
    key = jax.random.key(seed)
    ks = jax.random.split(key, 8)
    x = jax.random.normal(ks[0], (N, D_IN), dtype=jnp.float32)
    edge_index = jax.random.randint(ks[1], (2, E), 0, N, dtype=jnp.int64)
    # SAGEConv params: lin_l applied to aggregated neighbors (with bias), lin_r applied to root (no bias)
    Wl1 = jax.random.normal(ks[2], (D_HID, D_IN), dtype=jnp.float32) * (1.0 / np.sqrt(D_IN))
    Wr1 = jax.random.normal(ks[3], (D_HID, D_IN), dtype=jnp.float32) * (1.0 / np.sqrt(D_IN))
    b1 = jnp.zeros((D_HID,), dtype=jnp.float32)
    Wl2 = jax.random.normal(ks[4], (D_OUT, D_HID), dtype=jnp.float32) * (1.0 / np.sqrt(D_HID))
    Wr2 = jax.random.normal(ks[5], (D_OUT, D_HID), dtype=jnp.float32) * (1.0 / np.sqrt(D_HID))
    b2 = jnp.zeros((D_OUT,), dtype=jnp.float32)
    return {"x": x, "edge_index": edge_index, "Wl1": Wl1, "Wr1": Wr1, "b1": b1, "Wl2": Wl2, "Wr2": Wr2, "b2": b2}


def _sage_conv(x, edge_index, Wl, Wr, b):
    src = edge_index[0]
    dst = edge_index[1]
    msg = jnp.take(x, src, axis=0)  # gather source node features
    agg = jax.ops.segment_sum(msg, dst, num_segments=N)
    deg = jax.ops.segment_sum(jnp.ones((msg.shape[0],), dtype=x.dtype), dst, num_segments=N)
    agg = agg / jnp.maximum(deg, 1.0)[:, None]  # mean aggregation
    return agg @ Wl.T + b + x @ Wr.T


def reference(x, edge_index, Wl1, Wr1, b1, Wl2, Wr2, b2):
    h = _sage_conv(x, edge_index, Wl1, Wr1, b1)
    h = jax.nn.relu(h)
    h = _sage_conv(h, edge_index, Wl2, Wr2, b2)
    return jax.nn.log_softmax(h, axis=1)

if __name__ == "__main__":
    import jax
    _d = setup_inputs()
    print(jax.jit(kernel)(*tuple(_d.values())))

</pallas_src>

<mosaic_0001>
#map = affine_map<(d0, d1) -> (0, 0)>
#map1 = affine_map<(d0, d1) -> (0, 0, 0)>
module attributes {stable_mosaic.version = 14 : i64} {
  func.func @_sc_layer1(%arg0: i32, %arg1: i32, %arg2: memref<10112x128xf32, #tpu.memory_space<hbm>>, %arg3: memref<2x2500x128xi32, #tpu.memory_space<hbm>>, %arg4: memref<2x10112x32xf32, #tpu.memory_space<hbm>>, %arg5: memref<78x128xi32, #tpu.memory_space<vmem>>, %arg6: memref<78x128xi32, #tpu.memory_space<vmem>>, %arg7: memref<128x32xf32, #tpu.memory_space<vmem>>, %arg8: memref<128x32xf32, #tpu.memory_space<vmem>>, %arg9: memref<128x32xf32, #tpu.memory_space<vmem>>, %arg10: memref<128x32xf32, #tpu.memory_space<vmem>>, %arg11: memref<128x32xf32, #tpu.memory_space<vmem>>, %arg12: memref<128x32xf32, #tpu.memory_space<vmem>>, %arg13: memref<128x32xf32, #tpu.memory_space<vmem>>, %arg14: memref<128x32xf32, #tpu.memory_space<vmem>>, %arg15: memref<128x32xf32, #tpu.memory_space<vmem>>, %arg16: memref<128x32xf32, #tpu.memory_space<vmem>>, %arg17: memref<128x32xf32, #tpu.memory_space<vmem>>, %arg18: memref<128x32xf32, #tpu.memory_space<vmem>>, %arg19: memref<128x32xf32, #tpu.memory_space<vmem>>, %arg20: memref<1x128xi32, #tpu.memory_space<vmem>>, %arg21: memref<1x128xi32, #tpu.memory_space<vmem>>, %arg22: memref<10112x32xf32, #tpu.memory_space<vmem_shared>>, %arg23: memref<10112x32xf32, #tpu.memory_space<vmem_shared>>, %arg24: memref<!tpu.dma_semaphore, #tpu.memory_space<semaphore_mem>>, %arg25: memref<!tpu.dma_semaphore, #tpu.memory_space<semaphore_mem>>, %arg26: memref<!tpu.dma_semaphore, #tpu.memory_space<semaphore_mem>>, %arg27: memref<!tpu.dma_semaphore, #tpu.memory_space<semaphore_mem>>, %arg28: memref<!tpu.dma_semaphore, #tpu.memory_space<semaphore_mem>>, %arg29: memref<!tpu.dma_semaphore, #tpu.memory_space<semaphore_mem>>, %arg30: memref<!tpu.dma_semaphore, #tpu.memory_space<semaphore_mem>>, %arg31: memref<!tpu.dma_semaphore, #tpu.memory_space<semaphore_mem>>, %arg32: memref<!tpu.dma_semaphore, #tpu.memory_space<semaphore_mem>>, %arg33: memref<!tpu.dma_semaphore, #tpu.memory_space<semaphore_mem>>, %arg34: memref<!tpu.dma_semaphore, #tpu.memory_space<semaphore_mem>>, %arg35: memref<!tpu.dma_semaphore, #tpu.memory_space<semaphore_mem>>, %arg36: memref<!tpu.dma_semaphore, #tpu.memory_space<semaphore_mem>>, %arg37: memref<!tpu.dma_semaphore, #tpu.memory_space<semaphore_mem>>, %arg38: memref<!tpu.dma_semaphore, #tpu.memory_space<semaphore_mem>>, %arg39: memref<!tpu.dma_semaphore, #tpu.memory_space<semaphore_mem>>, %arg40: memref<!tpu.dma_semaphore, #tpu.memory_space<semaphore_mem>>, %arg41: memref<!tpu.dma_semaphore, #tpu.memory_space<semaphore_mem>>, %arg42: memref<!tpu.dma_semaphore, #tpu.memory_space<semaphore_mem>>, %arg43: memref<!tpu.dma_semaphore, #tpu.memory_space<semaphore_mem>>, %arg44: memref<!tpu.dma_semaphore, #tpu.memory_space<semaphore_mem>>, %arg45: memref<!tpu.dma_semaphore, #tpu.memory_space<semaphore_mem>>, %arg46: memref<!tpu.dma_semaphore, #tpu.memory_space<semaphore_mem>>, %arg47: memref<!tpu.dma_semaphore, #tpu.memory_space<semaphore_mem>>, %arg48: memref<!tpu.dma_semaphore, #tpu.memory_space<semaphore_mem>>, %arg49: memref<!tpu.dma_semaphore, #tpu.memory_space<semaphore_mem>>) attributes {dimension_semantics = [#tpu.dimension_semantics<core_parallel>, #tpu.dimension_semantics<subcore_parallel>], iteration_bounds = array<i64: 2, 16>, scalar_prefetch = 0 : i64, scratch_operands = 45 : i64, tpu.core_type = #tpu.core_type<sc_vector_subcore>, window_params = [{transform_indices = #map}, {transform_indices = #map1}, {transform_indices = #map1}]} {
    %mul3A = arith.constant 16 : i32
    %mul3A_0 = arith.muli %arg0, %mul3A : i32
    %add3A = arith.addi %mul3A_0, %arg1 : i32
    %mul3A_1 = arith.constant 632 : i32
    %mul3A_2 = arith.muli %arg1, %mul3A_1 : i32
    %dma_start3A = arith.constant 0 : i32
    %dma_start3A_3 = tpu.memref_slice %arg23[%mul3A_2, %dma_start3A] : memref<10112x32xf32, #tpu.memory_space<vmem_shared>> -> memref<632x32xf32, #tpu.memory_space<vmem_shared>>
    %dma_start3A_4 = arith.constant 0 : i32
    %dma_start3A_5 = tpu.memref_slice %arg2[%mul3A_2, %dma_start3A_4] : memref<10112x128xf32, #tpu.memory_space<hbm>> -> memref<632x32xf32, #tpu.memory_space<hbm>>
    tpu.enqueue_dma source(%dma_start3A_5 : memref<632x32xf32, #tpu.memory_space<hbm>>) target(%dma_start3A_3 : memref<632x32xf32, #tpu.memory_space<vmem_shared>>) target_semaphore(%arg24 : memref<!tpu.dma_semaphore, #tpu.memory_space<semaphore_mem>>)
    %scan3A = arith.constant 0 : i32
    %scan3A_6 = arith.constant 0 : i32
    %scan3A_7 = arith.constant 128 : i32
    %scan3A_8 = arith.addi %scan3A_6, %scan3A_7 : i32
    %scan3A_9 = arith.constant 1 : i32
    %scan3A_10 = scf.for %scan3A_235 = %scan3A_6 to %scan3A_8 step %scan3A_9 iter_args(%scan3A_236 = %scan3A) -> (i32)  : i32 {
      %broadcast_in_dim3A = arith.constant 0.000000e+00 : f32
      %broadcast_in_dim3A_237 = vector.broadcast %broadcast_in_dim3A : f32 to vector<16xf32>
      %swap3A = arith.index_cast %scan3A_235 : i32 to index
      %swap3A_238 = arith.constant 0 : index
      %swap3A_239 = tpu.vector_load %arg7[%swap3A, %swap3A_238] {strides = array<i32>} : memref<128x32xf32, #tpu.memory_space<vmem>>, vector<1x16xf32>,
      %swap3A_240 = vector.shape_cast %swap3A_239 : vector<1x16xf32> to vector<16xf32>
      %swap3A_241 = vector.shape_cast %broadcast_in_dim3A_237 : vector<16xf32> to vector<1x16xf32>
      tpu.vector_store %arg7[%swap3A, %swap3A_238], %swap3A_241 {strides = array<i32>} : memref<128x32xf32, #tpu.memory_space<vmem>>, vector<1x16xf32>,
      %broadcast_in_dim3A_242 = arith.constant 0.000000e+00 : f32
      %broadcast_in_dim3A_243 = vector.broadcast %broadcast_in_dim3A_242 : f32 to vector<16xf32>
      %swap3A_244 = arith.index_cast %scan3A_235 : i32 to index
      %swap3A_245 = arith.constant 16 : index
      %swap3A_246 = tpu.vector_load %arg7[%swap3A_244, %swap3A_245] {strides = array<i32>} : memref<128x32xf32, #tpu.memory_space<vmem>>, vector<1x16xf32>,
      %swap3A_247 = vector.shape_cast %swap3A_246 : vector<1x16xf32> to vector<16xf32>
      %swap3A_248 = vector.shape_cast %broadcast_in_dim3A_243 : vector<16xf32> to vector<1x16xf32>
      tpu.vector_store %arg7[%swap3A_244, %swap3A_245], %swap3A_248 {strides = array<i32>} : memref<128x32xf32, #tpu.memory_space<vmem>>, vector<1x16xf32>,
      %scan3A_249 = arith.constant 0 : i32
      scf.yield %scan3A_249 : i32
    }
    %scan3A_11 = arith.constant 128 : i32
    %add3A_12 = arith.constant 0 : i32
    %add3A_13 = arith.addi %mul3A_2, %add3A_12 : i32
    %dma_start3A_14 = arith.constant 0 : i32
    %dma_start3A_15 = tpu.memref_slice %arg22[%add3A_13, %dma_start3A_14] : memref<10112x32xf32, #tpu.memory_space<vmem_shared>> -> memref<128x32xf32, #tpu.memory_space<vmem_shared>>
    %dma_start3A_16 = arith.constant 0 : i32
    %dma_start3A_17 = tpu.memref_slice %arg22[%add3A_13, %dma_start3A_16] : memref<10112x32xf32, #tpu.memory_space<vmem_shared>> -> memref<128x32xf32, #tpu.memory_space<vmem_shared>>
    tpu.enqueue_dma source(%arg7 : memref<128x32xf32, #tpu.memory_space<vmem>>) target(%dma_start3A_17 : memref<128x32xf32, #tpu.memory_space<vmem_shared>>) target_semaphore(%arg37 : memref<!tpu.dma_semaphore, #tpu.memory_space<semaphore_mem>>)
    %add3A_18 = arith.constant 128 : i32
    %add3A_19 = arith.addi %mul3A_2, %add3A_18 : i32
    %dma_start3A_20 = arith.constant 0 : i32
    %dma_start3A_21 = tpu.memref_slice %arg22[%add3A_19, %dma_start3A_20] : memref<10112x32xf32, #tpu.memory_space<vmem_shared>> -> memref<128x32xf32, #tpu.memory_space<vmem_shared>>
    %dma_start3A_22 = arith.constant 0 : i32
    %dma_start3A_23 = tpu.memref_slice %arg22[%add3A_19, %dma_start3A_22] : memref<10112x32xf32, #tpu.memory_space<vmem_shared>> -> memref<128x32xf32, #tpu.memory_space<vmem_shared>>
    tpu.enqueue_dma source(%arg7 : memref<128x32xf32, #tpu.memory_space<vmem>>) target(%dma_start3A_23 : memref<128x32xf32, #tpu.memory_space<vmem_shared>>) target_semaphore(%arg38 : memref<!tpu.dma_semaphore, #tpu.memory_space<semaphore_mem>>)
    %add3A_24 = arith.constant 256 : i32
    %add3A_25 = arith.addi %mul3A_2, %add3A_24 : i32
    %dma_start3A_26 = arith.constant 0 : i32
    %dma_start3A_27 = tpu.memref_slice %arg22[%add3A_25, %dma_start3A_26] : memref<10112x32xf32, #tpu.memory_space<vmem_shared>> -> memref<128x32xf32, #tpu.memory_space<vmem_shared>>
    %dma_start3A_28 = arith.constant 0 : i32
    %dma_start3A_29 = tpu.memref_slice %arg22[%add3A_25, %dma_start3A_28] : memref<10112x32xf32, #tpu.memory_space<vmem_shared>> -> memref<128x32xf32, #tpu.memory_space<vmem_shared>>
    tpu.enqueue_dma source(%arg7 : memref<128x32xf32, #tpu.memory_space<vmem>>) target(%dma_start3A_29 : memref<128x32xf32, #tpu.memory_space<vmem_shared>>) target_semaphore(%arg39 : memref<!tpu.dma_semaphore, #tpu.memory_space<semaphore_mem>>)
    %add3A_30 = arith.constant 384 : i32
    %add3A_31 = arith.addi %mul3A_2, %add3A_30 : i32
    %dma_start3A_32 = arith.constant 0 : i32
    %dma_start3A_33 = tpu.memref_slice %arg22[%add3A_31, %dma_start3A_32] : memref<10112x32xf32, #tpu.memory_space<vmem_shared>> -> memref<128x32xf32, #tpu.memory_space<vmem_shared>>
    %dma_start3A_34 = arith.constant 0 : i32
    %dma_start3A_35 = tpu.memref_slice %arg22[%add3A_31, %dma_start3A_34] : memref<10112x32xf32, #tpu.memory_space<vmem_shared>> -> memref<128x32xf32, #tpu.memory_space<vmem_shared>>
    tpu.enqueue_dma source(%arg7 : memref<128x32xf32, #tpu.memory_space<vmem>>) target(%dma_start3A_35 : memref<128x32xf32, #tpu.memory_space<vmem_shared>>) target_semaphore(%arg40 : memref<!tpu.dma_semaphore, #tpu.memory_space<semaphore_mem>>)
    %add3A_36 = arith.constant 512 : i32
    %add3A_37 = arith.addi %mul3A_2, %add3A_36 : i32
    %dma_start3A_38 = arith.constant 0 : i32
    %dma_start3A_39 = arith.constant 0 : i32
    %dma_start3A_40 = tpu.memref_slice %arg7[%dma_start3A_38, %dma_start3A_39] : memref<128x32xf32, #tpu.memory_space<vmem>> -> memref<120x32xf32, #tpu.memory_space<vmem>>
    %dma_start3A_41 = arith.constant 0 : i32
    %dma_start3A_42 = tpu.memref_slice %arg22[%add3A_37, %dma_start3A_41] : memref<10112x32xf32, #tpu.memory_space<vmem_shared>> -> memref<120x32xf32, #tpu.memory_space<vmem_shared>>
    %dma_start3A_43 = arith.constant 0 : i32
    %dma_start3A_44 = tpu.memref_slice %arg22[%add3A_37, %dma_start3A_43] : memref<10112x32xf32, #tpu.memory_space<vmem_shared>> -> memref<120x32xf32, #tpu.memory_space<vmem_shared>>
    %dma_start3A_45 = arith.constant 0 : i32
    %dma_start3A_46 = arith.constant 0 : i32
    %dma_start3A_47 = tpu.memref_slice %arg7[%dma_start3A_45, %dma_start3A_46] : memref<128x32xf32, #tpu.memory_space<vmem>> -> memref<120x32xf32, #tpu.memory_space<vmem>>
    tpu.enqueue_dma source(%dma_start3A_47 : memref<120x32xf32, #tpu.memory_space<vmem>>) target(%dma_start3A_44 : memref<120x32xf32, #tpu.memory_space<vmem_shared>>) target_semaphore(%arg41 : memref<!tpu.dma_semaphore, #tpu.memory_space<semaphore_mem>>)
    %add3A_48 = arith.constant 0 : i32
    %add3A_49 = arith.addi %mul3A_2, %add3A_48 : i32
    %dma_wait3A = arith.constant 0 : i32
    %dma_wait3A_50 = tpu.memref_slice %arg22[%add3A_49, %dma_wait3A] : memref<10112x32xf32, #tpu.memory_space<vmem_shared>> -> memref<128x32xf32, #tpu.memory_space<vmem_shared>>
    %dma_wait3A_51 = arith.constant 0 : i32
    %dma_wait3A_52 = tpu.memref_slice %arg22[%add3A_49, %dma_wait3A_51] : memref<10112x32xf32, #tpu.memory_space<vmem_shared>> -> memref<128x32xf32, #tpu.memory_space<vmem_shared>>
    tpu.wait_dma2 semaphore(%arg37 : memref<!tpu.dma_semaphore, #tpu.memory_space<semaphore_mem>>) src(%arg7 : memref<128x32xf32, #tpu.memory_space<vmem>>) dst(%dma_wait3A_52 : memref<128x32xf32, #tpu.memory_space<vmem_shared>>)
    %add3A_53 = arith.constant 128 : i32
    %add3A_54 = arith.addi %mul3A_2, %add3A_53 : i32
    %dma_wait3A_55 = arith.constant 0 : i32
    %dma_wait3A_56 = tpu.memref_slice %arg22[%add3A_54, %dma_wait3A_55] : memref<10112x32xf32, #tpu.memory_space<vmem_shared>> -> memref<128x32xf32, #tpu.memory_space<vmem_shared>>
    %dma_wait3A_57 = arith.constant 0 : i32
    %dma_wait3A_58 = tpu.memref_slice %arg22[%add3A_54, %dma_wait3A_57] : memref<10112x32xf32, #tpu.memory_space<vmem_shared>> -> memref<128x32xf32, #tpu.memory_space<vmem_shared>>
    tpu.wait_dma2 semaphore(%arg38 : memref<!tpu.dma_semaphore, #tpu.memory_space<semaphore_mem>>) src(%arg7 : memref<128x32xf32, #tpu.memory_space<vmem>>) dst(%dma_wait3A_58 : memref<128x32xf32, #tpu.memory_space<vmem_shared>>)
    %add3A_59 = arith.constant 256 : i32
    %add3A_60 = arith.addi %mul3A_2, %add3A_59 : i32
    %dma_wait3A_61 = arith.constant 0 : i32
    %dma_wait3A_62 = tpu.memref_slice %arg22[%add3A_60, %dma_wait3A_61] : memref<10112x32xf32, #tpu.memory_space<vmem_shared>> -> memref<128x32xf32, #tpu.memory_space<vmem_shared>>
    %dma_wait3A_63 = arith.constant 0 : i32
    %dma_wait3A_64 = tpu.memref_slice %arg22[%add3A_60, %dma_wait3A_63] : memref<10112x32xf32, #tpu.memory_space<vmem_shared>> -> memref<128x32xf32, #tpu.memory_space<vmem_shared>>
    tpu.wait_dma2 semaphore(%arg39 : memref<!tpu.dma_semaphore, #tpu.memory_space<semaphore_mem>>) src(%arg7 : memref<128x32xf32, #tpu.memory_space<vmem>>) dst(%dma_wait3A_64 : memref<128x32xf32, #tpu.memory_space<vmem_shared>>)
    %add3A_65 = arith.constant 384 : i32
    %add3A_66 = arith.addi %mul3A_2, %add3A_65 : i32
    %dma_wait3A_67 = arith.constant 0 : i32
    %dma_wait3A_68 = tpu.memref_slice %arg22[%add3A_66, %dma_wait3A_67] : memref<10112x32xf32, #tpu.memory_space<vmem_shared>> -> memref<128x32xf32, #tpu.memory_space<vmem_shared>>
    %dma_wait3A_69 = arith.constant 0 : i32
    %dma_wait3A_70 = tpu.memref_slice %arg22[%add3A_66, %dma_wait3A_69] : memref<10112x32xf32, #tpu.memory_space<vmem_shared>> -> memref<128x32xf32, #tpu.memory_space<vmem_shared>>
    tpu.wait_dma2 semaphore(%arg40 : memref<!tpu.dma_semaphore, #tpu.memory_space<semaphore_mem>>) src(%arg7 : memref<128x32xf32, #tpu.memory_space<vmem>>) dst(%dma_wait3A_70 : memref<128x32xf32, #tpu.memory_space<vmem_shared>>)
    %add3A_71 = arith.constant 512 : i32
    %add3A_72 = arith.addi %mul3A_2, %add3A_71 : i32
    %dma_wait3A_73 = arith.constant 0 : i32
    %dma_wait3A_74 = arith.constant 0 : i32
    %dma_wait3A_75 = tpu.memref_slice %arg7[%dma_wait3A_73, %dma_wait3A_74] : memref<128x32xf32, #tpu.memory_space<vmem>> -> memref<120x32xf32, #tpu.memory_space<vmem>>
    %dma_wait3A_76 = arith.constant 0 : i32
    %dma_wait3A_77 = tpu.memref_slice %arg22[%add3A_72, %dma_wait3A_76] : memref<10112x32xf32, #tpu.memory_space<vmem_shared>> -> memref<120x32xf32, #tpu.memory_space<vmem_shared>>
    %dma_wait3A_78 = arith.constant 0 : i32
    %dma_wait3A_79 = tpu.memref_slice %arg22[%add3A_72, %dma_wait3A_78] : memref<10112x32xf32, #tpu.memory_space<vmem_shared>> -> memref<120x32xf32, #tpu.memory_space<vmem_shared>>
    %dma_wait3A_80 = arith.constant 0 : i32
    %dma_wait3A_81 = arith.constant 0 : i32
    %dma_wait3A_82 = tpu.memref_slice %arg7[%dma_wait3A_80, %dma_wait3A_81] : memref<128x32xf32, #tpu.memory_space<vmem>> -> memref<120x32xf32, #tpu.memory_space<vmem>>
    tpu.wait_dma2 semaphore(%arg41 : memref<!tpu.dma_semaphore, #tpu.memory_space<semaphore_mem>>) src(%dma_wait3A_82 : memref<120x32xf32, #tpu.memory_space<vmem>>) dst(%dma_wait3A_79 : memref<120x32xf32, #tpu.memory_space<vmem_shared>>)
    %dma_wait3A_83 = arith.constant 0 : i32
    %dma_wait3A_84 = tpu.memref_slice %arg23[%mul3A_2, %dma_wait3A_83] : memref<10112x32xf32, #tpu.memory_space<vmem_shared>> -> memref<632x32xf32, #tpu.memory_space<vmem_shared>>
    %dma_wait3A_85 = arith.constant 0 : i32
    %dma_wait3A_86 = tpu.memref_slice %arg2[%mul3A_2, %dma_wait3A_85] : memref<10112x128xf32, #tpu.memory_space<hbm>> -> memref<632x32xf32, #tpu.memory_space<hbm>>
    tpu.wait_dma2 semaphore(%arg24 : memref<!tpu.dma_semaphore, #tpu.memory_space<semaphore_mem>>) src(%dma_wait3A_86 : memref<632x32xf32, #tpu.memory_space<hbm>>) dst(%dma_wait3A_84 : memref<632x32xf32, #tpu.memory_space<vmem_shared>>)
    %barrier3A = arith.constant 0 : index
    tpu.barrier barrier_id(%barrier3A)
    %mul3A_87 = arith.constant 78 : i32
    %mul3A_88 = arith.muli %add3A, %mul3A_87 : i32
    %run_scoped3A = arith.constant 0 : i32
    "tpu.region"() ({
      %run_scoped3A_235 = tpu.sem_alloc : memref<!tpu.dma_semaphore, #tpu.memory_space<semaphore_mem>>
      %dma_start3A_236 = arith.constant 0 : i32
      %dma_start3A_237 = tpu.memref_slice %arg3[%run_scoped3A, %mul3A_88, %dma_start3A_236] : memref<2x2500x128xi32, #tpu.memory_space<hbm>> -> memref<1x78x128xi32, #tpu.memory_space<hbm>>
      %dma_start3A_238 = tpu.memref_squeeze %dma_start3A_237 : memref<1x78x128xi32, #tpu.memory_space<hbm>> -> memref<78x128xi32, #tpu.memory_space<hbm>>
      %dma_start3A_239 = arith.constant 0 : i32
      %dma_start3A_240 = tpu.memref_slice %arg3[%run_scoped3A, %mul3A_88, %dma_start3A_239] : memref<2x2500x128xi32, #tpu.memory_space<hbm>> -> memref<1x78x128xi32, #tpu.memory_space<hbm>>
      %dma_start3A_241 = tpu.memref_squeeze %dma_start3A_240 : memref<1x78x128xi32, #tpu.memory_space<hbm>> -> memref<78x128xi32, #tpu.memory_space<hbm>>
      tpu.enqueue_dma source(%dma_start3A_241 : memref<78x128xi32, #tpu.memory_space<hbm>>) target(%arg5 : memref<78x128xi32, #tpu.memory_space<vmem>>) target_semaphore(%run_scoped3A_235 : memref<!tpu.dma_semaphore, #tpu.memory_space<semaphore_mem>>)
      %dma_wait3A_242 = arith.constant 0 : i32
      %dma_wait3A_243 = tpu.memref_slice %arg3[%run_scoped3A, %mul3A_88, %dma_wait3A_242] : memref<2x2500x128xi32, #tpu.memory_space<hbm>> -> memref<1x78x128xi32, #tpu.memory_space<hbm>>
      %dma_wait3A_244 = tpu.memref_squeeze %dma_wait3A_243 : memref<1x78x128xi32, #tpu.memory_space<hbm>> -> memref<78x128xi32, #tpu.memory_space<hbm>>
      %dma_wait3A_245 = arith.constant 0 : i32
      %dma_wait3A_246 = tpu.memref_slice %arg3[%run_scoped3A, %mul3A_88, %dma_wait3A_245] : memref<2x2500x128xi32, #tpu.memory_space<hbm>> -> memref<1x78x128xi32, #tpu.memory_space<hbm>>
      %dma_wait3A_247 = tpu.memref_squeeze %dma_wait3A_246 : memref<1x78x128xi32, #tpu.memory_space<hbm>> -> memref<78x128xi32, #tpu.memory_space<hbm>>
      tpu.wait_dma2 semaphore(%run_scoped3A_235 : memref<!tpu.dma_semaphore, #tpu.memory_space<semaphore_mem>>) src(%dma_wait3A_247 : memref<78x128xi32, #tpu.memory_space<hbm>>) dst(%arg5 : memref<78x128xi32, #tpu.memory_space<vmem>>)
      tpu.yield
    }) : () -> ()
    %mul3A_89 = arith.constant 78 : i32
    %mul3A_90 = arith.muli %add3A, %mul3A_89 : i32
    %run_scoped3A_91 = arith.constant 1 : i32
    "tpu.region"() ({
      %run_scoped3A_235 = tpu.sem_alloc : memref<!tpu.dma_semaphore, #tpu.memory_space<semaphore_mem>>
      %dma_start3A_236 = arith.constant 0 : i32
      %dma_start3A_237 = tpu.memref_slice %arg3[%run_scoped3A_91, %mul3A_90, %dma_start3A_236] : memref<2x2500x128xi32, #tpu.memory_space<hbm>> -> memref<1x78x128xi32, #tpu.memory_space<hbm>>
      %dma_start3A_238 = tpu.memref_squeeze %dma_start3A_237 : memref<1x78x128xi32, #tpu.memory_space<hbm>> -> memref<78x128xi32, #tpu.memory_space<hbm>>
      %dma_start3A_239 = arith.constant 0 : i32
      %dma_start3A_240 = tpu.memref_slice %arg3[%run_scoped3A_91, %mul3A_90, %dma_start3A_239] : memref<2x2500x128xi32, #tpu.memory_space<hbm>> -> memref<1x78x128xi32, #tpu.memory_space<hbm>>
      %dma_start3A_241 = tpu.memref_squeeze %dma_start3A_240 : memref<1x78x128xi32, #tpu.memory_space<hbm>> -> memref<78x128xi32, #tpu.memory_space<hbm>>
      tpu.enqueue_dma source(%dma_start3A_241 : memref<78x128xi32, #tpu.memory_space<hbm>>) target(%arg6 : memref<78x128xi32, #tpu.memory_space<vmem>>) target_semaphore(%run_scoped3A_235 : memref<!tpu.dma_semaphore, #tpu.memory_space<semaphore_mem>>)
      %dma_wait3A_242 = arith.constant 0 : i32
      %dma_wait3A_243 = tpu.memref_slice %arg3[%run_scoped3A_91, %mul3A_90, %dma_wait3A_242] : memref<2x2500x128xi32, #tpu.memory_space<hbm>> -> memref<1x78x128xi32, #tpu.memory_space<hbm>>
      %dma_wait3A_244 = tpu.memref_squeeze %dma_wait3A_243 : memref<1x78x128xi32, #tpu.memory_space<hbm>> -> memref<78x128xi32, #tpu.memory_space<hbm>>
      %dma_wait3A_245 = arith.constant 0 : i32
      %dma_wait3A_246 = tpu.memref_slice %arg3[%run_scoped3A_91, %mul3A_90, %dma_wait3A_245] : memref<2x2500x128xi32, #tpu.memory_space<hbm>> -> memref<1x78x128xi32, #tpu.memory_space<hbm>>
      %dma_wait3A_247 = tpu.memref_squeeze %dma_wait3A_246 : memref<1x78x128xi32, #tpu.memory_space<hbm>> -> memref<78x128xi32, #tpu.memory_space<hbm>>
      tpu.wait_dma2 semaphore(%run_scoped3A_235 : memref<!tpu.dma_semaphore, #tpu.memory_space<semaphore_mem>>) src(%dma_wait3A_247 : memref<78x128xi32, #tpu.memory_space<hbm>>) dst(%arg6 : memref<78x128xi32, #tpu.memory_space<vmem>>)
      tpu.yield
    }) : () -> ()
    %dma_start3A_92 = arith.constant 0 : i32
    %dma_start3A_93 = arith.constant 0 : i32
    %dma_start3A_94 = tpu.memref_slice %arg5[%dma_start3A_92, %dma_start3A_93] : memref<78x128xi32, #tpu.memory_space<vmem>> -> memref<1x128xi32, #tpu.memory_space<vmem>>
    %dma_start3A_95 = tpu.memref_squeeze %dma_start3A_94 : memref<1x128xi32, #tpu.memory_space<vmem>> -> memref<128xi32, #tpu.memory_space<vmem>>
    %dma_start3A_96 = arith.constant 0 : i32
    %dma_start3A_97 = arith.constant 0 : i32
    %dma_start3A_98 = tpu.memref_slice %arg23[%dma_start3A_96, %dma_start3A_97] : memref<10112x32xf32, #tpu.memory_space<vmem_shared>> -> memref<10112x32xf32, #tpu.memory_space<vmem_shared>>
    tpu.enqueue_indirect_dma source(%dma_start3A_98 : memref<10112x32xf32, #tpu.memory_space<vmem_shared>>) target(%arg7 : memref<128x32xf32, #tpu.memory_space<vmem>>) offsets(%dma_start3A_95 : memref<128xi32, #tpu.memory_space<vmem>>) semaphore(%arg24 : memref<!tpu.dma_semaphore, #tpu.memory_space<semaphore_mem>>)
    %dma_start3A_99 = arith.constant 1 : i32
    %dma_start3A_100 = arith.constant 0 : i32
    %dma_start3A_101 = tpu.memref_slice %arg5[%dma_start3A_99, %dma_start3A_100] : memref<78x128xi32, #tpu.memory_space<vmem>> -> memref<1x128xi32, #tpu.memory_space<vmem>>
    %dma_start3A_102 = tpu.memref_squeeze %dma_start3A_101 : memref<1x128xi32, #tpu.memory_space<vmem>> -> memref<128xi32, #tpu.memory_space<vmem>>
    %dma_start3A_103 = arith.constant 0 : i32
    %dma_start3A_104 = arith.constant 0 : i32
    %dma_start3A_105 = tpu.memref_slice %arg23[%dma_start3A_103, %dma_start3A_104] : memref<10112x32xf32, #tpu.memory_space<vmem_shared>> -> memref<10112x32xf32, #tpu.memory_space<vmem_shared>>
    tpu.enqueue_indirect_dma source(%dma_start3A_105 : memref<10112x32xf32, #tpu.memory_space<vmem_shared>>) target(%arg8 : memref<128x32xf32, #tpu.memory_space<vmem>>) offsets(%dma_start3A_102 : memref<128xi32, #tpu.memory_space<vmem>>) semaphore(%arg25 : memref<!tpu.dma_semaphore, #tpu.memory_space<semaphore_mem>>)
    %dma_start3A_106 = arith.constant 2 : i32
    %dma_start3A_107 = arith.constant 0 : i32
    %dma_start3A_108 = tpu.memref_slice %arg5[%dma_start3A_106, %dma_start3A_107] : memref<78x128xi32, #tpu.memory_space<vmem>> -> memref<1x128xi32, #tpu.memory_space<vmem>>
    %dma_start3A_109 = tpu.memref_squeeze %dma_start3A_108 : memref<1x128xi32, #tpu.memory_space<vmem>> -> memref<128xi32, #tpu.memory_space<vmem>>
    %dma_start3A_110 = arith.constant 0 : i32
    %dma_start3A_111 = arith.constant 0 : i32
    %dma_start3A_112 = tpu.memref_slice %arg23[%dma_start3A_110, %dma_start3A_111] : memref<10112x32xf32, #tpu.memory_space<vmem_shared>> -> memref<10112x32xf32, #tpu.memory_space<vmem_shared>>
    tpu.enqueue_indirect_dma source(%dma_start3A_112 : memref<10112x32xf32, #tpu.memory_space<vmem_shared>>) target(%arg9 : memref<128x32xf32, #tpu.memory_space<vmem>>) offsets(%dma_start3A_109 : memref<128xi32, #tpu.memory_space<vmem>>) semaphore(%arg26 : memref<!tpu.dma_semaphore, #tpu.memory_space<semaphore_mem>>)
    %dma_start3A_113 = arith.constant 3 : i32
    %dma_start3A_114 = arith.constant 0 : i32
    %dma_start3A_115 = tpu.memref_slice %arg5[%dma_start3A_113, %dma_start3A_114] : memref<78x128xi32, #tpu.memory_space<vmem>> -> memref<1x128xi32, #tpu.memory_space<vmem>>
    %dma_start3A_116 = tpu.memref_squeeze %dma_start3A_115 : memref<1x128xi32, #tpu.memory_space<vmem>> -> memref<128xi32, #tpu.memory_space<vmem>>
    %dma_start3A_117 = arith.constant 0 : i32
    %dma_start3A_118 = arith.constant 0 : i32
    %dma_start3A_119 = tpu.memref_slice %arg23[%dma_start3A_117, %dma_start3A_118] : memref<10112x32xf32, #tpu.memory_space<vmem_shared>> -> memref<10112x32xf32, #tpu.memory_space<vmem_shared>>
    tpu.enqueue_indirect_dma source(%dma_start3A_119 : memref<10112x32xf32, #tpu.memory_space<vmem_shared>>) target(%arg10 : memref<128x32xf32, #tpu.memory_space<vmem>>) offsets(%dma_start3A_116 : memref<128xi32, #tpu.memory_space<vmem>>) semaphore(%arg27 : memref<!tpu.dma_semaphore, #tpu.memory_space<semaphore_mem>>)
    %dma_start3A_120 = arith.constant 4 : i32
    %dma_start3A_121 = arith.constant 0 : i32
    %dma_start3A_122 = tpu.memref_slice %arg5[%dma_start3A_120, %dma_start3A_121] : memref<78x128xi32, #tpu.memory_space<vmem>> -> memref<1x128xi32, #tpu.memory_space<vmem>>
    %dma_start3A_123 = tpu.memref_squeeze %dma_start3A_122 : memref<1x128xi32, #tpu.memory_space<vmem>> -> memref<128xi32, #tpu.memory_space<vmem>>
    %dma_start3A_124 = arith.constant 0 : i32
    %dma_start3A_125 = arith.constant 0 : i32
    %dma_start3A_126 = tpu.memref_slice %arg23[%dma_start3A_124, %dma_start3A_125] : memref<10112x32xf32, #tpu.memory_space<vmem_shared>> -> memref<10112x32xf32, #tpu.memory_space<vmem_shared>>
    tpu.enqueue_indirect_dma source(%dma_start3A_126 : memref<10112x32xf32, #tpu.memory_space<vmem_shared>>) target(%arg11 : memref<128x32xf32, #tpu.memory_space<vmem>>) offsets(%dma_start3A_123 : memref<128xi32, #tpu.memory_space<vmem>>) semaphore(%arg28 : memref<!tpu.dma_semaphore, #tpu.memory_space<semaphore_mem>>)
    %dma_start3A_127 = arith.constant 5 : i32
    %dma_start3A_128 = arith.constant 0 : i32
    %dma_start3A_129 = tpu.memref_slice %arg5[%dma_start3A_127, %dma_start3A_128] : memref<78x128xi32, #tpu.memory_space<vmem>> -> memref<1x128xi32, #tpu.memory_space<vmem>>
    %dma_start3A_130 = tpu.memref_squeeze %dma_start3A_129 : memref<1x128xi32, #tpu.memory_space<vmem>> -> memref<128xi32, #tpu.memory_space<vmem>>
    %dma_start3A_131 = arith.constant 0 : i32
    %dma_start3A_132 = arith.constant 0 : i32
    %dma_start3A_133 = tpu.memref_slice %arg23[%dma_start3A_131, %dma_start3A_132] : memref<10112x32xf32, #tpu.memory_space<vmem_shared>> -> memref<10112x32xf32, #tpu.memory_space<vmem_shared>>
    tpu.enqueue_indirect_dma source(%dma_start3A_133 : memref<10112x32xf32, #tpu.memory_space<vmem_shared>>) target(%arg12 : memref<128x32xf32, #tpu.memory_space<vmem>>) offsets(%dma_start3A_130 : memref<128xi32, #tpu.memory_space<vmem>>) semaphore(%arg29 : memref<!tpu.dma_semaphore, #tpu.memory_space<semaphore_mem>>)
    %scan3A_134 = arith.constant 0 : i32
    %scan3A_135 = arith.constant 0 : i32
    %scan3A_136 = arith.constant 6 : i32
    %scan3A_137 = arith.addi %scan3A_135, %scan3A_136 : i32
    %scan3A_138 = arith.constant 1 : i32
    %scan3A_139 = scf.for %scan3A_235 = %scan3A_135 to %scan3A_137 step %scan3A_138 iter_args(%scan3A_236 = %scan3A_134) -> (i32)  : i32 {
      %mul3A_237 = arith.constant 13 : i32
      %mul3A_238 = arith.muli %scan3A_235, %mul3A_237 : i32
      %add3A_239 = arith.constant 0 : i32
      %add3A_240 = arith.addi %mul3A_238, %add3A_239 : i32
      %dma_wait3A_241 = arith.constant 0 : i32
      %dma_wait3A_242 = tpu.memref_slice %arg5[%add3A_240, %dma_wait3A_241] : memref<78x128xi32, #tpu.memory_space<vmem>> -> memref<1x128xi32, #tpu.memory_space<vmem>>
      %dma_wait3A_243 = tpu.memref_squeeze %dma_wait3A_242 : memref<1x128xi32, #tpu.memory_space<vmem>> -> memref<128xi32, #tpu.memory_space<vmem>>
      %dma_wait3A_244 = arith.constant 0 : i32
      %dma_wait3A_245 = arith.constant 0 : i32
      %dma_wait3A_246 = tpu.memref_slice %arg23[%dma_wait3A_244, %dma_wait3A_245] : memref<10112x32xf32, #tpu.memory_space<vmem_shared>> -> memref<10112x32xf32, #tpu.memory_space<vmem_shared>>
      tpu.wait_indirect_dma semaphore(%arg24 : memref<!tpu.dma_semaphore, #tpu.memory_space<semaphore_mem>>) src(%dma_wait3A_246 : memref<10112x32xf32, #tpu.memory_space<vmem_shared>>) dst(%arg7 : memref<128x32xf32, #tpu.memory_space<vmem>>)
      %dma_start3A_247 = arith.constant 0 : i32
      %dma_start3A_248 = tpu.memref_slice %arg6[%add3A_240, %dma_start3A_247] : memref<78x128xi32, #tpu.memory_space<vmem>> -> memref<1x128xi32, #tpu.memory_space<vmem>>
      %dma_start3A_249 = tpu.memref_squeeze %dma_start3A_248 : memref<1x128xi32, #tpu.memory_space<vmem>> -> memref<128xi32, #tpu.memory_space<vmem>>
      %dma_start3A_250 = arith.constant 0 : i32
      %dma_start3A_251 = arith.constant 0 : i32
      %dma_start3A_252 = tpu.memref_slice %arg22[%dma_start3A_250, %dma_start3A_251] : memref<10112x32xf32, #tpu.memory_space<vmem_shared>> -> memref<10112x32xf32, #tpu.memory_space<vmem_shared>>
      tpu.enqueue_indirect_dma source(%arg7 : memref<128x32xf32, #tpu.memory_space<vmem>>) target(%dma_start3A_252 : memref<10112x32xf32, #tpu.memory_space<vmem_shared>>) offsets(%dma_start3A_249 : memref<128xi32, #tpu.memory_space<vmem>>) semaphore(%arg37 : memref<!tpu.dma_semaphore, #tpu.memory_space<semaphore_mem>>) {add = true}
      %add3A_253 = arith.constant 6 : i32
      %add3A_254 = arith.addi %add3A_240, %add3A_253 : i32
      %sub3A = arith.constant 13 : i32
      %sub3A_255 = arith.subi %add3A_254, %sub3A : i32
      %lt3A_256 = arith.constant 78 : i32
      %lt3A_257 = arith.cmpi slt, %add3A_254, %lt3A_256 : i32
      %convert_element_type3A_258 = arith.extui %lt3A_257 : i1 to i32
      %cond3A_259 = arith.constant 0 : i32
      %cond3A_260 = arith.cmpi ne, %convert_element_type3A_258, %cond3A_259 : i32
      scf.if %cond3A_260 {
        %ge3A = arith.constant 0 : i32
        %ge3A_538 = arith.cmpi sge, %sub3A_255, %ge3A : i32
        %convert_element_type3A_539 = arith.extui %ge3A_538 : i1 to i32
        %cond3A_540 = arith.constant 0 : i32
        %cond3A_541 = arith.cmpi ne, %convert_element_type3A_539, %cond3A_540 : i32
        scf.if %cond3A_541 {
          %dma_wait3A_548 = arith.constant 0 : i32
          %dma_wait3A_549 = tpu.memref_slice %arg6[%sub3A_255, %dma_wait3A_548] : memref<78x128xi32, #tpu.memory_space<vmem>> -> memref<1x128xi32, #tpu.memory_space<vmem>>
          %dma_wait3A_550 = tpu.memref_squeeze %dma_wait3A_549 : memref<1x128xi32, #tpu.memory_space<vmem>> -> memref<128xi32, #tpu.memory_space<vmem>>
          %dma_wait3A_551 = arith.constant 0 : i32
          %dma_wait3A_552 = arith.constant 0 : i32
          %dma_wait3A_553 = tpu.memref_slice %arg22[%dma_wait3A_551, %dma_wait3A_552] : memref<10112x32xf32, #tpu.memory_space<vmem_shared>> -> memref<10112x32xf32, #tpu.memory_space<vmem_shared>>
          tpu.wait_indirect_dma semaphore(%arg43 : memref<!tpu.dma_semaphore, #tpu.memory_space<semaphore_mem>>) src(%arg13 : memref<128x32xf32, #tpu.memory_space<vmem>>) dst(%dma_wait3A_553 : memref<10112x32xf32, #tpu.memory_space<vmem_shared>>)
        } else {
        }
        %dma_start3A_542 = arith.constant 0 : i32
        %dma_start3A_543 = tpu.memref_slice %arg5[%add3A_254, %dma_start3A_542] : memref<78x128xi32, #tpu.memory_space<vmem>> -> memref<1x128xi32, #tpu.memory_space<vmem>>
        %dma_start3A_544 = tpu.memref_squeeze %dma_start3A_543 : memref<1x128xi32, #tpu.memory_space<vmem>> -> memref<128xi32, #tpu.memory_space<vmem>>
        %dma_start3A_545 = arith.constant 0 : i32
        %dma_start3A_546 = arith.constant 0 : i32
        %dma_start3A_547 = tpu.memref_slice %arg23[%dma_start3A_545, %dma_start3A_546] : memref<10112x32xf32, #tpu.memory_space<vmem_shared>> -> memref<10112x32xf32, #tpu.memory_space<vmem_shared>>
        tpu.enqueue_indirect_dma source(%dma_start3A_547 : memref<10112x32xf32, #tpu.memory_space<vmem_shared>>) target(%arg13 : memref<128x32xf32, #tpu.memory_space<vmem>>) offsets(%dma_start3A_544 : memref<128xi32, #tpu.memory_space<vmem>>) semaphore(%arg30 : memref<!tpu.dma_semaphore, #tpu.memory_space<semaphore_mem>>)
      } else {
      }
      %add3A_261 = arith.constant 1 : i32
      %add3A_262 = arith.addi %mul3A_238, %add3A_261 : i32
      %dma_wait3A_263 = arith.constant 0 : i32
      %dma_wait3A_264 = tpu.memref_slice %arg5[%add3A_262, %dma_wait3A_263] : memref<78x128xi32, #tpu.memory_space<vmem>> -> memref<1x128xi32, #tpu.memory_space<vmem>>
      %dma_wait3A_265 = tpu.memref_squeeze %dma_wait3A_264 : memref<1x128xi32, #tpu.memory_space<vmem>> -> memref<128xi32, #tpu.memory_space<vmem>>
      %dma_wait3A_266 = arith.constant 0 : i32
      %dma_wait3A_267 = arith.constant 0 : i32
      %dma_wait3A_268 = tpu.memref_slice %arg23[%dma_wait3A_266, %dma_wait3A_267] : memref<10112x32xf32, #tpu.memory_space<vmem_shared>> -> memref<10112x32xf32, #tpu.memory_space<vmem_shared>>
      tpu.wait_indirect_dma semaphore(%arg25 : memref<!tpu.dma_semaphore, #tpu.memory_space<semaphore_mem>>) src(%dma_wait3A_268 : memref<10112x32xf32, #tpu.memory_space<vmem_shared>>) dst(%arg8 : memref<128x32xf32, #tpu.memory_space<vmem>>)
      %dma_start3A_269 = arith.constant 0 : i32
      %dma_start3A_270 = tpu.memref_slice %arg6[%add3A_262, %dma_start3A_269] : memref<78x128xi32, #tpu.memory_space<vmem>> -> memref<1x128xi32, #tpu.memory_space<vmem>>
      %dma_start3A_271 = tpu.memref_squeeze %dma_start3A_270 : memref<1x128xi32, #tpu.memory_space<vmem>> -> memref<128xi32, #tpu.memory_space<vmem>>
      %dma_start3A_272 = arith.constant 0 : i32
      %dma_start3A_273 = arith.constant 0 : i32
      %dma_start3A_274 = tpu.memref_slice %arg22[%dma_start3A_272, %dma_start3A_273] : memref<10112x32xf32, #tpu.memory_space<vmem_shared>> -> memref<10112x32xf32, #tpu.memory_space<vmem_shared>>
      tpu.enqueue_indirect_dma source(%arg8 : memref<128x32xf32, #tpu.memory_space<vmem>>) target(%dma_start3A_274 : memref<10112x32xf32, #tpu.memory_space<vmem_shared>>) offsets(%dma_start3A_271 : memref<128xi32, #tpu.memory_space<vmem>>) semaphore(%arg38 : memref<!tpu.dma_semaphore, #tpu.memory_space<semaphore_mem>>) {add = true}
      %add3A_275 = arith.constant 6 : i32
      %add3A_276 = arith.addi %add3A_262, %add3A_275 : i32
      %sub3A_277 = arith.constant 13 : i32
      %sub3A_278 = arith.subi %add3A_276, %sub3A_277 : i32
      %lt3A_279 = arith.constant 78 : i32
      %lt3A_280 = arith.cmpi slt, %add3A_276, %lt3A_279 : i32
      %convert_element_type3A_281 = arith.extui %lt3A_280 : i1 to i32
      %cond3A_282 = arith.constant 0 : i32
      %cond3A_283 = arith.cmpi ne, %convert_element_type3A_281, %cond3A_282 : i32
      scf.if %cond3A_283 {
        %ge3A = arith.constant 0 : i32
        %ge3A_538 = arith.cmpi sge, %sub3A_278, %ge3A : i32
        %convert_element_type3A_539 = arith.extui %ge3A_538 : i1 to i32
        %cond3A_540 = arith.constant 0 : i32
        %cond3A_541 = arith.cmpi ne, %convert_element_type3A_539, %cond3A_540 : i32
        scf.if %cond3A_541 {
          %dma_wait3A_548 = arith.constant 0 : i32
          %dma_wait3A_549 = tpu.memref_slice %arg6[%sub3A_278, %dma_wait3A_548] : memref<78x128xi32, #tpu.memory_space<vmem>> -> memref<1x128xi32, #tpu.memory_space<vmem>>
          %dma_wait3A_550 = tpu.memref_squeeze %dma_wait3A_549 : memref<1x128xi32, #tpu.memory_space<vmem>> -> memref<128xi32, #tpu.memory_space<vmem>>
          %dma_wait3A_551 = arith.constant 0 : i32
          %dma_wait3A_552 = arith.constant 0 : i32
          %dma_wait3A_553 = tpu.memref_slice %arg22[%dma_wait3A_551, %dma_wait3A_552] : memref<10112x32xf32, #tpu.memory_space<vmem_shared>> -> memref<10112x32xf32, #tpu.memory_space<vmem_shared>>
          tpu.wait_indirect_dma semaphore(%arg44 : memref<!tpu.dma_semaphore, #tpu.memory_space<semaphore_mem>>) src(%arg14 : memref<128x32xf32, #tpu.memory_space<vmem>>) dst(%dma_wait3A_553 : memref<10112x32xf32, #tpu.memory_space<vmem_shared>>)
        } else {
        }
        %dma_start3A_542 = arith.constant 0 : i32
        %dma_start3A_543 = tpu.memref_slice %arg5[%add3A_276, %dma_start3A_542] : memref<78x128xi32, #tpu.memory_space<vmem>> -> memref<1x128xi32, #tpu.memory_space<vmem>>
        %dma_start3A_544 = tpu.memref_squeeze %dma_start3A_543 : memref<1x128xi32, #tpu.memory_space<vmem>> -> memref<128xi32, #tpu.memory_space<vmem>>
        %dma_start3A_545 = arith.constant 0 : i32
        %dma_start3A_546 = arith.constant 0 : i32
        %dma_start3A_547 = tpu.memref_slice %arg23[%dma_start3A_545, %dma_start3A_546] : memref<10112x32xf32, #tpu.memory_space<vmem_shared>> -> memref<10112x32xf32, #tpu.memory_space<vmem_shared>>
        tpu.enqueue_indirect_dma source(%dma_start3A_547 : memref<10112x32xf32, #tpu.memory_space<vmem_shared>>) target(%arg14 : memref<128x32xf32, #tpu.memory_space<vmem>>) offsets(%dma_start3A_544 : memref<128xi32, #tpu.memory_space<vmem>>) semaphore(%arg31 : memref<!tpu.dma_semaphore, #tpu.memory_space<semaphore_mem>>)
      } else {
      }
      %add3A_284 = arith.constant 2 : i32
      %add3A_285 = arith.addi %mul3A_238, %add3A_284 : i32
      %dma_wait3A_286 = arith.constant 0 : i32
      %dma_wait3A_287 = tpu.memref_slice %arg5[%add3A_285, %dma_wait3A_286] : memref<78x128xi32, #tpu.memory_space<vmem>> -> memref<1x128xi32, #tpu.memory_space<vmem>>
      %dma_wait3A_288 = tpu.memref_squeeze %dma_wait3A_287 : memref<1x128xi32, #tpu.memory_space<vmem>> -> memref<128xi32, #tpu.memory_space<vmem>>
      %dma_wait3A_289 = arith.constant 0 : i32
      %dma_wait3A_290 = arith.constant 0 : i32
      %dma_wait3A_291 = tpu.memref_slice %arg23[%dma_wait3A_289, %dma_wait3A_290] : memref<10112x32xf32, #tpu.memory_space<vmem_shared>> -> memref<10112x32xf32, #tpu.memory_space<vmem_shared>>
      tpu.wait_indirect_dma semaphore(%arg26 : memref<!tpu.dma_semaphore, #tpu.memory_space<semaphore_mem>>) src(%dma_wait3A_291 : memref<10112x32xf32, #tpu.memory_space<vmem_shared>>) dst(%arg9 : memref<128x32xf32, #tpu.memory_space<vmem>>)
      %dma_start3A_292 = arith.constant 0 : i32
      %dma_start3A_293 = tpu.memref_slice %arg6[%add3A_285, %dma_start3A_292] : memref<78x128xi32, #tpu.memory_space<vmem>> -> memref<1x128xi32, #tpu.memory_space<vmem>>
      %dma_start3A_294 = tpu.memref_squeeze %dma_start3A_293 : memref<1x128xi32, #tpu.memory_space<vmem>> -> memref<128xi32, #tpu.memory_space<vmem>>
      %dma_start3A_295 = arith.constant 0 : i32
      %dma_start3A_296 = arith.constant 0 : i32
      %dma_start3A_297 = tpu.memref_slice %arg22[%dma_start3A_295, %dma_start3A_296] : memref<10112x32xf32, #tpu.memory_space<vmem_shared>> -> memref<10112x32xf32, #tpu.memory_space<vmem_shared>>
      tpu.enqueue_indirect_dma source(%arg9 : memref<128x32xf32, #tpu.memory_space<vmem>>) target(%dma_start3A_297 : memref<10112x32xf32, #tpu.memory_space<vmem_shared>>) offsets(%dma_start3A_294 : memref<128xi32, #tpu.memory_space<vmem>>) semaphore(%arg39 : memref<!tpu.dma_semaphore, #tpu.memory_space<semaphore_mem>>) {add = true}
      %add3A_298 = arith.constant 6 : i32
      %add3A_299 = arith.addi %add3A_285, %add3A_298 : i32
      %sub3A_300 = arith.constant 13 : i32
      %sub3A_301 = arith.subi %add3A_299, %sub3A_300 : i32
      %lt3A_302 = arith.constant 78 : i32
      %lt3A_303 = arith.cmpi slt, %add3A_299, %lt3A_302 : i32
      %convert_element_type3A_304 = arith.extui %lt3A_303 : i1 to i32
      %cond3A_305 = arith.constant 0 : i32
      %cond3A_306 = arith.cmpi ne, %convert_element_type3A_304, %cond3A_305 : i32
      scf.if %cond3A_306 {
        %ge3A = arith.constant 0 : i32
        %ge3A_538 = arith.cmpi sge, %sub3A_301, %ge3A : i32
        %convert_element_type3A_539 = arith.extui %ge3A_538 : i1 to i32
        %cond3A_540 = arith.constant 0 : i32
        %cond3A_541 = arith.cmpi ne, %convert_element_type3A_539, %cond3A_540 : i32
        scf.if %cond3A_541 {
          %dma_wait3A_548 = arith.constant 0 : i32
          %dma_wait3A_549 = tpu.memref_slice %arg6[%sub3A_301, %dma_wait3A_548] : memref<78x128xi32, #tpu.memory_space<vmem>> -> memref<1x128xi32, #tpu.memory_space<vmem>>
          %dma_wait3A_550 = tpu.memref_squeeze %dma_wait3A_549 : memref<1x128xi32, #tpu.memory_space<vmem>> -> memref<128xi32, #tpu.memory_space<vmem>>
          %dma_wait3A_551 = arith.constant 0 : i32
          %dma_wait3A_552 = arith.constant 0 : i32
          %dma_wait3A_553 = tpu.memref_slice %arg22[%dma_wait3A_551, %dma_wait3A_552] : memref<10112x32xf32, #tpu.memory_space<vmem_shared>> -> memref<10112x32xf32, #tpu.memory_space<vmem_shared>>
          tpu.wait_indirect_dma semaphore(%arg45 : memref<!tpu.dma_semaphore, #tpu.memory_space<semaphore_mem>>) src(%arg15 : memref<128x32xf32, #tpu.memory_space<vmem>>) dst(%dma_wait3A_553 : memref<10112x32xf32, #tpu.memory_space<vmem_shared>>)
        } else {
        }
        %dma_start3A_542 = arith.constant 0 : i32
        %dma_start3A_543 = tpu.memref_slice %arg5[%add3A_299, %dma_start3A_542] : memref<78x128xi32, #tpu.memory_space<vmem>> -> memref<1x128xi32, #tpu.memory_space<vmem>>
        %dma_start3A_544 = tpu.memref_squeeze %dma_start3A_543 : memref<1x128xi32, #tpu.memory_space<vmem>> -> memref<128xi32, #tpu.memory_space<vmem>>
        %dma_start3A_545 = arith.constant 0 : i32
        %dma_start3A_546 = arith.constant 0 : i32
        %dma_start3A_547 = tpu.memref_slice %arg23[%dma_start3A_545, %dma_start3A_546] : memref<10112x32xf32, #tpu.memory_space<vmem_shared>> -> memref<10112x32xf32, #tpu.memory_space<vmem_shared>>
        tpu.enqueue_indirect_dma source(%dma_start3A_547 : memref<10112x32xf32, #tpu.memory_space<vmem_shared>>) target(%arg15 : memref<128x32xf32, #tpu.memory_space<vmem>>) offsets(%dma_start3A_544 : memref<128xi32, #tpu.memory_space<vmem>>) semaphore(%arg32 : memref<!tpu.dma_semaphore, #tpu.memory_space<semaphore_mem>>)
      } else {
      }
      %add3A_307 = arith.constant 3 : i32
      %add3A_308 = arith.addi %mul3A_238, %add3A_307 : i32
      %dma_wait3A_309 = arith.constant 0 : i32
      %dma_wait3A_310 = tpu.memref_slice %arg5[%add3A_308, %dma_wait3A_309] : memref<78x128xi32, #tpu.memory_space<vmem>> -> memref<1x128xi32, #tpu.memory_space<vmem>>
      %dma_wait3A_311 = tpu.memref_squeeze %dma_wait3A_310 : memref<1x128xi32, #tpu.memory_space<vmem>> -> memref<128xi32, #tpu.memory_space<vmem>>
      %dma_wait3A_312 = arith.constant 0 : i32
      %dma_wait3A_313 = arith.constant 0 : i32
      %dma_wait3A_314 = tpu.memref_slice %arg23[%dma_wait3A_312, %dma_wait3A_313] : memref<10112x32xf32, #tpu.memory_space<vmem_shared>> -> memref<10112x32xf32, #tpu.memory_space<vmem_shared>>
      tpu.wait_indirect_dma semaphore(%arg27 : memref<!tpu.dma_semaphore, #tpu.memory_space<semaphore_mem>>) src(%dma_wait3A_314 : memref<10112x32xf32, #tpu.memory_space<vmem_shared>>) dst(%arg10 : memref<128x32xf32, #tpu.memory_space<vmem>>)
      %dma_start3A_315 = arith.constant 0 : i32
      %dma_start3A_316 = tpu.memref_slice %arg6[%add3A_308, %dma_start3A_315] : memref<78x128xi32, #tpu.memory_space<vmem>> -> memref<1x128xi32, #tpu.memory_space<vmem>>
      %dma_start3A_317 = tpu.memref_squeeze %dma_start3A_316 : memref<1x128xi32, #tpu.memory_space<vmem>> -> memref<128xi32, #tpu.memory_space<vmem>>
      %dma_start3A_318 = arith.constant 0 : i32
      %dma_start3A_319 = arith.constant 0 : i32
      %dma_start3A_320 = tpu.memref_slice %arg22[%dma_start3A_318, %dma_start3A_319] : memref<10112x32xf32, #tpu.memory_space<vmem_shared>> -> memref<10112x32xf32, #tpu.memory_space<vmem_shared>>
      tpu.enqueue_indirect_dma source(%arg10 : memref<128x32xf32, #tpu.memory_space<vmem>>) target(%dma_start3A_320 : memref<10112x32xf32, #tpu.memory_space<vmem_shared>>) offsets(%dma_start3A_317 : memref<128xi32, #tpu.memory_space<vmem>>) semaphore(%arg40 : memref<!tpu.dma_semaphore, #tpu.memory_space<semaphore_mem>>) {add = true}
      %add3A_321 = arith.constant 6 : i32
      %add3A_322 = arith.addi %add3A_308, %add3A_321 : i32
      %sub3A_323 = arith.constant 13 : i32
      %sub3A_324 = arith.subi %add3A_322, %sub3A_323 : i32
      %lt3A_325 = arith.constant 78 : i32
      %lt3A_326 = arith.cmpi slt, %add3A_322, %lt3A_325 : i32
      %convert_element_type3A_327 = arith.extui %lt3A_326 : i1 to i32
      %cond3A_328 = arith.constant 0 : i32
      %cond3A_329 = arith.cmpi ne, %convert_element_type3A_327, %cond3A_328 : i32
      scf.if %cond3A_329 {
        %ge3A = arith.constant 0 : i32
        %ge3A_538 = arith.cmpi sge, %sub3A_324, %ge3A : i32
        %convert_element_type3A_539 = arith.extui %ge3A_538 : i1 to i32
        %cond3A_540 = arith.constant 0 : i32
        %cond3A_541 = arith.cmpi ne, %convert_element_type3A_539, %cond3A_540 : i32
        scf.if %cond3A_541 {
          %dma_wait3A_548 = arith.constant 0 : i32
          %dma_wait3A_549 = tpu.memref_slice %arg6[%sub3A_324, %dma_wait3A_548] : memref<78x128xi32, #tpu.memory_space<vmem>> -> memref<1x128xi32, #tpu.memory_space<vmem>>
          %dma_wait3A_550 = tpu.memref_squeeze %dma_wait3A_549 : memref<1x128xi32, #tpu.memory_space<vmem>> -> memref<128xi32, #tpu.memory_space<vmem>>
          %dma_wait3A_551 = arith.constant 0 : i32
          %dma_wait3A_552 = arith.constant 0 : i32
          %dma_wait3A_553 = tpu.memref_slice %arg22[%dma_wait3A_551, %dma_wait3A_552] : memref<10112x32xf32, #tpu.memory_space<vmem_shared>> -> memref<10112x32xf32, #tpu.memory_space<vmem_shared>>
          tpu.wait_indirect_dma semaphore(%arg46 : memref<!tpu.dma_semaphore, #tpu.memory_space<semaphore_mem>>) src(%arg16 : memref<128x32xf32, #tpu.memory_space<vmem>>) dst(%dma_wait3A_553 : memref<10112x32xf32, #tpu.memory_space<vmem_shared>>)
        } else {
        }
        %dma_start3A_542 = arith.constant 0 : i32
        %dma_start3A_543 = tpu.memref_slice %arg5[%add3A_322, %dma_start3A_542] : memref<78x128xi32, #tpu.memory_space<vmem>> -> memref<1x128xi32, #tpu.memory_space<vmem>>
        %dma_start3A_544 = tpu.memref_squeeze %dma_start3A_543 : memref<1x128xi32, #tpu.memory_space<vmem>> -> memref<128xi32, #tpu.memory_space<vmem>>
        %dma_start3A_545 = arith.constant 0 : i32
        %dma_start3A_546 = arith.constant 0 : i32
        %dma_start3A_547 = tpu.memref_slice %arg23[%dma_start3A_545, %dma_start3A_546] : memref<10112x32xf32, #tpu.memory_space<vmem_shared>> -> memref<10112x32xf32, #tpu.memory_space<vmem_shared>>
        tpu.enqueue_indirect_dma source(%dma_start3A_547 : memref<10112x32xf32, #tpu.memory_space<vmem_shared>>) target(%arg16 : memref<128x32xf32, #tpu.memory_space<vmem>>) offsets(%dma_start3A_544 : memref<128xi32, #tpu.memory_space<vmem>>) semaphore(%arg33 : memref<!tpu.dma_semaphore, #tpu.memory_space<semaphore_mem>>)
      } else {
      }
      %add3A_330 = arith.constant 4 : i32
      %add3A_331 = arith.addi %mul3A_238, %add3A_330 : i32
      %dma_wait3A_332 = arith.constant 0 : i32
      %dma_wait3A_333 = tpu.memref_slice %arg5[%add3A_331, %dma_wait3A_332] : memref<78x128xi32, #tpu.memory_space<vmem>> -> memref<1x128xi32, #tpu.memory_space<vmem>>
      %dma_wait3A_334 = tpu.memref_squeeze %dma_wait3A_333 : memref<1x128xi32, #tpu.memory_space<vmem>> -> memref<128xi32, #tpu.memory_space<vmem>>
      %dma_wait3A_335 = arith.constant 0 : i32
      %dma_wait3A_336 = arith.constant 0 : i32
      %dma_wait3A_337 = tpu.memref_slice %arg23[%dma_wait3A_335, %dma_wait3A_336] : memref<10112x32xf32, #tpu.memory_space<vmem_shared>> -> memref<10112x32xf32, #tpu.memory_space<vmem_shared>>
      tpu.wait_indirect_dma semaphore(%arg28 : memref<!tpu.dma_semaphore, #tpu.memory_space<semaphore_mem>>) src(%dma_wait3A_337 : memref<10112x32xf32, #tpu.memory_space<vmem_shared>>) dst(%arg11 : memref<128x32xf32, #tpu.memory_space<vmem>>)
      %dma_start3A_338 = arith.constant 0 : i32
      %dma_start3A_339 = tpu.memref_slice %arg6[%add3A_331, %dma_start3A_338] : memref<78x128xi32, #tpu.memory_space<vmem>> -> memref<1x128xi32, #tpu.memory_space<vmem>>
      %dma_start3A_340 = tpu.memref_squeeze %dma_start3A_339 : memref<1x128xi32, #tpu.memory_space<vmem>> -> memref<128xi32, #tpu.memory_space<vmem>>
      %dma_start3A_341 = arith.constant 0 : i32
      %dma_start3A_342 = arith.constant 0 : i32
      %dma_start3A_343 = tpu.memref_slice %arg22[%dma_start3A_341, %dma_start3A_342] : memref<10112x32xf32, #tpu.memory_space<vmem_shared>> -> memref<10112x32xf32, #tpu.memory_space<vmem_shared>>
      tpu.enqueue_indirect_dma source(%arg11 : memref<128x32xf32, #tpu.memory_space<vmem>>) target(%dma_start3A_343 : memref<10112x32xf32, #tpu.memory_space<vmem_shared>>) offsets(%dma_start3A_340 : memref<128xi32, #tpu.memory_space<vmem>>) semaphore(%arg41 : memref<!tpu.dma_semaphore, #tpu.memory_space<semaphore_mem>>) {add = true}
      %add3A_344 = arith.constant 6 : i32
      %add3A_345 = arith.addi %add3A_331, %add3A_344 : i32
      %sub3A_346 = arith.constant 13 : i32
      %sub3A_347 = arith.subi %add3A_345, %sub3A_346 : i32
      %lt3A_348 = arith.constant 78 : i32
      %lt3A_349 = arith.cmpi slt, %add3A_345, %lt3A_348 : i32
      %convert_element_type3A_350 = arith.extui %lt3A_349 : i1 to i32
      %cond3A_351 = arith.constant 0 : i32
      %cond3A_352 = arith.cmpi ne, %convert_element_type3A_350, %cond3A_351 : i32
      scf.if %cond3A_352 {
        %ge3A = arith.constant 0 : i32
        %ge3A_538 = arith.cmpi sge, %sub3A_347, %ge3A : i32
        %convert_element_type3A_539 = arith.extui %ge3A_538 : i1 to i32
        %cond3A_540 = arith.constant 0 : i32
        %cond3A_541 = arith.cmpi ne, %convert_element_type3A_539, %cond3A_540 : i32
        scf.if %cond3A_541 {
          %dma_wait3A_548 = arith.constant 0 : i32
          %dma_wait3A_549 = tpu.memref_slice %arg6[%sub3A_347, %dma_wait3A_548] : memref<78x128xi32, #tpu.memory_space<vmem>> -> memref<1x128xi32, #tpu.memory_space<vmem>>
          %dma_wait3A_550 = tpu.memref_squeeze %dma_wait3A_549 : memref<1x128xi32, #tpu.memory_space<vmem>> -> memref<128xi32, #tpu.memory_space<vmem>>
          %dma_wait3A_551 = arith.constant 0 : i32
          %dma_wait3A_552 = arith.constant 0 : i32
          %dma_wait3A_553 = tpu.memref_slice %arg22[%dma_wait3A_551, %dma_wait3A_552] : memref<10112x32xf32, #tpu.memory_space<vmem_shared>> -> memref<10112x32xf32, #tpu.memory_space<vmem_shared>>
          tpu.wait_indirect_dma semaphore(%arg47 : memref<!tpu.dma_semaphore, #tpu.memory_space<semaphore_mem>>) src(%arg17 : memref<128x32xf32, #tpu.memory_space<vmem>>) dst(%dma_wait3A_553 : memref<10112x32xf32, #tpu.memory_space<vmem_shared>>)
        } else {
        }
        %dma_start3A_542 = arith.constant 0 : i32
        %dma_start3A_543 = tpu.memref_slice %arg5[%add3A_345, %dma_start3A_542] : memref<78x128xi32, #tpu.memory_space<vmem>> -> memref<1x128xi32, #tpu.memory_space<vmem>>
        %dma_start3A_544 = tpu.memref_squeeze %dma_start3A_543 : memref<1x128xi32, #tpu.memory_space<vmem>> -> memref<128xi32, #tpu.memory_space<vmem>>
        %dma_start3A_545 = arith.constant 0 : i32
        %dma_start3A_546 = arith.constant 0 : i32
        %dma_start3A_547 = tpu.memref_slice %arg23[%dma_start3A_545, %dma_start3A_546] : memref<10112x32xf32, #tpu.memory_space<vmem_shared>> -> memref<10112x32xf32, #tpu.memory_space<vmem_shared>>
        tpu.enqueue_indirect_dma source(%dma_start3A_547 : memref<10112x32xf32, #tpu.memory_space<vmem_shared>>) target(%arg17 : memref<128x32xf32, #tpu.memory_space<vmem>>) offsets(%dma_start3A_544 : memref<128xi32, #tpu.memory_space<vmem>>) semaphore(%arg34 : memref<!tpu.dma_semaphore, #tpu.memory_space<semaphore_mem>>)
      } else {
      }
      %add3A_353 = arith.constant 5 : i32
      %add3A_354 = arith.addi %mul3A_238, %add3A_353 : i32
      %dma_wait3A_355 = arith.constant 0 : i32
      %dma_wait3A_356 = tpu.memref_slice %arg5[%add3A_354, %dma_wait3A_355] : memref<78x128xi32, #tpu.memory_space<vmem>> -> memref<1x128xi32, #tpu.memory_space<vmem>>
      %dma_wait3A_357 = tpu.memref_squeeze %dma_wait3A_356 : memref<1x128xi32, #tpu.memory_space<vmem>> -> memref<128xi32, #tpu.memory_space<vmem>>
      %dma_wait3A_358 = arith.constant 0 : i32
      %dma_wait3A_359 = arith.constant 0 : i32
      %dma_wait3A_360 = tpu.memref_slice %arg23[%dma_wait3A_358, %dma_wait3A_359] : memref<10112x32xf32, #tpu.memory_space<vmem_shared>> -> memref<10112x32xf32, #tpu.memory_space<vmem_shared>>
      tpu.wait_indirect_dma semaphore(%arg29 : memref<!tpu.dma_semaphore, #tpu.memory_space<semaphore_mem>>) src(%dma_wait3A_360 : memref<10112x32xf32, #tpu.memory_space<vmem_shared>>) dst(%arg12 : memref<128x32xf32, #tpu.memory_space<vmem>>)
      %dma_start3A_361 = arith.constant 0 : i32
      %dma_start3A_362 = tpu.memref_slice %arg6[%add3A_354, %dma_start3A_361] : memref<78x128xi32, #tpu.memory_space<vmem>> -> memref<1x128xi32, #tpu.memory_space<vmem>>
      %dma_start3A_363 = tpu.memref_squeeze %dma_start3A_362 : memref<1x128xi32, #tpu.memory_space<vmem>> -> memref<128xi32, #tpu.memory_space<vmem>>
      %dma_start3A_364 = arith.constant 0 : i32
      %dma_start3A_365 = arith.constant 0 : i32
      %dma_start3A_366 = tpu.memref_slice %arg22[%dma_start3A_364, %dma_start3A_365] : memref<10112x32xf32, #tpu.memory_space<vmem_shared>> -> memref<10112x32xf32, #tpu.memory_space<vmem_shared>>
      tpu.enqueue_indirect_dma source(%arg12 : memref<128x32xf32, #tpu.memory_space<vmem>>) target(%dma_start3A_366 : memref<10112x32xf32, #tpu.memory_space<vmem_shared>>) offsets(%dma_start3A_363 : memref<128xi32, #tpu.memory_space<vmem>>) semaphore(%arg42 : memref<!tpu.dma_semaphore, #tpu.memory_space<semaphore_mem>>) {add = true}
      %add3A_367 = arith.constant 6 : i32
      %add3A_368 = arith.addi %add3A_354, %add3A_367 : i32
      %sub3A_369 = arith.constant 13 : i32
      %sub3A_370 = arith.subi %add3A_368, %sub3A_369 : i32
      %lt3A_371 = arith.constant 78 : i32
      %lt3A_372 = arith.cmpi slt, %add3A_368, %lt3A_371 : i32
      %convert_element_type3A_373 = arith.extui %lt3A_372 : i1 to i32
      %cond3A_374 = arith.constant 0 : i32
      %cond3A_375 = arith.cmpi ne, %convert_element_type3A_373, %cond3A_374 : i32
      scf.if %cond3A_375 {
        %ge3A = arith.constant 0 : i32
        %ge3A_538 = arith.cmpi sge, %sub3A_370, %ge3A : i32
        %convert_element_type3A_539 = arith.extui %ge3A_538 : i1 to i32
        %cond3A_540 = arith.constant 0 : i32
        %cond3A_541 = arith.cmpi ne, %convert_element_type3A_539, %cond3A_540 : i32
        scf.if %cond3A_541 {
          %dma_wait3A_548 = arith.constant 0 : i32
          %dma_wait3A_549 = tpu.memref_slice %arg6[%sub3A_370, %dma_wait3A_548] : memref<78x128xi32, #tpu.memory_space<vmem>> -> memref<1x128xi32, #tpu.memory_space<vmem>>
          %dma_wait3A_550 = tpu.memref_squeeze %dma_wait3A_549 : memref<1x128xi32, #tpu.memory_space<vmem>> -> memref<128xi32, #tpu.memory_space<vmem>>
          %dma_wait3A_551 = arith.constant 0 : i32
          %dma_wait3A_552 = arith.constant 0 : i32
          %dma_wait3A_553 = tpu.memref_slice %arg22[%dma_wait3A_551, %dma_wait3A_552] : memref<10112x32xf32, #tpu.memory_space<vmem_shared>> -> memref<10112x32xf32, #tpu.memory_space<vmem_shared>>
          tpu.wait_indirect_dma semaphore(%arg48 : memref<!tpu.dma_semaphore, #tpu.memory_space<semaphore_mem>>) src(%arg18 : memref<128x32xf32, #tpu.memory_space<vmem>>) dst(%dma_wait3A_553 : memref<10112x32xf32, #tpu.memory_space<vmem_shared>>)
        } else {
        }
        %dma_start3A_542 = arith.constant 0 : i32
        %dma_start3A_543 = tpu.memref_slice %arg5[%add3A_368, %dma_start3A_542] : memref<78x128xi32, #tpu.memory_space<vmem>> -> memref<1x128xi32, #tpu.memory_space<vmem>>
        %dma_start3A_544 = tpu.memref_squeeze %dma_start3A_543 : memref<1x128xi32, #tpu.memory_space<vmem>> -> memref<128xi32, #tpu.memory_space<vmem>>
        %dma_start3A_545 = arith.constant 0 : i32
        %dma_start3A_546 = arith.constant 0 : i32
        %dma_start3A_547 = tpu.memref_slice %arg23[%dma_start3A_545, %dma_start3A_546] : memref<10112x32xf32, #tpu.memory_space<vmem_shared>> -> memref<10112x32xf32, #tpu.memory_space<vmem_shared>>
        tpu.enqueue_indirect_dma source(%dma_start3A_547 : memref<10112x32xf32, #tpu.memory_space<vmem_shared>>) target(%arg18 : memref<128x32xf32, #tpu.memory_space<vmem>>) offsets(%dma_start3A_544 : memref<128xi32, #tpu.memory_space<vmem>>) semaphore(%arg35 : memref<!tpu.dma_semaphore, #tpu.memory_space<semaphore_mem>>)
      } else {
      }
      %add3A_376 = arith.constant 6 : i32
      %add3A_377 = arith.addi %mul3A_238, %add3A_376 : i32
      %dma_wait3A_378 = arith.constant 0 : i32
      %dma_wait3A_379 = tpu.memref_slice %arg5[%add3A_377, %dma_wait3A_378] : memref<78x128xi32, #tpu.memory_space<vmem>> -> memref<1x128xi32, #tpu.memory_space<vmem>>
      %dma_wait3A_380 = tpu.memref_squeeze %dma_wait3A_379 : memref<1x128xi32, #tpu.memory_space<vmem>> -> memref<128xi32, #tpu.memory_space<vmem>>
      %dma_wait3A_381 = arith.constant 0 : i32
      %dma_wait3A_382 = arith.constant 0 : i32
      %dma_wait3A_383 = tpu.memref_slice %arg23[%dma_wait3A_381, %dma_wait3A_382] : memref<10112x32xf32, #tpu.memory_space<vmem_shared>> -> memref<10112x32xf32, #tpu.memory_space<vmem_shared>>
      tpu.wait_indirect_dma semaphore(%arg30 : memref<!tpu.dma_semaphore, #tpu.memory_space<semaphore_mem>>) src(%dma_wait3A_383 : memref<10112x32xf32, #tpu.memory_space<vmem_shared>>) dst(%arg13 : memref<128x32xf32, #tpu.memory_space<vmem>>)
      %dma_start3A_384 = arith.constant 0 : i32
      %dma_start3A_385 = tpu.memref_slice %arg6[%add3A_377, %dma_start3A_384] : memref<78x128xi32, #tpu.memory_space<vmem>> -> memref<1x128xi32, #tpu.memory_space<vmem>>
      %dma_start3A_386 = tpu.memref_squeeze %dma_start3A_385 : memref<1x128xi32, #tpu.memory_space<vmem>> -> memref<128xi32, #tpu.memory_space<vmem>>
      %dma_start3A_387 = arith.constant 0 : i32
      %dma_start3A_388 = arith.constant 0 : i32
      %dma_start3A_389 = tpu.memref_slice %arg22[%dma_start3A_387, %dma_start3A_388] : memref<10112x32xf32, #tpu.memory_space<vmem_shared>> -> memref<10112x32xf32, #tpu.memory_space<vmem_shared>>
      tpu.enqueue_indirect_dma source(%arg13 : memref<128x32xf32, #tpu.memory_space<vmem>>) target(%dma_start3A_389 : memref<10112x32xf32, #tpu.memory_space<vmem_shared>>) offsets(%dma_start3A_386 : memref<128xi32, #tpu.memory_space<vmem>>) semaphore(%arg43 : memref<!tpu.dma_semaphore, #tpu.memory_space<semaphore_mem>>) {add = true}
      %add3A_390 = arith.constant 6 : i32
      %add3A_391 = arith.addi %add3A_377, %add3A_390 : i32
      %sub3A_392 = arith.constant 13 : i32
      %sub3A_393 = arith.subi %add3A_391, %sub3A_392 : i32
      %lt3A_394 = arith.constant 78 : i32
      %lt3A_395 = arith.cmpi slt, %add3A_391, %lt3A_394 : i32
      %convert_element_type3A_396 = arith.extui %lt3A_395 : i1 to i32
      %cond3A_397 = arith.constant 0 : i32
      %cond3A_398 = arith.cmpi ne, %convert_element_type3A_396, %cond3A_397 : i32
      scf.if %cond3A_398 {
        %ge3A = arith.constant 0 : i32
        %ge3A_538 = arith.cmpi sge, %sub3A_393, %ge3A : i32
        %convert_element_type3A_539 = arith.extui %ge3A_538 : i1 to i32
        %cond3A_540 = arith.constant 0 : i32
        %cond3A_541 = arith.cmpi ne, %convert_element_type3A_539, %cond3A_540 : i32
        scf.if %cond3A_541 {
          %dma_wait3A_548 = arith.constant 0 : i32
          %dma_wait3A_549 = tpu.memref_slice %arg6[%sub3A_393, %dma_wait3A_548] : memref<78x128xi32, #tpu.memory_space<vmem>> -> memref<1x128xi32, #tpu.memory_space<vmem>>
          %dma_wait3A_550 = tpu.memref_squeeze %dma_wait3A_549 : memref<1x128xi32, #tpu.memory_space<vmem>> -> memref<128xi32, #tpu.memory_space<vmem>>
          %dma_wait3A_551 = arith.constant 0 : i32
          %dma_wait3A_552 = arith.constant 0 : i32
          %dma_wait3A_553 = tpu.memref_slice %arg22[%dma_wait3A_551, %dma_wait3A_552] : memref<10112x32xf32, #tpu.memory_space<vmem_shared>> -> memref<10112x32xf32, #tpu.memory_space<vmem_shared>>
          tpu.wait_indirect_dma semaphore(%arg49 : memref<!tpu.dma_semaphore, #tpu.memory_space<semaphore_mem>>) src(%arg19 : memref<128x32xf32, #tpu.memory_space<vmem>>) dst(%dma_wait3A_553 : memref<10112x32xf32, #tpu.memory_space<vmem_shared>>)
        } else {
        }
        %dma_start3A_542 = arith.constant 0 : i32
        %dma_start3A_543 = tpu.memref_slice %arg5[%add3A_391, %dma_start3A_542] : memref<78x128xi32, #tpu.memory_space<vmem>> -> memref<1x128xi32, #tpu.memory_space<vmem>>
        %dma_start3A_544 = tpu.memref_squeeze %dma_start3A_543 : memref<1x128xi32, #tpu.memory_space<vmem>> -> memref<128xi32, #tpu.memory_space<vmem>>
        %dma_start3A_545 = arith.constant 0 : i32
        %dma_start3A_546 = arith.constant 0 : i32
        %dma_start3A_547 = tpu.memref_slice %arg23[%dma_start3A_545, %dma_start3A_546] : memref<10112x32xf32, #tpu.memory_space<vmem_shared>> -> memref<10112x32xf32, #tpu.memory_space<vmem_shared>>
        tpu.enqueue_indirect_dma source(%dma_start3A_547 : memref<10112x32xf32, #tpu.memory_space<vmem_shared>>) target(%arg19 : memref<128x32xf32, #tpu.memory_space<vmem>>) offsets(%dma_start3A_544 : memref<128xi32, #tpu.memory_space<vmem>>) semaphore(%arg36 : memref<!tpu.dma_semaphore, #tpu.memory_space<semaphore_mem>>)
      } else {
      }
      %add3A_399 = arith.constant 7 : i32
      %add3A_400 = arith.addi %mul3A_238, %add3A_399 : i32
      %dma_wait3A_401 = arith.constant 0 : i32
      %dma_wait3A_402 = tpu.memref_slice %arg5[%add3A_400, %dma_wait3A_401] : memref<78x128xi32, #tpu.memory_space<vmem>> -> memref<1x128xi32, #tpu.memory_space<vmem>>
      %dma_wait3A_403 = tpu.memref_squeeze %dma_wait3A_402 : memref<1x128xi32, #tpu.memory_space<vmem>> -> memref<128xi32, #tpu.memory_space<vmem>>
      %dma_wait3A_404 = arith.constant 0 : i32
      %dma_wait3A_405 = arith.constant 0 : i32
      %dma_wait3A_406 = tpu.memref_slice %arg23[%dma_wait3A_404, %dma_wait3A_405] : memref<10112x32xf32, #tpu.memory_space<vmem_shared>> -> memref<10112x32xf32, #tpu.memory_space<vmem_shared>>
      tpu.wait_indirect_dma semaphore(%arg31 : memref<!tpu.dma_semaphore, #tpu.memory_space<semaphore_mem>>) src(%dma_wait3A_406 : memref<10112x32xf32, #tpu.memory_space<vmem_shared>>) dst(%arg14 : memref<128x32xf32, #tpu.memory_space<vmem>>)
      %dma_start3A_407 = arith.constant 0 : i32
      %dma_start3A_408 = tpu.memref_slice %arg6[%add3A_400, %dma_start3A_407] : memref<78x128xi32, #tpu.memory_space<vmem>> -> memref<1x128xi32, #tpu.memory_space<vmem>>
      %dma_start3A_409 = tpu.memref_squeeze %dma_start3A_408 : memref<1x128xi32, #tpu.memory_space<vmem>> -> memref<128xi32, #tpu.memory_space<vmem>>
      %dma_start3A_410 = arith.constant 0 : i32
      %dma_start3A_411 = arith.constant 0 : i32
      %dma_start3A_412 = tpu.memref_slice %arg22[%dma_start3A_410, %dma_start3A_411] : memref<10112x32xf32, #tpu.memory_space<vmem_shared>> -> memref<10112x32xf32, #tpu.memory_space<vmem_shared>>
      tpu.enqueue_indirect_dma source(%arg14 : memref<128x32xf32, #tpu.memory_space<vmem>>) target(%dma_start3A_412 : memref<10112x32xf32, #tpu.memory_space<vmem_shared>>) offsets(%dma_start3A_409 : memref<128xi32, #tpu.memory_space<vmem>>) semaphore(%arg44 : memref<!tpu.dma_semaphore, #tpu.memory_space<semaphore_mem>>) {add = true}
      %add3A_413 = arith.constant 6 : i32
      %add3A_414 = arith.addi %add3A_400, %add3A_413 : i32
      %sub3A_415 = arith.constant 13 : i32
      %sub3A_416 = arith.subi %add3A_414, %sub3A_415 : i32
      %lt3A_417 = arith.constant 78 : i32
      %lt3A_418 = arith.cmpi slt, %add3A_414, %lt3A_417 : i32
      %convert_element_type3A_419 = arith.extui %lt3A_418 : i1 to i32
      %cond3A_420 = arith.constant 0 : i32
      %cond3A_421 = arith.cmpi ne, %convert_element_type3A_419, %cond3A_420 : i32
      scf.if %cond3A_421 {
        %ge3A = arith.constant 0 : i32
        %ge3A_538 = arith.cmpi sge, %sub3A_416, %ge3A : i32
        %convert_element_type3A_539 = arith.extui %ge3A_538 : i1 to i32
        %cond3A_540 = arith.constant 0 : i32
        %cond3A_541 = arith.cmpi ne, %convert_element_type3A_539, %cond3A_540 : i32
        scf.if %cond3A_541 {
          %dma_wait3A_548 = arith.constant 0 : i32
          %dma_wait3A_549 = tpu.memref_slice %arg6[%sub3A_416, %dma_wait3A_548] : memref<78x128xi32, #tpu.memory_space<vmem>> -> memref<1x128xi32, #tpu.memory_space<vmem>>
          %dma_wait3A_550 = tpu.memref_squeeze %dma_wait3A_549 : memref<1x128xi32, #tpu.memory_space<vmem>> -> memref<128xi32, #tpu.memory_space<vmem>>
          %dma_wait3A_551 = arith.constant 0 : i32
          %dma_wait3A_552 = arith.constant 0 : i32
          %dma_wait3A_553 = tpu.memref_slice %arg22[%dma_wait3A_551, %dma_wait3A_552] : memref<10112x32xf32, #tpu.memory_space<vmem_shared>> -> memref<10112x32xf32, #tpu.memory_space<vmem_shared>>
          tpu.wait_indirect_dma semaphore(%arg37 : memref<!tpu.dma_semaphore, #tpu.memory_space<semaphore_mem>>) src(%arg7 : memref<128x32xf32, #tpu.memory_space<vmem>>) dst(%dma_wait3A_553 : memref<10112x32xf32, #tpu.memory_space<vmem_shared>>)
        } else {
        }
        %dma_start3A_542 = arith.constant 0 : i32
        %dma_start3A_543 = tpu.memref_slice %arg5[%add3A_414, %dma_start3A_542] : memref<78x128xi32, #tpu.memory_space<vmem>> -> memref<1x128xi32, #tpu.memory_space<vmem>>
        %dma_start3A_544 = tpu.memref_squeeze %dma_start3A_543 : memref<1x128xi32, #tpu.memory_space<vmem>> -> memref<128xi32, #tpu.memory_space<vmem>>
        %dma_start3A_545 = arith.constant 0 : i32
        %dma_start3A_546 = arith.constant 0 : i32
        %dma_start3A_547 = tpu.memref_slice %arg23[%dma_start3A_545, %dma_start3A_546] : memref<10112x32xf32, #tpu.memory_space<vmem_shared>> -> memref<10112x32xf32, #tpu.memory_space<vmem_shared>>
        tpu.enqueue_indirect_dma source(%dma_start3A_547 : memref<10112x32xf32, #tpu.memory_space<vmem_shared>>) target(%arg7 : memref<128x32xf32, #tpu.memory_space<vmem>>) offsets(%dma_start3A_544 : memref<128xi32, #tpu.memory_space<vmem>>) semaphore(%arg24 : memref<!tpu.dma_semaphore, #tpu.memory_space<semaphore_mem>>)
      } else {
      }
      %add3A_422 = arith.constant 8 : i32
      %add3A_423 = arith.addi %mul3A_238, %add3A_422 : i32
      %dma_wait3A_424 = arith.constant 0 : i32
      %dma_wait3A_425 = tpu.memref_slice %arg5[%add3A_423, %dma_wait3A_424] : memref<78x128xi32, #tpu.memory_space<vmem>> -> memref<1x128xi32, #tpu.memory_space<vmem>>
      %dma_wait3A_426 = tpu.memref_squeeze %dma_wait3A_425 : memref<1x128xi32, #tpu.memory_space<vmem>> -> memref<128xi32, #tpu.memory_space<vmem>>
      %dma_wait3A_427 = arith.constant 0 : i32
      %dma_wait3A_428 = arith.constant 0 : i32
      %dma_wait3A_429 = tpu.memref_slice %arg23[%dma_wait3A_427, %dma_wait3A_428] : memref<10112x32xf32, #tpu.memory_space<vmem_shared>> -> memref<10112x32xf32, #tpu.memory_space<vmem_shared>>
      tpu.wait_indirect_dma semaphore(%arg32 : memref<!tpu.dma_semaphore, #tpu.memory_space<semaphore_mem>>) src(%dma_wait3A_429 : memref<10112x32xf32, #tpu.memory_space<vmem_shared>>) dst(%arg15 : memref<128x32xf32, #tpu.memory_space<vmem>>)
      %dma_start3A_430 = arith.constant 0 : i32
      %dma_start3A_431 = tpu.memref_slice %arg6[%add3A_423, %dma_start3A_430] : memref<78x128xi32, #tpu.memory_space<vmem>> -> memref<1x128xi32, #tpu.memory_space<vmem>>
      %dma_start3A_432 = tpu.memref_squeeze %dma_start3A_431 : memref<1x128xi32, #tpu.memory_space<vmem>> -> memref<128xi32, #tpu.memory_space<vmem>>
      %dma_start3A_433 = arith.constant 0 : i32
      %dma_start3A_434 = arith.constant 0 : i32
      %dma_start3A_435 = tpu.memref_slice %arg22[%dma_start3A_433, %dma_start3A_434] : memref<10112x32xf32, #tpu.memory_space<vmem_shared>> -> memref<10112x32xf32, #tpu.memory_space<vmem_shared>>
      tpu.enqueue_indirect_dma source(%arg15 : memref<128x32xf32, #tpu.memory_space<vmem>>) target(%dma_start3A_435 : memref<10112x32xf32, #tpu.memory_space<vmem_shared>>) offsets(%dma_start3A_432 : memref<128xi32, #tpu.memory_space<vmem>>) semaphore(%arg45 : memref<!tpu.dma_semaphore, #tpu.memory_space<semaphore_mem>>) {add = true}
      %add3A_436 = arith.constant 6 : i32
      %add3A_437 = arith.addi %add3A_423, %add3A_436 : i32
      %sub3A_438 = arith.constant 13 : i32
      %sub3A_439 = arith.subi %add3A_437, %sub3A_438 : i32
      %lt3A_440 = arith.constant 78 : i32
      %lt3A_441 = arith.cmpi slt, %add3A_437, %lt3A_440 : i32
      %convert_element_type3A_442 = arith.extui %lt3A_441 : i1 to i32
      %cond3A_443 = arith.constant 0 : i32
      %cond3A_444 = arith.cmpi ne, %convert_element_type3A_442, %cond3A_443 : i32
      scf.if %cond3A_444 {
        %ge3A = arith.constant 0 : i32
        %ge3A_538 = arith.cmpi sge, %sub3A_439, %ge3A : i32
        %convert_element_type3A_539 = arith.extui %ge3A_538 : i1 to i32
        %cond3A_540 = arith.constant 0 : i32
        %cond3A_541 = arith.cmpi ne, %convert_element_type3A_539, %cond3A_540 : i32
        scf.if %cond3A_541 {
          %dma_wait3A_548 = arith.constant 0 : i32
          %dma_wait3A_549 = tpu.memref_slice %arg6[%sub3A_439, %dma_wait3A_548] : memref<78x128xi32, #tpu.memory_space<vmem>> -> memref<1x128xi32, #tpu.memory_space<vmem>>
          %dma_wait3A_550 = tpu.memref_squeeze %dma_wait3A_549 : memref<1x128xi32, #tpu.memory_space<vmem>> -> memref<128xi32, #tpu.memory_space<vmem>>
          %dma_wait3A_551 = arith.constant 0 : i32
          %dma_wait3A_552 = arith.constant 0 : i32
          %dma_wait3A_553 = tpu.memref_slice %arg22[%dma_wait3A_551, %dma_wait3A_552] : memref<10112x32xf32, #tpu.memory_space<vmem_shared>> -> memref<10112x32xf32, #tpu.memory_space<vmem_shared>>
          tpu.wait_indirect_dma semaphore(%arg38 : memref<!tpu.dma_semaphore, #tpu.memory_space<semaphore_mem>>) src(%arg8 : memref<128x32xf32, #tpu.memory_space<vmem>>) dst(%dma_wait3A_553 : memref<10112x32xf32, #tpu.memory_space<vmem_shared>>)
        } else {
        }
        %dma_start3A_542 = arith.constant 0 : i32
        %dma_start3A_543 = tpu.memref_slice %arg5[%add3A_437, %dma_start3A_542] : memref<78x128xi32, #tpu.memory_space<vmem>> -> memref<1x128xi32, #tpu.memory_space<vmem>>
        %dma_start3A_544 = tpu.memref_squeeze %dma_start3A_543 : memref<1x128xi32, #tpu.memory_space<vmem>> -> memref<128xi32, #tpu.memory_space<vmem>>
        %dma_start3A_545 = arith.constant 0 : i32
        %dma_start3A_546 = arith.constant 0 : i32
        %dma_start3A_547 = tpu.memref_slice %arg23[%dma_start3A_545, %dma_start3A_546] : memref<10112x32xf32, #tpu.memory_space<vmem_shared>> -> memref<10112x32xf32, #tpu.memory_space<vmem_shared>>
        tpu.enqueue_indirect_dma source(%dma_start3A_547 : memref<10112x32xf32, #tpu.memory_space<vmem_shared>>) target(%arg8 : memref<128x32xf32, #tpu.memory_space<vmem>>) offsets(%dma_start3A_544 : memref<128xi32, #tpu.memory_space<vmem>>) semaphore(%arg25 : memref<!tpu.dma_semaphore, #tpu.memory_space<semaphore_mem>>)
      } else {
      }
      %add3A_445 = arith.constant 9 : i32
      %add3A_446 = arith.addi %mul3A_238, %add3A_445 : i32
      %dma_wait3A_447 = arith.constant 0 : i32
      %dma_wait3A_448 = tpu.memref_slice %arg5[%add3A_446, %dma_wait3A_447] : memref<78x128xi32, #tpu.memory_space<vmem>> -> memref<1x128xi32, #tpu.memory_space<vmem>>
      %dma_wait3A_449 = tpu.memref_squeeze %dma_wait3A_448 : memref<1x128xi32, #tpu.memory_space<vmem>> -> memref<128xi32, #tpu.memory_space<vmem>>
      %dma_wait3A_450 = arith.constant 0 : i32
      %dma_wait3A_451 = arith.constant 0 : i32
      %dma_wait3A_452 = tpu.memref_slice %arg23[%dma_wait3A_450, %dma_wait3A_451] : memref<10112x32xf32, #tpu.memory_space<vmem_shared>> -> memref<10112x32xf32, #tpu.memory_space<vmem_shared>>
      tpu.wait_indirect_dma semaphore(%arg33 : memref<!tpu.dma_semaphore, #tpu.memory_space<semaphore_mem>>) src(%dma_wait3A_452 : memref<10112x32xf32, #tpu.memory_space<vmem_shared>>) dst(%arg16 : memref<128x32xf32, #tpu.memory_space<vmem>>)
      %dma_start3A_453 = arith.constant 0 : i32
      %dma_start3A_454 = tpu.memref_slice %arg6[%add3A_446, %dma_start3A_453] : memref<78x128xi32, #tpu.memory_space<vmem>> -> memref<1x128xi32, #tpu.memory_space<vmem>>
      %dma_start3A_455 = tpu.memref_squeeze %dma_start3A_454 : memref<1x128xi32, #tpu.memory_space<vmem>> -> memref<128xi32, #tpu.memory_space<vmem>>
      %dma_start3A_456 = arith.constant 0 : i32
      %dma_start3A_457 = arith.constant 0 : i32
      %dma_start3A_458 = tpu.memref_slice %arg22[%dma_start3A_456, %dma_start3A_457] : memref<10112x32xf32, #tpu.memory_space<vmem_shared>> -> memref<10112x32xf32, #tpu.memory_space<vmem_shared>>
      tpu.enqueue_indirect_dma source(%arg16 : memref<128x32xf32, #tpu.memory_space<vmem>>) target(%dma_start3A_458 : memref<10112x32xf32, #tpu.memory_space<vmem_shared>>) offsets(%dma_start3A_455 : memref<128xi32, #tpu.memory_space<vmem>>) semaphore(%arg46 : memref<!tpu.dma_semaphore, #tpu.memory_space<semaphore_mem>>) {add = true}
      %add3A_459 = arith.constant 6 : i32
      %add3A_460 = arith.addi %add3A_446, %add3A_459 : i32
      %sub3A_461 = arith.constant 13 : i32
      %sub3A_462 = arith.subi %add3A_460, %sub3A_461 : i32
      %lt3A_463 = arith.constant 78 : i32
      %lt3A_464 = arith.cmpi slt, %add3A_460, %lt3A_463 : i32
      %convert_element_type3A_465 = arith.extui %lt3A_464 : i1 to i32
      %cond3A_466 = arith.constant 0 : i32
      %cond3A_467 = arith.cmpi ne, %convert_element_type3A_465, %cond3A_466 : i32
      scf.if %cond3A_467 {
        %ge3A = arith.constant 0 : i32
        %ge3A_538 = arith.cmpi sge, %sub3A_462, %ge3A : i32
        %convert_element_type3A_539 = arith.extui %ge3A_538 : i1 to i32
        %cond3A_540 = arith.constant 0 : i32
        %cond3A_541 = arith.cmpi ne, %convert_element_type3A_539, %cond3A_540 : i32
        scf.if %cond3A_541 {
          %dma_wait3A_548 = arith.constant 0 : i32
          %dma_wait3A_549 = tpu.memref_slice %arg6[%sub3A_462, %dma_wait3A_548] : memref<78x128xi32, #tpu.memory_space<vmem>> -> memref<1x128xi32, #tpu.memory_space<vmem>>
          %dma_wait3A_550 = tpu.memref_squeeze %dma_wait3A_549 : memref<1x128xi32, #tpu.memory_space<vmem>> -> memref<128xi32, #tpu.memory_space<vmem>>
          %dma_wait3A_551 = arith.constant 0 : i32
          %dma_wait3A_552 = arith.constant 0 : i32
          %dma_wait3A_553 = tpu.memref_slice %arg22[%dma_wait3A_551, %dma_wait3A_552] : memref<10112x32xf32, #tpu.memory_space<vmem_shared>> -> memref<10112x32xf32, #tpu.memory_space<vmem_shared>>
          tpu.wait_indirect_dma semaphore(%arg39 : memref<!tpu.dma_semaphore, #tpu.memory_space<semaphore_mem>>) src(%arg9 : memref<128x32xf32, #tpu.memory_space<vmem>>) dst(%dma_wait3A_553 : memref<10112x32xf32, #tpu.memory_space<vmem_shared>>)
        } else {
        }
        %dma_start3A_542 = arith.constant 0 : i32
        %dma_start3A_543 = tpu.memref_slice %arg5[%add3A_460, %dma_start3A_542] : memref<78x128xi32, #tpu.memory_space<vmem>> -> memref<1x128xi32, #tpu.memory_space<vmem>>
        %dma_start3A_544 = tpu.memref_squeeze %dma_start3A_543 : memref<1x128xi32, #tpu.memory_space<vmem>> -> memref<128xi32, #tpu.memory_space<vmem>>
        %dma_start3A_545 = arith.constant 0 : i32
        %dma_start3A_546 = arith.constant 0 : i32
        %dma_start3A_547 = tpu.memref_slice %arg23[%dma_start3A_545, %dma_start3A_546] : memref<10112x32xf32, #tpu.memory_space<vmem_shared>> -> memref<10112x32xf32, #tpu.memory_space<vmem_shared>>
        tpu.enqueue_indirect_dma source(%dma_start3A_547 : memref<10112x32xf32, #tpu.memory_space<vmem_shared>>) target(%arg9 : memref<128x32xf32, #tpu.memory_space<vmem>>) offsets(%dma_start3A_544 : memref<128xi32, #tpu.memory_space<vmem>>) semaphore(%arg26 : memref<!tpu.dma_semaphore, #tpu.memory_space<semaphore_mem>>)
      } else {
      }
      %add3A_468 = arith.constant 10 : i32
      %add3A_469 = arith.addi %mul3A_238, %add3A_468 : i32
      %dma_wait3A_470 = arith.constant 0 : i32
      %dma_wait3A_471 = tpu.memref_slice %arg5[%add3A_469, %dma_wait3A_470] : memref<78x128xi32, #tpu.memory_space<vmem>> -> memref<1x128xi32, #tpu.memory_space<vmem>>
      %dma_wait3A_472 = tpu.memref_squeeze %dma_wait3A_471 : memref<1x128xi32, #tpu.memory_space<vmem>> -> memref<128xi32, #tpu.memory_space<vmem>>
      %dma_wait3A_473 = arith.constant 0 : i32
      %dma_wait3A_474 = arith.constant 0 : i32
      %dma_wait3A_475 = tpu.memref_slice %arg23[%dma_wait3A_473, %dma_wait3A_474] : memref<10112x32xf32, #tpu.memory_space<vmem_shared>> -> memref<10112x32xf32, #tpu.memory_space<vmem_shared>>
      tpu.wait_indirect_dma semaphore(%arg34 : memref<!tpu.dma_semaphore, #tpu.memory_space<semaphore_mem>>) src(%dma_wait3A_475 : memref<10112x32xf32, #tpu.memory_space<vmem_shared>>) dst(%arg17 : memref<128x32xf32, #tpu.memory_space<vmem>>)
      %dma_start3A_476 = arith.constant 0 : i32
      %dma_start3A_477 = tpu.memref_slice %arg6[%add3A_469, %dma_start3A_476] : memref<78x128xi32, #tpu.memory_space<vmem>> -> memref<1x128xi32, #tpu.memory_space<vmem>>
      %dma_start3A_478 = tpu.memref_squeeze %dma_start3A_477 : memref<1x128xi32, #tpu.memory_space<vmem>> -> memref<128xi32, #tpu.memory_space<vmem>>
      %dma_start3A_479 = arith.constant 0 : i32
      %dma_start3A_480 = arith.constant 0 : i32
      %dma_start3A_481 = tpu.memref_slice %arg22[%dma_start3A_479, %dma_start3A_480] : memref<10112x32xf32, #tpu.memory_space<vmem_shared>> -> memref<10112x32xf32, #tpu.memory_space<vmem_shared>>
      tpu.enqueue_indirect_dma source(%arg17 : memref<128x32xf32, #tpu.memory_space<vmem>>) target(%dma_start3A_481 : memref<10112x32xf32, #tpu.memory_space<vmem_shared>>) offsets(%dma_start3A_478 : memref<128xi32, #tpu.memory_space<vmem>>) semaphore(%arg47 : memref<!tpu.dma_semaphore, #tpu.memory_space<semaphore_mem>>) {add = true}
      %add3A_482 = arith.constant 6 : i32
      %add3A_483 = arith.addi %add3A_469, %add3A_482 : i32
      %sub3A_484 = arith.constant 13 : i32
      %sub3A_485 = arith.subi %add3A_483, %sub3A_484 : i32
      %lt3A_486 = arith.constant 78 : i32
      %lt3A_487 = arith.cmpi slt, %add3A_483, %lt3A_486 : i32
      %convert_element_type3A_488 = arith.extui %lt3A_487 : i1 to i32
      %cond3A_489 = arith.constant 0 : i32
      %cond3A_490 = arith.cmpi ne, %convert_element_type3A_488, %cond3A_489 : i32
      scf.if %cond3A_490 {
        %ge3A = arith.constant 0 : i32
        %ge3A_538 = arith.cmpi sge, %sub3A_485, %ge3A : i32
        %convert_element_type3A_539 = arith.extui %ge3A_538 : i1 to i32
        %cond3A_540 = arith.constant 0 : i32
        %cond3A_541 = arith.cmpi ne, %convert_element_type3A_539, %cond3A_540 : i32
        scf.if %cond3A_541 {
          %dma_wait3A_548 = arith.constant 0 : i32
          %dma_wait3A_549 = tpu.memref_slice %arg6[%sub3A_485, %dma_wait3A_548] : memref<78x128xi32, #tpu.memory_space<vmem>> -> memref<1x128xi32, #tpu.memory_space<vmem>>
          %dma_wait3A_550 = tpu.memref_squeeze %dma_wait3A_549 : memref<1x128xi32, #tpu.memory_space<vmem>> -> memref<128xi32, #tpu.memory_space<vmem>>
          %dma_wait3A_551 = arith.constant 0 : i32
          %dma_wait3A_552 = arith.constant 0 : i32
          %dma_wait3A_553 = tpu.memref_slice %arg22[%dma_wait3A_551, %dma_wait3A_552] : memref<10112x32xf32, #tpu.memory_space<vmem_shared>> -> memref<10112x32xf32, #tpu.memory_space<vmem_shared>>
          tpu.wait_indirect_dma semaphore(%arg40 : memref<!tpu.dma_semaphore, #tpu.memory_space<semaphore_mem>>) src(%arg10 : memref<128x32xf32, #tpu.memory_space<vmem>>) dst(%dma_wait3A_553 : memref<10112x32xf32, #tpu.memory_space<vmem_shared>>)
        } else {
        }
        %dma_start3A_542 = arith.constant 0 : i32
        %dma_start3A_543 = tpu.memref_slice %arg5[%add3A_483, %dma_start3A_542] : memref<78x128xi32, #tpu.memory_space<vmem>> -> memref<1x128xi32, #tpu.memory_space<vmem>>
        %dma_start3A_544 = tpu.memref_squeeze %dma_start3A_543 : memref<1x128xi32, #tpu.memory_space<vmem>> -> memref<128xi32, #tpu.memory_space<vmem>>
        %dma_start3A_545 = arith.constant 0 : i32
        %dma_start3A_546 = arith.constant 0 : i32
        %dma_start3A_547 = tpu.memref_slice %arg23[%dma_start3A_545, %dma_start3A_546] : memref<10112x32xf32, #tpu.memory_space<vmem_shared>> -> memref<10112x32xf32, #tpu.memory_space<vmem_shared>>
        tpu.enqueue_indirect_dma source(%dma_start3A_547 : memref<10112x32xf32, #tpu.memory_space<vmem_shared>>) target(%arg10 : memref<128x32xf32, #tpu.memory_space<vmem>>) offsets(%dma_start3A_544 : memref<128xi32, #tpu.memory_space<vmem>>) semaphore(%arg27 : memref<!tpu.dma_semaphore, #tpu.memory_space<semaphore_mem>>)
      } else {
      }
      %add3A_491 = arith.constant 11 : i32
      %add3A_492 = arith.addi %mul3A_238, %add3A_491 : i32
      %dma_wait3A_493 = arith.constant 0 : i32
      %dma_wait3A_494 = tpu.memref_slice %arg5[%add3A_492, %dma_wait3A_493] : memref<78x128xi32, #tpu.memory_space<vmem>> -> memref<1x128xi32, #tpu.memory_space<vmem>>
      %dma_wait3A_495 = tpu.memref_squeeze %dma_wait3A_494 : memref<1x128xi32, #tpu.memory_space<vmem>> -> memref<128xi32, #tpu.memory_space<vmem>>
      %dma_wait3A_496 = arith.constant 0 : i32
      %dma_wait3A_497 = arith.constant 0 : i32
      %dma_wait3A_498 = tpu.memref_slice %arg23[%dma_wait3A_496, %dma_wait3A_497] : memref<10112x32xf32, #tpu.memory_space<vmem_shared>> -> memref<10112x32xf32, #tpu.memory_space<vmem_shared>>
      tpu.wait_indirect_dma semaphore(%arg35 : memref<!tpu.dma_semaphore, #tpu.memory_space<semaphore_mem>>) src(%dma_wait3A_498 : memref<10112x32xf32, #tpu.memory_space<vmem_shared>>) dst(%arg18 : memref<128x32xf32, #tpu.memory_space<vmem>>)
      %dma_start3A_499 = arith.constant 0 : i32
      %dma_start3A_500 = tpu.memref_slice %arg6[%add3A_492, %dma_start3A_499] : memref<78x128xi32, #tpu.memory_space<vmem>> -> memref<1x128xi32, #tpu.memory_space<vmem>>
      %dma_start3A_501 = tpu.memref_squeeze %dma_start3A_500 : memref<1x128xi32, #tpu.memory_space<vmem>> -> memref<128xi32, #tpu.memory_space<vmem>>
      %dma_start3A_502 = arith.constant 0 : i32
      %dma_start3A_503 = arith.constant 0 : i32
      %dma_start3A_504 = tpu.memref_slice %arg22[%dma_start3A_502, %dma_start3A_503] : memref<10112x32xf32, #tpu.memory_space<vmem_shared>> -> memref<10112x32xf32, #tpu.memory_space<vmem_shared>>
      tpu.enqueue_indirect_dma source(%arg18 : memref<128x32xf32, #tpu.memory_space<vmem>>) target(%dma_start3A_504 : memref<10112x32xf32, #tpu.memory_space<vmem_shared>>) offsets(%dma_start3A_501 : memref<128xi32, #tpu.memory_space<vmem>>) semaphore(%arg48 : memref<!tpu.dma_semaphore, #tpu.memory_space<semaphore_mem>>) {add = true}
      %add3A_505 = arith.constant 6 : i32
      %add3A_506 = arith.addi %add3A_492, %add3A_505 : i32
      %sub3A_507 = arith.constant 13 : i32
      %sub3A_508 = arith.subi %add3A_506, %sub3A_507 : i32
      %lt3A_509 = arith.constant 78 : i32
      %lt3A_510 = arith.cmpi slt, %add3A_506, %lt3A_509 : i32
      %convert_element_type3A_511 = arith.extui %lt3A_510 : i1 to i32
      %cond3A_512 = arith.constant 0 : i32
      %cond3A_513 = arith.cmpi ne, %convert_element_type3A_511, %cond3A_512 : i32
      scf.if %cond3A_513 {
        %ge3A = arith.constant 0 : i32
        %ge3A_538 = arith.cmpi sge, %sub3A_508, %ge3A : i32
        %convert_element_type3A_539 = arith.extui %ge3A_538 : i1 to i32
        %cond3A_540 = arith.constant 0 : i32
        %cond3A_541 = arith.cmpi ne, %convert_element_type3A_539, %cond3A_540 : i32
        scf.if %cond3A_541 {
          %dma_wait3A_548 = arith.constant 0 : i32
          %dma_wait3A_549 = tpu.memref_slice %arg6[%sub3A_508, %dma_wait3A_548] : memref<78x128xi32, #tpu.memory_space<vmem>> -> memref<1x128xi32, #tpu.memory_space<vmem>>
          %dma_wait3A_550 = tpu.memref_squeeze %dma_wait3A_549 : memref<1x128xi32, #tpu.memory_space<vmem>> -> memref<128xi32, #tpu.memory_space<vmem>>
          %dma_wait3A_551 = arith.constant 0 : i32
          %dma_wait3A_552 = arith.constant 0 : i32
          %dma_wait3A_553 = tpu.memref_slice %arg22[%dma_wait3A_551, %dma_wait3A_552] : memref<10112x32xf32, #tpu.memory_space<vmem_shared>> -> memref<10112x32xf32, #tpu.memory_space<vmem_shared>>
          tpu.wait_indirect_dma semaphore(%arg41 : memref<!tpu.dma_semaphore, #tpu.memory_space<semaphore_mem>>) src(%arg11 : memref<128x32xf32, #tpu.memory_space<vmem>>) dst(%dma_wait3A_553 : memref<10112x32xf32, #tpu.memory_space<vmem_shared>>)
        } else {
        }
        %dma_start3A_542 = arith.constant 0 : i32
        %dma_start3A_543 = tpu.memref_slice %arg5[%add3A_506, %dma_start3A_542] : memref<78x128xi32, #tpu.memory_space<vmem>> -> memref<1x128xi32, #tpu.memory_space<vmem>>
        %dma_start3A_544 = tpu.memref_squeeze %dma_start3A_543 : memref<1x128xi32, #tpu.memory_space<vmem>> -> memref<128xi32, #tpu.memory_space<vmem>>
        %dma_start3A_545 = arith.constant 0 : i32
        %dma_start3A_546 = arith.constant 0 : i32
        %dma_start3A_547 = tpu.memref_slice %arg23[%dma_start3A_545, %dma_start3A_546] : memref<10112x32xf32, #tpu.memory_space<vmem_shared>> -> memref<10112x32xf32, #tpu.memory_space<vmem_shared>>
        tpu.enqueue_indirect_dma source(%dma_start3A_547 : memref<10112x32xf32, #tpu.memory_space<vmem_shared>>) target(%arg11 : memref<128x32xf32, #tpu.memory_space<vmem>>) offsets(%dma_start3A_544 : memref<128xi32, #tpu.memory_space<vmem>>) semaphore(%arg28 : memref<!tpu.dma_semaphore, #tpu.memory_space<semaphore_mem>>)
      } else {
      }
      %add3A_514 = arith.constant 12 : i32
      %add3A_515 = arith.addi %mul3A_238, %add3A_514 : i32
      %dma_wait3A_516 = arith.constant 0 : i32
      %dma_wait3A_517 = tpu.memref_slice %arg5[%add3A_515, %dma_wait3A_516] : memref<78x128xi32, #tpu.memory_space<vmem>> -> memref<1x128xi32, #tpu.memory_space<vmem>>
      %dma_wait3A_518 = tpu.memref_squeeze %dma_wait3A_517 : memref<1x128xi32, #tpu.memory_space<vmem>> -> memref<128xi32, #tpu.memory_space<vmem>>
      %dma_wait3A_519 = arith.constant 0 : i32
      %dma_wait3A_520 = arith.constant 0 : i32
      %dma_wait3A_521 = tpu.memref_slice %arg23[%dma_wait3A_519, %dma_wait3A_520] : memref<10112x32xf32, #tpu.memory_space<vmem_shared>> -> memref<10112x32xf32, #tpu.memory_space<vmem_shared>>
      tpu.wait_indirect_dma semaphore(%arg36 : memref<!tpu.dma_semaphore, #tpu.memory_space<semaphore_mem>>) src(%dma_wait3A_521 : memref<10112x32xf32, #tpu.memory_space<vmem_shared>>) dst(%arg19 : memref<128x32xf32, #tpu.memory_space<vmem>>)
      %dma_start3A_522 = arith.constant 0 : i32
      %dma_start3A_523 = tpu.memref_slice %arg6[%add3A_515, %dma_start3A_522] : memref<78x128xi32, #tpu.memory_space<vmem>> -> memref<1x128xi32, #tpu.memory_space<vmem>>
      %dma_start3A_524 = tpu.memref_squeeze %dma_start3A_523 : memref<1x128xi32, #tpu.memory_space<vmem>> -> memref<128xi32, #tpu.memory_space<vmem>>
      %dma_start3A_525 = arith.constant 0 : i32
      %dma_start3A_526 = arith.constant 0 : i32
      %dma_start3A_527 = tpu.memref_slice %arg22[%dma_start3A_525, %dma_start3A_526] : memref<10112x32xf32, #tpu.memory_space<vmem_shared>> -> memref<10112x32xf32, #tpu.memory_space<vmem_shared>>
      tpu.enqueue_indirect_dma source(%arg19 : memref<128x32xf32, #tpu.memory_space<vmem>>) target(%dma_start3A_527 : memref<10112x32xf32, #tpu.memory_space<vmem_shared>>) offsets(%dma_start3A_524 : memref<128xi32, #tpu.memory_space<vmem>>) semaphore(%arg49 : memref<!tpu.dma_semaphore, #tpu.memory_space<semaphore_mem>>) {add = true}
      %add3A_528 = arith.constant 6 : i32
      %add3A_529 = arith.addi %add3A_515, %add3A_528 : i32
      %sub3A_530 = arith.constant 13 : i32
      %sub3A_531 = arith.subi %add3A_529, %sub3A_530 : i32
      %lt3A_532 = arith.constant 78 : i32
      %lt3A_533 = arith.cmpi slt, %add3A_529, %lt3A_532 : i32
      %convert_element_type3A_534 = arith.extui %lt3A_533 : i1 to i32
      %cond3A_535 = arith.constant 0 : i32
      %cond3A_536 = arith.cmpi ne, %convert_element_type3A_534, %cond3A_535 : i32
      scf.if %cond3A_536 {
        %ge3A = arith.constant 0 : i32
        %ge3A_538 = arith.cmpi sge, %sub3A_531, %ge3A : i32
        %convert_element_type3A_539 = arith.extui %ge3A_538 : i1 to i32
        %cond3A_540 = arith.constant 0 : i32
        %cond3A_541 = arith.cmpi ne, %convert_element_type3A_539, %cond3A_540 : i32
        scf.if %cond3A_541 {
          %dma_wait3A_548 = arith.constant 0 : i32
          %dma_wait3A_549 = tpu.memref_slice %arg6[%sub3A_531, %dma_wait3A_548] : memref<78x128xi32, #tpu.memory_space<vmem>> -> memref<1x128xi32, #tpu.memory_space<vmem>>
          %dma_wait3A_550 = tpu.memref_squeeze %dma_wait3A_549 : memref<1x128xi32, #tpu.memory_space<vmem>> -> memref<128xi32, #tpu.memory_space<vmem>>
          %dma_wait3A_551 = arith.constant 0 : i32
          %dma_wait3A_552 = arith.constant 0 : i32
          %dma_wait3A_553 = tpu.memref_slice %arg22[%dma_wait3A_551, %dma_wait3A_552] : memref<10112x32xf32, #tpu.memory_space<vmem_shared>> -> memref<10112x32xf32, #tpu.memory_space<vmem_shared>>
          tpu.wait_indirect_dma semaphore(%arg42 : memref<!tpu.dma_semaphore, #tpu.memory_space<semaphore_mem>>) src(%arg12 : memref<128x32xf32, #tpu.memory_space<vmem>>) dst(%dma_wait3A_553 : memref<10112x32xf32, #tpu.memory_space<vmem_shared>>)
        } else {
        }
        %dma_start3A_542 = arith.constant 0 : i32
        %dma_start3A_543 = tpu.memref_slice %arg5[%add3A_529, %dma_start3A_542] : memref<78x128xi32, #tpu.memory_space<vmem>> -> memref<1x128xi32, #tpu.memory_space<vmem>>
        %dma_start3A_544 = tpu.memref_squeeze %dma_start3A_543 : memref<1x128xi32, #tpu.memory_space<vmem>> -> memref<128xi32, #tpu.memory_space<vmem>>
        %dma_start3A_545 = arith.constant 0 : i32
        %dma_start3A_546 = arith.constant 0 : i32
        %dma_start3A_547 = tpu.memref_slice %arg23[%dma_start3A_545, %dma_start3A_546] : memref<10112x32xf32, #tpu.memory_space<vmem_shared>> -> memref<10112x32xf32, #tpu.memory_space<vmem_shared>>
        tpu.enqueue_indirect_dma source(%dma_start3A_547 : memref<10112x32xf32, #tpu.memory_space<vmem_shared>>) target(%arg12 : memref<128x32xf32, #tpu.memory_space<vmem>>) offsets(%dma_start3A_544 : memref<128xi32, #tpu.memory_space<vmem>>) semaphore(%arg29 : memref<!tpu.dma_semaphore, #tpu.memory_space<semaphore_mem>>)
      } else {
      }
      %scan3A_537 = arith.constant 0 : i32
      scf.yield %scan3A_537 : i32
    }
    %scan3A_140 = arith.constant 6 : i32
    %dma_wait3A_141 = arith.constant 65 : i32
    %dma_wait3A_142 = arith.constant 0 : i32
    %dma_wait3A_143 = tpu.memref_slice %arg6[%dma_wait3A_141, %dma_wait3A_142] : memref<78x128xi32, #tpu.memory_space<vmem>> -> memref<1x128xi32, #tpu.memory_space<vmem>>
    %dma_wait3A_144 = tpu.memref_squeeze %dma_wait3A_143 : memref<1x128xi32, #tpu.memory_space<vmem>> -> memref<128xi32, #tpu.memory_space<vmem>>
    %dma_wait3A_145 = arith.constant 0 : i32
    %dma_wait3A_146 = arith.constant 0 : i32
    %dma_wait3A_147 = tpu.memref_slice %arg22[%dma_wait3A_145, %dma_wait3A_146] : memref<10112x32xf32, #tpu.memory_space<vmem_shared>> -> memref<10112x32xf32, #tpu.memory_space<vmem_shared>>
    tpu.wait_indirect_dma semaphore(%arg37 : memref<!tpu.dma_semaphore, #tpu.memory_space<semaphore_mem>>) src(%arg7 : memref<128x32xf32, #tpu.memory_space<vmem>>) dst(%dma_wait3A_147 : memref<10112x32xf32, #tpu.memory_space<vmem_shared>>)
    %dma_wait3A_148 = arith.constant 66 : i32
    %dma_wait3A_149 = arith.constant 0 : i32
    %dma_wait3A_150 = tpu.memref_slice %arg6[%dma_wait3A_148, %dma_wait3A_149] : memref<78x128xi32, #tpu.memory_space<vmem>> -> memref<1x128xi32, #tpu.memory_space<vmem>>
    %dma_wait3A_151 = tpu.memref_squeeze %dma_wait3A_150 : memref<1x128xi32, #tpu.memory_space<vmem>> -> memref<128xi32, #tpu.memory_space<vmem>>
    %dma_wait3A_152 = arith.constant 0 : i32
    %dma_wait3A_153 = arith.constant 0 : i32
    %dma_wait3A_154 = tpu.memref_slice %arg22[%dma_wait3A_152, %dma_wait3A_153] : memref<10112x32xf32, #tpu.memory_space<vmem_shared>> -> memref<10112x32xf32, #tpu.memory_space<vmem_shared>>
    tpu.wait_indirect_dma semaphore(%arg38 : memref<!tpu.dma_semaphore, #tpu.memory_space<semaphore_mem>>) src(%arg8 : memref<128x32xf32, #tpu.memory_space<vmem>>) dst(%dma_wait3A_154 : memref<10112x32xf32, #tpu.memory_space<vmem_shared>>)
    %dma_wait3A_155 = arith.constant 67 : i32
    %dma_wait3A_156 = arith.constant 0 : i32
    %dma_wait3A_157 = tpu.memref_slice %arg6[%dma_wait3A_155, %dma_wait3A_156] : memref<78x128xi32, #tpu.memory_space<vmem>> -> memref<1x128xi32, #tpu.memory_space<vmem>>
    %dma_wait3A_158 = tpu.memref_squeeze %dma_wait3A_157 : memref<1x128xi32, #tpu.memory_space<vmem>> -> memref<128xi32, #tpu.memory_space<vmem>>
    %dma_wait3A_159 = arith.constant 0 : i32
    %dma_wait3A_160 = arith.constant 0 : i32
    %dma_wait3A_161 = tpu.memref_slice %arg22[%dma_wait3A_159, %dma_wait3A_160] : memref<10112x32xf32, #tpu.memory_space<vmem_shared>> -> memref<10112x32xf32, #tpu.memory_space<vmem_shared>>
    tpu.wait_indirect_dma semaphore(%arg39 : memref<!tpu.dma_semaphore, #tpu.memory_space<semaphore_mem>>) src(%arg9 : memref<128x32xf32, #tpu.memory_space<vmem>>) dst(%dma_wait3A_161 : memref<10112x32xf32, #tpu.memory_space<vmem_shared>>)
    %dma_wait3A_162 = arith.constant 68 : i32
    %dma_wait3A_163 = arith.constant 0 : i32
    %dma_wait3A_164 = tpu.memref_slice %arg6[%dma_wait3A_162, %dma_wait3A_163] : memref<78x128xi32, #tpu.memory_space<vmem>> -> memref<1x128xi32, #tpu.memory_space<vmem>>
    %dma_wait3A_165 = tpu.memref_squeeze %dma_wait3A_164 : memref<1x128xi32, #tpu.memory_space<vmem>> -> memref<128xi32, #tpu.memory_space<vmem>>
    %dma_wait3A_166 = arith.constant 0 : i32
    %dma_wait3A_167 = arith.constant 0 : i32
    %dma_wait3A_168 = tpu.memref_slice %arg22[%dma_wait3A_166, %dma_wait3A_167] : memref<10112x32xf32, #tpu.memory_space<vmem_shared>> -> memref<10112x32xf32, #tpu.memory_space<vmem_shared>>
    tpu.wait_indirect_dma semaphore(%arg40 : memref<!tpu.dma_semaphore, #tpu.memory_space<semaphore_mem>>) src(%arg10 : memref<128x32xf32, #tpu.memory_space<vmem>>) dst(%dma_wait3A_168 : memref<10112x32xf32, #tpu.memory_space<vmem_shared>>)
    %dma_wait3A_169 = arith.constant 69 : i32
    %dma_wait3A_170 = arith.constant 0 : i32
    %dma_wait3A_171 = tpu.memref_slice %arg6[%dma_wait3A_169, %dma_wait3A_170] : memref<78x128xi32, #tpu.memory_space<vmem>> -> memref<1x128xi32, #tpu.memory_space<vmem>>
    %dma_wait3A_172 = tpu.memref_squeeze %dma_wait3A_171 : memref<1x128xi32, #tpu.memory_space<vmem>> -> memref<128xi32, #tpu.memory_space<vmem>>
    %dma_wait3A_173 = arith.constant 0 : i32
    %dma_wait3A_174 = arith.constant 0 : i32
    %dma_wait3A_175 = tpu.memref_slice %arg22[%dma_wait3A_173, %dma_wait3A_174] : memref<10112x32xf32, #tpu.memory_space<vmem_shared>> -> memref<10112x32xf32, #tpu.memory_space<vmem_shared>>
    tpu.wait_indirect_dma semaphore(%arg41 : memref<!tpu.dma_semaphore, #tpu.memory_space<semaphore_mem>>) src(%arg11 : memref<128x32xf32, #tpu.memory_space<vmem>>) dst(%dma_wait3A_175 : memref<10112x32xf32, #tpu.memory_space<vmem_shared>>)
    %dma_wait3A_176 = arith.constant 70 : i32
    %dma_wait3A_177 = arith.constant 0 : i32
    %dma_wait3A_178 = tpu.memref_slice %arg6[%dma_wait3A_176, %dma_wait3A_177] : memref<78x128xi32, #tpu.memory_space<vmem>> -> memref<1x128xi32, #tpu.memory_space<vmem>>
    %dma_wait3A_179 = tpu.memref_squeeze %dma_wait3A_178 : memref<1x128xi32, #tpu.memory_space<vmem>> -> memref<128xi32, #tpu.memory_space<vmem>>
    %dma_wait3A_180 = arith.constant 0 : i32
    %dma_wait3A_181 = arith.constant 0 : i32
    %dma_wait3A_182 = tpu.memref_slice %arg22[%dma_wait3A_180, %dma_wait3A_181] : memref<10112x32xf32, #tpu.memory_space<vmem_shared>> -> memref<10112x32xf32, #tpu.memory_space<vmem_shared>>
    tpu.wait_indirect_dma semaphore(%arg42 : memref<!tpu.dma_semaphore, #tpu.memory_space<semaphore_mem>>) src(%arg12 : memref<128x32xf32, #tpu.memory_space<vmem>>) dst(%dma_wait3A_182 : memref<10112x32xf32, #tpu.memory_space<vmem_shared>>)
    %dma_wait3A_183 = arith.constant 71 : i32
    %dma_wait3A_184 = arith.constant 0 : i32
    %dma_wait3A_185 = tpu.memref_slice %arg6[%dma_wait3A_183, %dma_wait3A_184] : memref<78x128xi32, #tpu.memory_space<vmem>> -> memref<1x128xi32, #tpu.memory_space<vmem>>
    %dma_wait3A_186 = tpu.memref_squeeze %dma_wait3A_185 : memref<1x128xi32, #tpu.memory_space<vmem>> -> memref<128xi32, #tpu.memory_space<vmem>>
    %dma_wait3A_187 = arith.constant 0 : i32
    %dma_wait3A_188 = arith.constant 0 : i32
    %dma_wait3A_189 = tpu.memref_slice %arg22[%dma_wait3A_187, %dma_wait3A_188] : memref<10112x32xf32, #tpu.memory_space<vmem_shared>> -> memref<10112x32xf32, #tpu.memory_space<vmem_shared>>
    tpu.wait_indirect_dma semaphore(%arg43 : memref<!tpu.dma_semaphore, #tpu.memory_space<semaphore_mem>>) src(%arg13 : memref<128x32xf32, #tpu.memory_space<vmem>>) dst(%dma_wait3A_189 : memref<10112x32xf32, #tpu.memory_space<vmem_shared>>)
    %dma_wait3A_190 = arith.constant 72 : i32
    %dma_wait3A_191 = arith.constant 0 : i32
    %dma_wait3A_192 = tpu.memref_slice %arg6[%dma_wait3A_190, %dma_wait3A_191] : memref<78x128xi32, #tpu.memory_space<vmem>> -> memref<1x128xi32, #tpu.memory_space<vmem>>
    %dma_wait3A_193 = tpu.memref_squeeze %dma_wait3A_192 : memref<1x128xi32, #tpu.memory_space<vmem>> -> memref<128xi32, #tpu.memory_space<vmem>>
    %dma_wait3A_194 = arith.constant 0 : i32
    %dma_wait3A_195 = arith.constant 0 : i32
    %dma_wait3A_196 = tpu.memref_slice %arg22[%dma_wait3A_194, %dma_wait3A_195] : memref<10112x32xf32, #tpu.memory_space<vmem_shared>> -> memref<10112x32xf32, #tpu.memory_space<vmem_shared>>
    tpu.wait_indirect_dma semaphore(%arg44 : memref<!tpu.dma_semaphore, #tpu.memory_space<semaphore_mem>>) src(%arg14 : memref<128x32xf32, #tpu.memory_space<vmem>>) dst(%dma_wait3A_196 : memref<10112x32xf32, #tpu.memory_space<vmem_shared>>)
    %dma_wait3A_197 = arith.constant 73 : i32
    %dma_wait3A_198 = arith.constant 0 : i32
    %dma_wait3A_199 = tpu.memref_slice %arg6[%dma_wait3A_197, %dma_wait3A_198] : memref<78x128xi32, #tpu.memory_space<vmem>> -> memref<1x128xi32, #tpu.memory_space<vmem>>
    %dma_wait3A_200 = tpu.memref_squeeze %dma_wait3A_199 : memref<1x128xi32, #tpu.memory_space<vmem>> -> memref<128xi32, #tpu.memory_space<vmem>>
    %dma_wait3A_201 = arith.constant 0 : i32
    %dma_wait3A_202 = arith.constant 0 : i32
    %dma_wait3A_203 = tpu.memref_slice %arg22[%dma_wait3A_201, %dma_wait3A_202] : memref<10112x32xf32, #tpu.memory_space<vmem_shared>> -> memref<10112x32xf32, #tpu.memory_space<vmem_shared>>
    tpu.wait_indirect_dma semaphore(%arg45 : memref<!tpu.dma_semaphore, #tpu.memory_space<semaphore_mem>>) src(%arg15 : memref<128x32xf32, #tpu.memory_space<vmem>>) dst(%dma_wait3A_203 : memref<10112x32xf32, #tpu.memory_space<vmem_shared>>)
    %dma_wait3A_204 = arith.constant 74 : i32
    %dma_wait3A_205 = arith.constant 0 : i32
    %dma_wait3A_206 = tpu.memref_slice %arg6[%dma_wait3A_204, %dma_wait3A_205] : memref<78x128xi32, #tpu.memory_space<vmem>> -> memref<1x128xi32, #tpu.memory_space<vmem>>
    %dma_wait3A_207 = tpu.memref_squeeze %dma_wait3A_206 : memref<1x128xi32, #tpu.memory_space<vmem>> -> memref<128xi32, #tpu.memory_space<vmem>>
    %dma_wait3A_208 = arith.constant 0 : i32
    %dma_wait3A_209 = arith.constant 0 : i32
    %dma_wait3A_210 = tpu.memref_slice %arg22[%dma_wait3A_208, %dma_wait3A_209] : memref<10112x32xf32, #tpu.memory_space<vmem_shared>> -> memref<10112x32xf32, #tpu.memory_space<vmem_shared>>
    tpu.wait_indirect_dma semaphore(%arg46 : memref<!tpu.dma_semaphore, #tpu.memory_space<semaphore_mem>>) src(%arg16 : memref<128x32xf32, #tpu.memory_space<vmem>>) dst(%dma_wait3A_210 : memref<10112x32xf32, #tpu.memory_space<vmem_shared>>)
    %dma_wait3A_211 = arith.constant 75 : i32
    %dma_wait3A_212 = arith.constant 0 : i32
    %dma_wait3A_213 = tpu.memref_slice %arg6[%dma_wait3A_211, %dma_wait3A_212] : memref<78x128xi32, #tpu.memory_space<vmem>> -> memref<1x128xi32, #tpu.memory_space<vmem>>
    %dma_wait3A_214 = tpu.memref_squeeze %dma_wait3A_213 : memref<1x128xi32, #tpu.memory_space<vmem>> -> memref<128xi32, #tpu.memory_space<vmem>>
    %dma_wait3A_215 = arith.constant 0 : i32
    %dma_wait3A_216 = arith.constant 0 : i32
    %dma_wait3A_217 = tpu.memref_slice %arg22[%dma_wait3A_215, %dma_wait3A_216] : memref<10112x32xf32, #tpu.memory_space<vmem_shared>> -> memref<10112x32xf32, #tpu.memory_space<vmem_shared>>
    tpu.wait_indirect_dma semaphore(%arg47 : memref<!tpu.dma_semaphore, #tpu.memory_space<semaphore_mem>>) src(%arg17 : memref<128x32xf32, #tpu.memory_space<vmem>>) dst(%dma_wait3A_217 : memref<10112x32xf32, #tpu.memory_space<vmem_shared>>)
    %dma_wait3A_218 = arith.constant 76 : i32
    %dma_wait3A_219 = arith.constant 0 : i32
    %dma_wait3A_220 = tpu.memref_slice %arg6[%dma_wait3A_218, %dma_wait3A_219] : memref<78x128xi32, #tpu.memory_space<vmem>> -> memref<1x128xi32, #tpu.memory_space<vmem>>
    %dma_wait3A_221 = tpu.memref_squeeze %dma_wait3A_220 : memref<1x128xi32, #tpu.memory_space<vmem>> -> memref<128xi32, #tpu.memory_space<vmem>>
    %dma_wait3A_222 = arith.constant 0 : i32
    %dma_wait3A_223 = arith.constant 0 : i32
    %dma_wait3A_224 = tpu.memref_slice %arg22[%dma_wait3A_222, %dma_wait3A_223] : memref<10112x32xf32, #tpu.memory_space<vmem_shared>> -> memref<10112x32xf32, #tpu.memory_space<vmem_shared>>
    tpu.wait_indirect_dma semaphore(%arg48 : memref<!tpu.dma_semaphore, #tpu.memory_space<semaphore_mem>>) src(%arg18 : memref<128x32xf32, #tpu.memory_space<vmem>>) dst(%dma_wait3A_224 : memref<10112x32xf32, #tpu.memory_space<vmem_shared>>)
    %dma_wait3A_225 = arith.constant 77 : i32
    %dma_wait3A_226 = arith.constant 0 : i32
    %dma_wait3A_227 = tpu.memref_slice %arg6[%dma_wait3A_225, %dma_wait3A_226] : memref<78x128xi32, #tpu.memory_space<vmem>> -> memref<1x128xi32, #tpu.memory_space<vmem>>
    %dma_wait3A_228 = tpu.memref_squeeze %dma_wait3A_227 : memref<1x128xi32, #tpu.memory_space<vmem>> -> memref<128xi32, #tpu.memory_space<vmem>>
    %dma_wait3A_229 = arith.constant 0 : i32
    %dma_wait3A_230 = arith.constant 0 : i32
    %dma_wait3A_231 = tpu.memref_slice %arg22[%dma_wait3A_229, %dma_wait3A_230] : memref<10112x32xf32, #tpu.memory_space<vmem_shared>> -> memref<10112x32xf32, #tpu.memory_space<vmem_shared>>
    tpu.wait_indirect_dma semaphore(%arg49 : memref<!tpu.dma_semaphore, #tpu.memory_space<semaphore_mem>>) src(%arg19 : memref<128x32xf32, #tpu.memory_space<vmem>>) dst(%dma_wait3A_231 : memref<10112x32xf32, #tpu.memory_space<vmem_shared>>)
    %lt3A = arith.constant 4 : i32
    %lt3A_232 = arith.cmpi slt, %add3A, %lt3A : i32
    %convert_element_type3A = arith.extui %lt3A_232 : i1 to i32
    %cond3A = arith.constant 0 : i32
    %cond3A_233 = arith.cmpi ne, %convert_element_type3A, %cond3A : i32
    scf.if %cond3A_233 {
      %add3A_235 = arith.constant 2496 : i32
      %add3A_236 = arith.addi %add3A_235, %add3A : i32
      %run_scoped3A_237 = arith.constant 0 : i32
      "tpu.region"() ({
        %run_scoped3A_256 = tpu.sem_alloc : memref<!tpu.dma_semaphore, #tpu.memory_space<semaphore_mem>>
        %dma_start3A_257 = arith.constant 0 : i32
        %dma_start3A_258 = tpu.memref_slice %arg3[%run_scoped3A_237, %add3A_236, %dma_start3A_257] : memref<2x2500x128xi32, #tpu.memory_space<hbm>> -> memref<1x1x128xi32, #tpu.memory_space<hbm>>
        %dma_start3A_259 = tpu.memref_squeeze %dma_start3A_258 : memref<1x1x128xi32, #tpu.memory_space<hbm>> -> memref<1x128xi32, #tpu.memory_space<hbm>>
        %dma_start3A_260 = arith.constant 0 : i32
        %dma_start3A_261 = tpu.memref_slice %arg3[%run_scoped3A_237, %add3A_236, %dma_start3A_260] : memref<2x2500x128xi32, #tpu.memory_space<hbm>> -> memref<1x1x128xi32, #tpu.memory_space<hbm>>
        %dma_start3A_262 = tpu.memref_squeeze %dma_start3A_261 : memref<1x1x128xi32, #tpu.memory_space<hbm>> -> memref<1x128xi32, #tpu.memory_space<hbm>>
        tpu.enqueue_dma source(%dma_start3A_262 : memref<1x128xi32, #tpu.memory_space<hbm>>) target(%arg20 : memref<1x128xi32, #tpu.memory_space<vmem>>) target_semaphore(%run_scoped3A_256 : memref<!tpu.dma_semaphore, #tpu.memory_space<semaphore_mem>>)
        %dma_wait3A_263 = arith.constant 0 : i32
        %dma_wait3A_264 = tpu.memref_slice %arg3[%run_scoped3A_237, %add3A_236, %dma_wait3A_263] : memref<2x2500x128xi32, #tpu.memory_space<hbm>> -> memref<1x1x128xi32, #tpu.memory_space<hbm>>
        %dma_wait3A_265 = tpu.memref_squeeze %dma_wait3A_264 : memref<1x1x128xi32, #tpu.memory_space<hbm>> -> memref<1x128xi32, #tpu.memory_space<hbm>>
        %dma_wait3A_266 = arith.constant 0 : i32
        %dma_wait3A_267 = tpu.memref_slice %arg3[%run_scoped3A_237, %add3A_236, %dma_wait3A_266] : memref<2x2500x128xi32, #tpu.memory_space<hbm>> -> memref<1x1x128xi32, #tpu.memory_space<hbm>>
        %dma_wait3A_268 = tpu.memref_squeeze %dma_wait3A_267 : memref<1x1x128xi32, #tpu.memory_space<hbm>> -> memref<1x128xi32, #tpu.memory_space<hbm>>
        tpu.wait_dma2 semaphore(%run_scoped3A_256 : memref<!tpu.dma_semaphore, #tpu.memory_space<semaphore_mem>>) src(%dma_wait3A_268 : memref<1x128xi32, #tpu.memory_space<hbm>>) dst(%arg20 : memref<1x128xi32, #tpu.memory_space<vmem>>)
        tpu.yield
      }) : () -> ()
      %add3A_238 = arith.constant 2496 : i32
      %add3A_239 = arith.addi %add3A_238, %add3A : i32
      %run_scoped3A_240 = arith.constant 1 : i32
      "tpu.region"() ({
        %run_scoped3A_256 = tpu.sem_alloc : memref<!tpu.dma_semaphore, #tpu.memory_space<semaphore_mem>>
        %dma_start3A_257 = arith.constant 0 : i32
        %dma_start3A_258 = tpu.memref_slice %arg3[%run_scoped3A_240, %add3A_239, %dma_start3A_257] : memref<2x2500x128xi32, #tpu.memory_space<hbm>> -> memref<1x1x128xi32, #tpu.memory_space<hbm>>
        %dma_start3A_259 = tpu.memref_squeeze %dma_start3A_258 : memref<1x1x128xi32, #tpu.memory_space<hbm>> -> memref<1x128xi32, #tpu.memory_space<hbm>>
        %dma_start3A_260 = arith.constant 0 : i32
        %dma_start3A_261 = tpu.memref_slice %arg3[%run_scoped3A_240, %add3A_239, %dma_start3A_260] : memref<2x2500x128xi32, #tpu.memory_space<hbm>> -> memref<1x1x128xi32, #tpu.memory_space<hbm>>
        %dma_start3A_262 = tpu.memref_squeeze %dma_start3A_261 : memref<1x1x128xi32, #tpu.memory_space<hbm>> -> memref<1x128xi32, #tpu.memory_space<hbm>>
        tpu.enqueue_dma source(%dma_start3A_262 : memref<1x128xi32, #tpu.memory_space<hbm>>) target(%arg21 : memref<1x128xi32, #tpu.memory_space<vmem>>) target_semaphore(%run_scoped3A_256 : memref<!tpu.dma_semaphore, #tpu.memory_space<semaphore_mem>>)
        %dma_wait3A_263 = arith.constant 0 : i32
        %dma_wait3A_264 = tpu.memref_slice %arg3[%run_scoped3A_240, %add3A_239, %dma_wait3A_263] : memref<2x2500x128xi32, #tpu.memory_space<hbm>> -> memref<1x1x128xi32, #tpu.memory_space<hbm>>
        %dma_wait3A_265 = tpu.memref_squeeze %dma_wait3A_264 : memref<1x1x128xi32, #tpu.memory_space<hbm>> -> memref<1x128xi32, #tpu.memory_space<hbm>>
        %dma_wait3A_266 = arith.constant 0 : i32
        %dma_wait3A_267 = tpu.memref_slice %arg3[%run_scoped3A_240, %add3A_239, %dma_wait3A_266] : memref<2x2500x128xi32, #tpu.memory_space<hbm>> -> memref<1x1x128xi32, #tpu.memory_space<hbm>>
        %dma_wait3A_268 = tpu.memref_squeeze %dma_wait3A_267 : memref<1x1x128xi32, #tpu.memory_space<hbm>> -> memref<1x128xi32, #tpu.memory_space<hbm>>
        tpu.wait_dma2 semaphore(%run_scoped3A_256 : memref<!tpu.dma_semaphore, #tpu.memory_space<semaphore_mem>>) src(%dma_wait3A_268 : memref<1x128xi32, #tpu.memory_space<hbm>>) dst(%arg21 : memref<1x128xi32, #tpu.memory_space<vmem>>)
        tpu.yield
      }) : () -> ()
      %dma_start3A_241 = arith.constant 0 : i32
      %dma_start3A_242 = arith.constant 0 : i32
      %dma_start3A_243 = tpu.memref_slice %arg20[%dma_start3A_241, %dma_start3A_242] : memref<1x128xi32, #tpu.memory_space<vmem>> -> memref<1x128xi32, #tpu.memory_space<vmem>>
      %dma_start3A_244 = tpu.memref_squeeze %dma_start3A_243 : memref<1x128xi32, #tpu.memory_space<vmem>> -> memref<128xi32, #tpu.memory_space<vmem>>
      %dma_start3A_245 = arith.constant 0 : i32
      %dma_start3A_246 = arith.constant 0 : i32
      %dma_start3A_247 = tpu.memref_slice %arg23[%dma_start3A_245, %dma_start3A_246] : memref<10112x32xf32, #tpu.memory_space<vmem_shared>> -> memref<10112x32xf32, #tpu.memory_space<vmem_shared>>
      tpu.enqueue_indirect_dma source(%dma_start3A_247 : memref<10112x32xf32, #tpu.memory_space<vmem_shared>>) target(%arg7 : memref<128x32xf32, #tpu.memory_space<vmem>>) offsets(%dma_start3A_244 : memref<128xi32, #tpu.memory_space<vmem>>) semaphore(%arg24 : memref<!tpu.dma_semaphore, #tpu.memory_space<semaphore_mem>>)
      %dma_wait3A_248 = arith.constant 0 : i32
      %dma_wait3A_249 = arith.constant 0 : i32
      %dma_wait3A_250 = tpu.memref_slice %arg20[%dma_wait3A_248, %dma_wait3A_249] : memref<1x128xi32, #tpu.memory_space<vmem>> -> memref<1x128xi32, #tpu.memory_space<vmem>>
      %dma_wait3A_251 = tpu.memref_squeeze %dma_wait3A_250 : memref<1x128xi32, #tpu.memory_space<vmem>> -> memref<128xi32, #tpu.memory_space<vmem>>
      %dma_wait3A_252 = arith.constant 0 : i32
      %dma_wait3A_253 = arith.constant 0 : i32
      %dma_wait3A_254 = tpu.memref_slice %arg23[%dma_wait3A_252, %dma_wait3A_253] : memref<10112x32xf32, #tpu.memory_space<vmem_shared>> -> memref<10112x32xf32, #tpu.memory_space<vmem_shared>>
      tpu.wait_indirect_dma semaphore(%arg24 : memref<!tpu.dma_semaphore, #tpu.memory_space<semaphore_mem>>) src(%dma_wait3A_254 : memref<10112x32xf32, #tpu.memory_space<vmem_shared>>) dst(%arg7 : memref<128x32xf32, #tpu.memory_space<vmem>>)
      %run_scoped3A_255 = arith.constant 0 : i32
      "tpu.region"() ({
        %run_scoped3A_256 = tpu.sem_alloc : memref<!tpu.dma_semaphore, #tpu.memory_space<semaphore_mem>>
        %dma_start3A_257 = arith.constant 0 : i32
        %dma_start3A_258 = tpu.memref_slice %arg21[%run_scoped3A_255, %dma_start3A_257] : memref<1x128xi32, #tpu.memory_space<vmem>> -> memref<1x128xi32, #tpu.memory_space<vmem>>
        %dma_start3A_259 = tpu.memref_squeeze %dma_start3A_258 : memref<1x128xi32, #tpu.memory_space<vmem>> -> memref<128xi32, #tpu.memory_space<vmem>>
        %dma_start3A_260 = arith.constant 0 : i32
        %dma_start3A_261 = arith.constant 0 : i32
        %dma_start3A_262 = tpu.memref_slice %arg22[%dma_start3A_260, %dma_start3A_261] : memref<10112x32xf32, #tpu.memory_space<vmem_shared>> -> memref<10112x32xf32, #tpu.memory_space<vmem_shared>>
        tpu.enqueue_indirect_dma source(%arg7 : memref<128x32xf32, #tpu.memory_space<vmem>>) target(%dma_start3A_262 : memref<10112x32xf32, #tpu.memory_space<vmem_shared>>) offsets(%dma_start3A_259 : memref<128xi32, #tpu.memory_space<vmem>>) semaphore(%run_scoped3A_256 : memref<!tpu.dma_semaphore, #tpu.memory_space<semaphore_mem>>) {add = true}
        %dma_wait3A_263 = arith.constant 0 : i32
        %dma_wait3A_264 = tpu.memref_slice %arg21[%run_scoped3A_255, %dma_wait3A_263] : memref<1x128xi32, #tpu.memory_space<vmem>> -> memref<1x128xi32, #tpu.memory_space<vmem>>
        %dma_wait3A_265 = tpu.memref_squeeze %dma_wait3A_264 : memref<1x128xi32, #tpu.memory_space<vmem>> -> memref<128xi32, #tpu.memory_space<vmem>>
        %dma_wait3A_266 = arith.constant 0 : i32
        %dma_wait3A_267 = arith.constant 0 : i32
        %dma_wait3A_268 = tpu.memref_slice %arg22[%dma_wait3A_266, %dma_wait3A_267] : memref<10112x32xf32, #tpu.memory_space<vmem_shared>> -> memref<10112x32xf32, #tpu.memory_space<vmem_shared>>
        tpu.wait_indirect_dma semaphore(%run_scoped3A_256 : memref<!tpu.dma_semaphore, #tpu.memory_space<semaphore_mem>>) src(%arg7 : memref<128x32xf32, #tpu.memory_space<vmem>>) dst(%dma_wait3A_268 : memref<10112x32xf32, #tpu.memory_space<vmem_shared>>)
        tpu.yield
      }) : () -> ()
    } else {
    }
    %barrier3A_234 = arith.constant 0 : index
    tpu.barrier barrier_id(%barrier3A_234)
    "tpu.region"() ({
      %run_scoped3A_235 = tpu.sem_alloc : memref<!tpu.dma_semaphore, #tpu.memory_space<semaphore_mem>>
      %dma_start3A_236 = arith.constant 0 : i32
      %dma_start3A_237 = tpu.memref_slice %arg4[%arg0, %mul3A_2, %dma_start3A_236] : memref<2x10112x32xf32, #tpu.memory_space<hbm>> -> memref<1x632x32xf32, #tpu.memory_space<hbm>>
      %dma_start3A_238 = tpu.memref_squeeze %dma_start3A_237 : memref<1x632x32xf32, #tpu.memory_space<hbm>> -> memref<632x32xf32, #tpu.memory_space<hbm>>
      %dma_start3A_239 = arith.constant 0 : i32
      %dma_start3A_240 = tpu.memref_slice %arg22[%mul3A_2, %dma_start3A_239] : memref<10112x32xf32, #tpu.memory_space<vmem_shared>> -> memref<632x32xf32, #tpu.memory_space<vmem_shared>>
      tpu.enqueue_dma source(%dma_start3A_240 : memref<632x32xf32, #tpu.memory_space<vmem_shared>>) target(%dma_start3A_238 : memref<632x32xf32, #tpu.memory_space<hbm>>) target_semaphore(%run_scoped3A_235 : memref<!tpu.dma_semaphore, #tpu.memory_space<semaphore_mem>>)
      %dma_wait3A_241 = arith.constant 0 : i32
      %dma_wait3A_242 = tpu.memref_slice %arg4[%arg0, %mul3A_2, %dma_wait3A_241] : memref<2x10112x32xf32, #tpu.memory_space<hbm>> -> memref<1x632x32xf32, #tpu.memory_space<hbm>>
      %dma_wait3A_243 = tpu.memref_squeeze %dma_wait3A_242 : memref<1x632x32xf32, #tpu.memory_space<hbm>> -> memref<632x32xf32, #tpu.memory_space<hbm>>
      %dma_wait3A_244 = arith.constant 0 : i32
      %dma_wait3A_245 = tpu.memref_slice %arg22[%mul3A_2, %dma_wait3A_244] : memref<10112x32xf32, #tpu.memory_space<vmem_shared>> -> memref<632x32xf32, #tpu.memory_space<vmem_shared>>
      tpu.wait_dma2 semaphore(%run_scoped3A_235 : memref<!tpu.dma_semaphore, #tpu.memory_space<semaphore_mem>>) src(%dma_wait3A_245 : memref<632x32xf32, #tpu.memory_space<vmem_shared>>) dst(%dma_wait3A_243 : memref<632x32xf32, #tpu.memory_space<hbm>>)
      tpu.yield
    }) : () -> ()
    return
  }
}

#map = affine_map<(d0, d1) -> (0, 0)>
#map1 = affine_map<(d0, d1) -> (0, 0, 0)>
#map2 = affine_map<(d0, d1) -> (0)>
module attributes {stable_mosaic.version = 14 : i64} {
  func.func @_sc_layer2(%arg0: i32, %arg1: i32, %arg2: memref<10112x128xf32, #tpu.memory_space<hbm>>, %arg3: memref<2x10112x32xf32, #tpu.memory_space<hbm>>, %arg4: memref<16xf32, #tpu.memory_space<hbm>>, %arg5: memref<2x2500x128xi32, #tpu.memory_space<hbm>>, %arg6: memref<10112x128xf32, #tpu.memory_space<hbm>>, %arg7: memref<78x128xi32, #tpu.memory_space<vmem>>, %arg8: memref<78x128xi32, #tpu.memory_space<vmem>>, %arg9: memref<128x16xf32, #tpu.memory_space<vmem>>, %arg10: memref<128x16xf32, #tpu.memory_space<vmem>>, %arg11: memref<128x16xf32, #tpu.memory_space<vmem>>, %arg12: memref<128x16xf32, #tpu.memory_space<vmem>>, %arg13: memref<128x16xf32, #tpu.memory_space<vmem>>, %arg14: memref<128x16xf32, #tpu.memory_space<vmem>>, %arg15: memref<1x128xi32, #tpu.memory_space<vmem>>, %arg16: memref<1x128xi32, #tpu.memory_space<vmem>>, %arg17: memref<632x32xf32, #tpu.memory_space<vmem>>, %arg18: memref<632x32xf32, #tpu.memory_space<vmem>>, %arg19: memref<632x16xf32, #tpu.memory_space<vmem>>, %arg20: memref<632x16xf32, #tpu.memory_space<vmem>>, %arg21: memref<632x16xf32, #tpu.memory_space<vmem>>, %arg22: memref<16xf32, #tpu.memory_space<vmem>>, %arg23: memref<10112x16xf32, #tpu.memory_space<vmem_shared>>, %arg24: memref<10112x16xf32, #tpu.memory_space<vmem_shared>>, %arg25: memref<!tpu.dma_semaphore, #tpu.memory_space<semaphore_mem>>, %arg26: memref<!tpu.dma_semaphore, #tpu.memory_space<semaphore_mem>>, %arg27: memref<!tpu.dma_semaphore, #tpu.memory_space<semaphore_mem>>, %arg28: memref<!tpu.dma_semaphore, #tpu.memory_space<semaphore_mem>>, %arg29: memref<!tpu.dma_semaphore, #tpu.memory_space<semaphore_mem>>, %arg30: memref<!tpu.dma_semaphore, #tpu.memory_space<semaphore_mem>>, %arg31: memref<!tpu.dma_semaphore, #tpu.memory_space<semaphore_mem>>, %arg32: memref<!tpu.dma_semaphore, #tpu.memory_space<semaphore_mem>>, %arg33: memref<!tpu.dma_semaphore, #tpu.memory_space<semaphore_mem>>, %arg34: memref<!tpu.dma_semaphore, #tpu.memory_space<semaphore_mem>>, %arg35: memref<!tpu.dma_semaphore, #tpu.memory_space<semaphore_mem>>, %arg36: memref<!tpu.dma_semaphore, #tpu.memory_space<semaphore_mem>>) attributes {dimension_semantics = [#tpu.dimension_semantics<core_parallel>, #tpu.dimension_semantics<subcore_parallel>], iteration_bounds = array<i64: 2, 16>, scalar_prefetch = 0 : i64, scratch_operands = 30 : i64, tpu.core_type = #tpu.core_type<sc_vector_subcore>, window_params = [{transform_indices = #map}, {transform_indices = #map1}, {transform_indices = #map2}, {transform_indices = #map1}, {transform_indices = #map}]} {
    %mul3A = arith.constant 16 : i32
    %mul3A_0 = arith.muli %arg0, %mul3A : i32
    %add3A = arith.addi %mul3A_0, %arg1 : i32
    %mul3A_1 = arith.constant 632 : i32
    %mul3A_2 = arith.muli %arg1, %mul3A_1 : i32
    %dma_start3A = arith.constant 0 : i32
    %dma_start3A_3 = arith.constant 0 : i32
    %dma_start3A_4 = tpu.memref_slice %arg3[%dma_start3A, %mul3A_2, %dma_start3A_3] : memref<2x10112x32xf32, #tpu.memory_space<hbm>> -> memref<1x632x32xf32, #tpu.memory_space<hbm>>
    %dma_start3A_5 = tpu.memref_squeeze %dma_start3A_4 : memref<1x632x32xf32, #tpu.memory_space<hbm>> -> memref<632x32xf32, #tpu.memory_space<hbm>>
    %dma_start3A_6 = arith.constant 0 : i32
    %dma_start3A_7 = tpu.memref_slice %arg3[%dma_start3A, %mul3A_2, %dma_start3A_6] : memref<2x10112x32xf32, #tpu.memory_space<hbm>> -> memref<1x632x32xf32, #tpu.memory_space<hbm>>
    %dma_start3A_8 = tpu.memref_squeeze %dma_start3A_7 : memref<1x632x32xf32, #tpu.memory_space<hbm>> -> memref<632x32xf32, #tpu.memory_space<hbm>>
    tpu.enqueue_dma source(%dma_start3A_8 : memref<632x32xf32, #tpu.memory_space<hbm>>) target(%arg17 : memref<632x32xf32, #tpu.memory_space<vmem>>) target_semaphore(%arg25 : memref<!tpu.dma_semaphore, #tpu.memory_space<semaphore_mem>>)
    %dma_start3A_9 = arith.constant 1 : i32
    %dma_start3A_10 = arith.constant 0 : i32
    %dma_start3A_11 = tpu.memref_slice %arg3[%dma_start3A_9, %mul3A_2, %dma_start3A_10] : memref<2x10112x32xf32, #tpu.memory_space<hbm>> -> memref<1x632x32xf32, #tpu.memory_space<hbm>>
    %dma_start3A_12 = tpu.memref_squeeze %dma_start3A_11 : memref<1x632x32xf32, #tpu.memory_space<hbm>> -> memref<632x32xf32, #tpu.memory_space<hbm>>
    %dma_start3A_13 = arith.constant 0 : i32
    %dma_start3A_14 = tpu.memref_slice %arg3[%dma_start3A_9, %mul3A_2, %dma_start3A_13] : memref<2x10112x32xf32, #tpu.memory_space<hbm>> -> memref<1x632x32xf32, #tpu.memory_space<hbm>>
    %dma_start3A_15 = tpu.memref_squeeze %dma_start3A_14 : memref<1x632x32xf32, #tpu.memory_space<hbm>> -> memref<632x32xf32, #tpu.memory_space<hbm>>
    tpu.enqueue_dma source(%dma_start3A_15 : memref<632x32xf32, #tpu.memory_space<hbm>>) target(%arg18 : memref<632x32xf32, #tpu.memory_space<vmem>>) target_semaphore(%arg26 : memref<!tpu.dma_semaphore, #tpu.memory_space<semaphore_mem>>)
    %dma_start3A_16 = arith.constant 32 : i32
    %dma_start3A_17 = tpu.memref_slice %arg2[%mul3A_2, %dma_start3A_16] : memref<10112x128xf32, #tpu.memory_space<hbm>> -> memref<632x16xf32, #tpu.memory_space<hbm>>
    %dma_start3A_18 = arith.constant 32 : i32
    %dma_start3A_19 = tpu.memref_slice %arg2[%mul3A_2, %dma_start3A_18] : memref<10112x128xf32, #tpu.memory_space<hbm>> -> memref<632x16xf32, #tpu.memory_space<hbm>>
    tpu.enqueue_dma source(%dma_start3A_19 : memref<632x16xf32, #tpu.memory_space<hbm>>) target(%arg19 : memref<632x16xf32, #tpu.memory_space<vmem>>) target_semaphore(%arg27 : memref<!tpu.dma_semaphore, #tpu.memory_space<semaphore_mem>>)
    tpu.enqueue_dma source(%arg4 : memref<16xf32, #tpu.memory_space<hbm>>) target(%arg22 : memref<16xf32, #tpu.memory_space<vmem>>) target_semaphore(%arg28 : memref<!tpu.dma_semaphore, #tpu.memory_space<semaphore_mem>>)
    %dma_wait3A = arith.constant 0 : i32
    %dma_wait3A_20 = arith.constant 0 : i32
    %dma_wait3A_21 = tpu.memref_slice %arg3[%dma_wait3A, %mul3A_2, %dma_wait3A_20] : memref<2x10112x32xf32, #tpu.memory_space<hbm>> -> memref<1x632x32xf32, #tpu.memory_space<hbm>>
    %dma_wait3A_22 = tpu.memref_squeeze %dma_wait3A_21 : memref<1x632x32xf32, #tpu.memory_space<hbm>> -> memref<632x32xf32, #tpu.memory_space<hbm>>
    %dma_wait3A_23 = arith.constant 0 : i32
    %dma_wait3A_24 = tpu.memref_slice %arg3[%dma_wait3A, %mul3A_2, %dma_wait3A_23] : memref<2x10112x32xf32, #tpu.memory_space<hbm>> -> memref<1x632x32xf32, #tpu.memory_space<hbm>>
    %dma_wait3A_25 = tpu.memref_squeeze %dma_wait3A_24 : memref<1x632x32xf32, #tpu.memory_space<hbm>> -> memref<632x32xf32, #tpu.memory_space<hbm>>
    tpu.wait_dma2 semaphore(%arg25 : memref<!tpu.dma_semaphore, #tpu.memory_space<semaphore_mem>>) src(%dma_wait3A_25 : memref<632x32xf32, #tpu.memory_space<hbm>>) dst(%arg17 : memref<632x32xf32, #tpu.memory_space<vmem>>)
    %dma_wait3A_26 = arith.constant 1 : i32
    %dma_wait3A_27 = arith.constant 0 : i32
    %dma_wait3A_28 = tpu.memref_slice %arg3[%dma_wait3A_26, %mul3A_2, %dma_wait3A_27] : memref<2x10112x32xf32, #tpu.memory_space<hbm>> -> memref<1x632x32xf32, #tpu.memory_space<hbm>>
    %dma_wait3A_29 = tpu.memref_squeeze %dma_wait3A_28 : memref<1x632x32xf32, #tpu.memory_space<hbm>> -> memref<632x32xf32, #tpu.memory_space<hbm>>
    %dma_wait3A_30 = arith.constant 0 : i32
    %dma_wait3A_31 = tpu.memref_slice %arg3[%dma_wait3A_26, %mul3A_2, %dma_wait3A_30] : memref<2x10112x32xf32, #tpu.memory_space<hbm>> -> memref<1x632x32xf32, #tpu.memory_space<hbm>>
    %dma_wait3A_32 = tpu.memref_squeeze %dma_wait3A_31 : memref<1x632x32xf32, #tpu.memory_space<hbm>> -> memref<632x32xf32, #tpu.memory_space<hbm>>
    tpu.wait_dma2 semaphore(%arg26 : memref<!tpu.dma_semaphore, #tpu.memory_space<semaphore_mem>>) src(%dma_wait3A_32 : memref<632x32xf32, #tpu.memory_space<hbm>>) dst(%arg18 : memref<632x32xf32, #tpu.memory_space<vmem>>)
    %dma_wait3A_33 = arith.constant 32 : i32
    %dma_wait3A_34 = tpu.memref_slice %arg2[%mul3A_2, %dma_wait3A_33] : memref<10112x128xf32, #tpu.memory_space<hbm>> -> memref<632x16xf32, #tpu.memory_space<hbm>>
    %dma_wait3A_35 = arith.constant 32 : i32
    %dma_wait3A_36 = tpu.memref_slice %arg2[%mul3A_2, %dma_wait3A_35] : memref<10112x128xf32, #tpu.memory_space<hbm>> -> memref<632x16xf32, #tpu.memory_space<hbm>>
    tpu.wait_dma2 semaphore(%arg27 : memref<!tpu.dma_semaphore, #tpu.memory_space<semaphore_mem>>) src(%dma_wait3A_36 : memref<632x16xf32, #tpu.memory_space<hbm>>) dst(%arg19 : memref<632x16xf32, #tpu.memory_space<vmem>>)
    tpu.wait_dma2 semaphore(%arg28 : memref<!tpu.dma_semaphore, #tpu.memory_space<semaphore_mem>>) src(%arg4 : memref<16xf32, #tpu.memory_space<hbm>>) dst(%arg22 : memref<16xf32, #tpu.memory_space<vmem>>)
    %get3A = arith.constant 0 : index
    %get3A_37 = tpu.vector_load %arg22[%get3A] {strides = array<i32>} : memref<16xf32, #tpu.memory_space<vmem>>, vector<16xf32>,
    %get3A_38 = vector.shape_cast %get3A_37 : vector<16xf32> to vector<16xf32>
    %scan3A = arith.constant 0 : i32
    %scan3A_39 = arith.constant 0 : i32
    %scan3A_40 = arith.constant 316 : i32
    %scan3A_41 = arith.addi %scan3A_39, %scan3A_40 : i32
    %scan3A_42 = arith.constant 1 : i32
    %scan3A_43 = scf.for %scan3A_157 = %scan3A_39 to %scan3A_41 step %scan3A_42 iter_args(%scan3A_158 = %scan3A) -> (i32)  : i32 {
      %mul3A_159 = arith.constant 2 : i32
      %mul3A_160 = arith.muli %mul3A_159, %scan3A_157 : i32
      %get3A_161 = arith.index_cast %mul3A_160 : i32 to index
      %get3A_162 = arith.constant 0 : index
      %get3A_163 = tpu.vector_load %arg17[%get3A_161, %get3A_162] {strides = array<i32>} : memref<632x32xf32, #tpu.memory_space<vmem>>, vector<1x16xf32>,
      %get3A_164 = vector.shape_cast %get3A_163 : vector<1x16xf32> to vector<16xf32>
      %get3A_165 = arith.index_cast %mul3A_160 : i32 to index
      %get3A_166 = arith.constant 0 : index
      %get3A_167 = tpu.vector_load %arg18[%get3A_165, %get3A_166] {strides = array<i32>} : memref<632x32xf32, #tpu.memory_space<vmem>>, vector<1x16xf32>,
      %get3A_168 = vector.shape_cast %get3A_167 : vector<1x16xf32> to vector<16xf32>
      %add3A_169 = arith.addf %get3A_164, %get3A_168 : vector<16xf32>
      %get3A_170 = arith.index_cast %mul3A_160 : i32 to index
      %get3A_171 = arith.constant 16 : index
      %get3A_172 = tpu.vector_load %arg17[%get3A_170, %get3A_171] {strides = array<i32>} : memref<632x32xf32, #tpu.memory_space<vmem>>, vector<1x16xf32>,
      %get3A_173 = vector.shape_cast %get3A_172 : vector<1x16xf32> to vector<16xf32>
      %get3A_174 = arith.index_cast %mul3A_160 : i32 to index
      %get3A_175 = arith.constant 16 : index
      %get3A_176 = tpu.vector_load %arg18[%get3A_174, %get3A_175] {strides = array<i32>} : memref<632x32xf32, #tpu.memory_space<vmem>>, vector<1x16xf32>,
      %get3A_177 = vector.shape_cast %get3A_176 : vector<1x16xf32> to vector<16xf32>
      %add3A_178 = arith.addf %get3A_173, %get3A_177 : vector<16xf32>
      %max3A = arith.constant 1.000000e+00 : f32
      %max3A_179 = vector.broadcast %max3A : f32 to vector<16xf32>
      %max3A_180 = arith.maximumf %add3A_178, %max3A_179 : vector<16xf32>
      %div3A = arith.constant 1.000000e+00 : f32
      %div3A_181 = vector.broadcast %div3A : f32 to vector<16xf32>
      %div3A_182 = arith.divf %div3A_181, %max3A_180 : vector<16xf32>
      %mul3A_183 = arith.mulf %add3A_169, %div3A_182 : vector<16xf32>
      %add3A_184 = arith.addf %mul3A_183, %get3A_38 : vector<16xf32>
      %get3A_185 = arith.index_cast %mul3A_160 : i32 to index
      %get3A_186 = arith.constant 0 : index
      %get3A_187 = tpu.vector_load %arg19[%get3A_185, %get3A_186] {strides = array<i32>} : memref<632x16xf32, #tpu.memory_space<vmem>>, vector<1x16xf32>,
      %get3A_188 = vector.shape_cast %get3A_187 : vector<1x16xf32> to vector<16xf32>
      %add3A_189 = arith.addf %add3A_184, %get3A_188 : vector<16xf32>
      %max3A_190 = arith.constant 0.000000e+00 : f32
      %max3A_191 = vector.broadcast %max3A_190 : f32 to vector<16xf32>
      %max3A_192 = arith.maximumf %add3A_189, %max3A_191 : vector<16xf32>
      %swap3A = arith.index_cast %mul3A_160 : i32 to index
      %swap3A_193 = arith.constant 0 : index
      %swap3A_194 = tpu.vector_load %arg20[%swap3A, %swap3A_193] {strides = array<i32>} : memref<632x16xf32, #tpu.memory_space<vmem>>, vector<1x16xf32>,
      %swap3A_195 = vector.shape_cast %swap3A_194 : vector<1x16xf32> to vector<16xf32>
      %swap3A_196 = vector.shape_cast %max3A_192 : vector<16xf32> to vector<1x16xf32>
      tpu.vector_store %arg20[%swap3A, %swap3A_193], %swap3A_196 {strides = array<i32>} : memref<632x16xf32, #tpu.memory_space<vmem>>, vector<1x16xf32>,
      %swap3A_197 = arith.index_cast %mul3A_160 : i32 to index
      %swap3A_198 = arith.constant 0 : index
      %swap3A_199 = tpu.vector_load %arg21[%swap3A_197, %swap3A_198] {strides = array<i32>} : memref<632x16xf32, #tpu.memory_space<vmem>>, vector<1x16xf32>,
      %swap3A_200 = vector.shape_cast %swap3A_199 : vector<1x16xf32> to vector<16xf32>
      %swap3A_201 = vector.shape_cast %div3A_182 : vector<16xf32> to vector<1x16xf32>
      tpu.vector_store %arg21[%swap3A_197, %swap3A_198], %swap3A_201 {strides = array<i32>} : memref<632x16xf32, #tpu.memory_space<vmem>>, vector<1x16xf32>,
      %broadcast_in_dim3A = arith.constant 0.000000e+00 : f32
      %broadcast_in_dim3A_202 = vector.broadcast %broadcast_in_dim3A : f32 to vector<16xf32>
      %swap3A_203 = arith.index_cast %mul3A_160 : i32 to index
      %swap3A_204 = arith.constant 0 : index
      %swap3A_205 = tpu.vector_load %arg17[%swap3A_203, %swap3A_204] {strides = array<i32>} : memref<632x32xf32, #tpu.memory_space<vmem>>, vector<1x16xf32>,
      %swap3A_206 = vector.shape_cast %swap3A_205 : vector<1x16xf32> to vector<16xf32>
      %swap3A_207 = vector.shape_cast %broadcast_in_dim3A_202 : vector<16xf32> to vector<1x16xf32>
      tpu.vector_store %arg17[%swap3A_203, %swap3A_204], %swap3A_207 {strides = array<i32>} : memref<632x32xf32, #tpu.memory_space<vmem>>, vector<1x16xf32>,
      %mul3A_208 = arith.constant 2 : i32
      %mul3A_209 = arith.muli %mul3A_208, %scan3A_157 : i32
      %add3A_210 = arith.constant 1 : i32
      %add3A_211 = arith.addi %mul3A_209, %add3A_210 : i32
      %get3A_212 = arith.index_cast %add3A_211 : i32 to index
      %get3A_213 = arith.constant 0 : index
      %get3A_214 = tpu.vector_load %arg17[%get3A_212, %get3A_213] {strides = array<i32>} : memref<632x32xf32, #tpu.memory_space<vmem>>, vector<1x16xf32>,
      %get3A_215 = vector.shape_cast %get3A_214 : vector<1x16xf32> to vector<16xf32>
      %get3A_216 = arith.index_cast %add3A_211 : i32 to index
      %get3A_217 = arith.constant 0 : index
      %get3A_218 = tpu.vector_load %arg18[%get3A_216, %get3A_217] {strides = array<i32>} : memref<632x32xf32, #tpu.memory_space<vmem>>, vector<1x16xf32>,
      %get3A_219 = vector.shape_cast %get3A_218 : vector<1x16xf32> to vector<16xf32>
      %add3A_220 = arith.addf %get3A_215, %get3A_219 : vector<16xf32>
      %get3A_221 = arith.index_cast %add3A_211 : i32 to index
      %get3A_222 = arith.constant 16 : index
      %get3A_223 = tpu.vector_load %arg17[%get3A_221, %get3A_222] {strides = array<i32>} : memref<632x32xf32, #tpu.memory_space<vmem>>, vector<1x16xf32>,
      %get3A_224 = vector.shape_cast %get3A_223 : vector<1x16xf32> to vector<16xf32>
      %get3A_225 = arith.index_cast %add3A_211 : i32 to index
      %get3A_226 = arith.constant 16 : index
      %get3A_227 = tpu.vector_load %arg18[%get3A_225, %get3A_226] {strides = array<i32>} : memref<632x32xf32, #tpu.memory_space<vmem>>, vector<1x16xf32>,
      %get3A_228 = vector.shape_cast %get3A_227 : vector<1x16xf32> to vector<16xf32>
      %add3A_229 = arith.addf %get3A_224, %get3A_228 : vector<16xf32>
      %max3A_230 = arith.constant 1.000000e+00 : f32
      %max3A_231 = vector.broadcast %max3A_230 : f32 to vector<16xf32>
      %max3A_232 = arith.maximumf %add3A_229, %max3A_231 : vector<16xf32>
      %div3A_233 = arith.constant 1.000000e+00 : f32
      %div3A_234 = vector.broadcast %div3A_233 : f32 to vector<16xf32>
      %div3A_235 = arith.divf %div3A_234, %max3A_232 : vector<16xf32>
      %mul3A_236 = arith.mulf %add3A_220, %div3A_235 : vector<16xf32>
      %add3A_237 = arith.addf %mul3A_236, %get3A_38 : vector<16xf32>
      %get3A_238 = arith.index_cast %add3A_211 : i32 to index
      %get3A_239 = arith.constant 0 : index
      %get3A_240 = tpu.vector_load %arg19[%get3A_238, %get3A_239] {strides = array<i32>} : memref<632x16xf32, #tpu.memory_space<vmem>>, vector<1x16xf32>,
      %get3A_241 = vector.shape_cast %get3A_240 : vector<1x16xf32> to vector<16xf32>
      %add3A_242 = arith.addf %add3A_237, %get3A_241 : vector<16xf32>
      %max3A_243 = arith.constant 0.000000e+00 : f32
      %max3A_244 = vector.broadcast %max3A_243 : f32 to vector<16xf32>
      %max3A_245 = arith.maximumf %add3A_242, %max3A_244 : vector<16xf32>
      %swap3A_246 = arith.index_cast %add3A_211 : i32 to index
      %swap3A_247 = arith.constant 0 : index
      %swap3A_248 = tpu.vector_load %arg20[%swap3A_246, %swap3A_247] {strides = array<i32>} : memref<632x16xf32, #tpu.memory_space<vmem>>, vector<1x16xf32>,
      %swap3A_249 = vector.shape_cast %swap3A_248 : vector<1x16xf32> to vector<16xf32>
      %swap3A_250 = vector.shape_cast %max3A_245 : vector<16xf32> to vector<1x16xf32>
      tpu.vector_store %arg20[%swap3A_246, %swap3A_247], %swap3A_250 {strides = array<i32>} : memref<632x16xf32, #tpu.memory_space<vmem>>, vector<1x16xf32>,
      %swap3A_251 = arith.index_cast %add3A_211 : i32 to index
      %swap3A_252 = arith.constant 0 : index
      %swap3A_253 = tpu.vector_load %arg21[%swap3A_251, %swap3A_252] {strides = array<i32>} : memref<632x16xf32, #tpu.memory_space<vmem>>, vector<1x16xf32>,
      %swap3A_254 = vector.shape_cast %swap3A_253 : vector<1x16xf32> to vector<16xf32>
      %swap3A_255 = vector.shape_cast %div3A_235 : vector<16xf32> to vector<1x16xf32>
      tpu.vector_store %arg21[%swap3A_251, %swap3A_252], %swap3A_255 {strides = array<i32>} : memref<632x16xf32, #tpu.memory_space<vmem>>, vector<1x16xf32>,
      %broadcast_in_dim3A_256 = arith.constant 0.000000e+00 : f32
      %broadcast_in_dim3A_257 = vector.broadcast %broadcast_in_dim3A_256 : f32 to vector<16xf32>
      %swap3A_258 = arith.index_cast %add3A_211 : i32 to index
      %swap3A_259 = arith.constant 0 : index
      %swap3A_260 = tpu.vector_load %arg17[%swap3A_258, %swap3A_259] {strides = array<i32>} : memref<632x32xf32, #tpu.memory_space<vmem>>, vector<1x16xf32>,
      %swap3A_261 = vector.shape_cast %swap3A_260 : vector<1x16xf32> to vector<16xf32>
      %swap3A_262 = vector.shape_cast %broadcast_in_dim3A_257 : vector<16xf32> to vector<1x16xf32>
      tpu.vector_store %arg17[%swap3A_258, %swap3A_259], %swap3A_262 {strides = array<i32>} : memref<632x32xf32, #tpu.memory_space<vmem>>, vector<1x16xf32>,
      %scan3A_263 = arith.constant 0 : i32
      scf.yield %scan3A_263 : i32
    }
    %scan3A_44 = arith.constant 316 : i32
    %dma_start3A_45 = arith.constant 0 : i32
    %dma_start3A_46 = tpu.memref_slice %arg24[%mul3A_2, %dma_start3A_45] : memref<10112x16xf32, #tpu.memory_space<vmem_shared>> -> memref<632x16xf32, #tpu.memory_space<vmem_shared>>
    %dma_start3A_47 = arith.constant 0 : i32
    %dma_start3A_48 = tpu.memref_slice %arg24[%mul3A_2, %dma_start3A_47] : memref<10112x16xf32, #tpu.memory_space<vmem_shared>> -> memref<632x16xf32, #tpu.memory_space<vmem_shared>>
    tpu.enqueue_dma source(%arg20 : memref<632x16xf32, #tpu.memory_space<vmem>>) target(%dma_start3A_48 : memref<632x16xf32, #tpu.memory_space<vmem_shared>>) target_semaphore(%arg25 : memref<!tpu.dma_semaphore, #tpu.memory_space<semaphore_mem>>)
    %dma_start3A_49 = arith.constant 0 : i32
    %dma_start3A_50 = arith.constant 0 : i32
    %dma_start3A_51 = tpu.memref_slice %arg17[%dma_start3A_49, %dma_start3A_50] : memref<632x32xf32, #tpu.memory_space<vmem>> -> memref<632x16xf32, #tpu.memory_space<vmem>>
    %dma_start3A_52 = arith.constant 0 : i32
    %dma_start3A_53 = tpu.memref_slice %arg23[%mul3A_2, %dma_start3A_52] : memref<10112x16xf32, #tpu.memory_space<vmem_shared>> -> memref<632x16xf32, #tpu.memory_space<vmem_shared>>
    %dma_start3A_54 = arith.constant 0 : i32
    %dma_start3A_55 = tpu.memref_slice %arg23[%mul3A_2, %dma_start3A_54] : memref<10112x16xf32, #tpu.memory_space<vmem_shared>> -> memref<632x16xf32, #tpu.memory_space<vmem_shared>>
    %dma_start3A_56 = arith.constant 0 : i32
    %dma_start3A_57 = arith.constant 0 : i32
    %dma_start3A_58 = tpu.memref_slice %arg17[%dma_start3A_56, %dma_start3A_57] : memref<632x32xf32, #tpu.memory_space<vmem>> -> memref<632x16xf32, #tpu.memory_space<vmem>>
    tpu.enqueue_dma source(%dma_start3A_58 : memref<632x16xf32, #tpu.memory_space<vmem>>) target(%dma_start3A_55 : memref<632x16xf32, #tpu.memory_space<vmem_shared>>) target_semaphore(%arg26 : memref<!tpu.dma_semaphore, #tpu.memory_space<semaphore_mem>>)
    %eq3A = arith.constant 0 : i32
    %eq3A_59 = arith.cmpi eq, %arg0, %eq3A : i32
    %convert_element_type3A = arith.extui %eq3A_59 : i1 to i32
    %cond3A = arith.constant 0 : i32
    %cond3A_60 = arith.cmpi ne, %convert_element_type3A, %cond3A : i32
    scf.if %cond3A_60 {
      %dma_start3A_157 = arith.constant 32 : i32
      %dma_start3A_158 = tpu.memref_slice %arg6[%mul3A_2, %dma_start3A_157] : memref<10112x128xf32, #tpu.memory_space<hbm>> -> memref<632x16xf32, #tpu.memory_space<hbm>>
      %dma_start3A_159 = arith.constant 32 : i32
      %dma_start3A_160 = tpu.memref_slice %arg6[%mul3A_2, %dma_start3A_159] : memref<10112x128xf32, #tpu.memory_space<hbm>> -> memref<632x16xf32, #tpu.memory_space<hbm>>
      tpu.enqueue_dma source(%arg20 : memref<632x16xf32, #tpu.memory_space<vmem>>) target(%dma_start3A_160 : memref<632x16xf32, #tpu.memory_space<hbm>>) target_semaphore(%arg31 : memref<!tpu.dma_semaphore, #tpu.memory_space<semaphore_mem>>)
      %dma_start3A_161 = arith.constant 48 : i32
      %dma_start3A_162 = tpu.memref_slice %arg6[%mul3A_2, %dma_start3A_161] : memref<10112x128xf32, #tpu.memory_space<hbm>> -> memref<632x16xf32, #tpu.memory_space<hbm>>
      %dma_start3A_163 = arith.constant 48 : i32
      %dma_start3A_164 = tpu.memref_slice %arg6[%mul3A_2, %dma_start3A_163] : memref<10112x128xf32, #tpu.memory_space<hbm>> -> memref<632x16xf32, #tpu.memory_space<hbm>>
      tpu.enqueue_dma source(%arg21 : memref<632x16xf32, #tpu.memory_space<vmem>>) target(%dma_start3A_164 : memref<632x16xf32, #tpu.memory_space<hbm>>) target_semaphore(%arg32 : memref<!tpu.dma_semaphore, #tpu.memory_space<semaphore_mem>>)
      %dma_wait3A_165 = arith.constant 32 : i32
      %dma_wait3A_166 = tpu.memref_slice %arg6[%mul3A_2, %dma_wait3A_165] : memref<10112x128xf32, #tpu.memory_space<hbm>> -> memref<632x16xf32, #tpu.memory_space<hbm>>
      %dma_wait3A_167 = arith.constant 32 : i32
      %dma_wait3A_168 = tpu.memref_slice %arg6[%mul3A_2, %dma_wait3A_167] : memref<10112x128xf32, #tpu.memory_space<hbm>> -> memref<632x16xf32, #tpu.memory_space<hbm>>
      tpu.wait_dma2 semaphore(%arg31 : memref<!tpu.dma_semaphore, #tpu.memory_space<semaphore_mem>>) src(%arg20 : memref<632x16xf32, #tpu.memory_space<vmem>>) dst(%dma_wait3A_168 : memref<632x16xf32, #tpu.memory_space<hbm>>)
      %dma_wait3A_169 = arith.constant 48 : i32
      %dma_wait3A_170 = tpu.memref_slice %arg6[%mul3A_2, %dma_wait3A_169] : memref<10112x128xf32, #tpu.memory_space<hbm>> -> memref<632x16xf32, #tpu.memory_space<hbm>>
      %dma_wait3A_171 = arith.constant 48 : i32
      %dma_wait3A_172 = tpu.memref_slice %arg6[%mul3A_2, %dma_wait3A_171] : memref<10112x128xf32, #tpu.memory_space<hbm>> -> memref<632x16xf32, #tpu.memory_space<hbm>>
      tpu.wait_dma2 semaphore(%arg32 : memref<!tpu.dma_semaphore, #tpu.memory_space<semaphore_mem>>) src(%arg21 : memref<632x16xf32, #tpu.memory_space<vmem>>) dst(%dma_wait3A_172 : memref<632x16xf32, #tpu.memory_space<hbm>>)
    } else {
    }
    %dma_wait3A_61 = arith.constant 0 : i32
    %dma_wait3A_62 = tpu.memref_slice %arg24[%mul3A_2, %dma_wait3A_61] : memref<10112x16xf32, #tpu.memory_space<vmem_shared>> -> memref<632x16xf32, #tpu.memory_space<vmem_shared>>
    %dma_wait3A_63 = arith.constant 0 : i32
    %dma_wait3A_64 = tpu.memref_slice %arg24[%mul3A_2, %dma_wait3A_63] : memref<10112x16xf32, #tpu.memory_space<vmem_shared>> -> memref<632x16xf32, #tpu.memory_space<vmem_shared>>
    tpu.wait_dma2 semaphore(%arg25 : memref<!tpu.dma_semaphore, #tpu.memory_space<semaphore_mem>>) src(%arg20 : memref<632x16xf32, #tpu.memory_space<vmem>>) dst(%dma_wait3A_64 : memref<632x16xf32, #tpu.memory_space<vmem_shared>>)
    %dma_wait3A_65 = arith.constant 0 : i32
    %dma_wait3A_66 = arith.constant 0 : i32
    %dma_wait3A_67 = tpu.memref_slice %arg17[%dma_wait3A_65, %dma_wait3A_66] : memref<632x32xf32, #tpu.memory_space<vmem>> -> memref<632x16xf32, #tpu.memory_space<vmem>>
    %dma_wait3A_68 = arith.constant 0 : i32
    %dma_wait3A_69 = tpu.memref_slice %arg23[%mul3A_2, %dma_wait3A_68] : memref<10112x16xf32, #tpu.memory_space<vmem_shared>> -> memref<632x16xf32, #tpu.memory_space<vmem_shared>>
    %dma_wait3A_70 = arith.constant 0 : i32
    %dma_wait3A_71 = tpu.memref_slice %arg23[%mul3A_2, %dma_wait3A_70] : memref<10112x16xf32, #tpu.memory_space<vmem_shared>> -> memref<632x16xf32, #tpu.memory_space<vmem_shared>>
    %dma_wait3A_72 = arith.constant 0 : i32
    %dma_wait3A_73 = arith.constant 0 : i32
    %dma_wait3A_74 = tpu.memref_slice %arg17[%dma_wait3A_72, %dma_wait3A_73] : memref<632x32xf32, #tpu.memory_space<vmem>> -> memref<632x16xf32, #tpu.memory_space<vmem>>
    tpu.wait_dma2 semaphore(%arg26 : memref<!tpu.dma_semaphore, #tpu.memory_space<semaphore_mem>>) src(%dma_wait3A_74 : memref<632x16xf32, #tpu.memory_space<vmem>>) dst(%dma_wait3A_71 : memref<632x16xf32, #tpu.memory_space<vmem_shared>>)
    %barrier3A = arith.constant 0 : index
    tpu.barrier barrier_id(%barrier3A)
    %mul3A_75 = arith.constant 78 : i32
    %mul3A_76 = arith.muli %add3A, %mul3A_75 : i32
    %run_scoped3A = arith.constant 0 : i32
    "tpu.region"() ({
      %run_scoped3A_157 = tpu.sem_alloc : memref<!tpu.dma_semaphore, #tpu.memory_space<semaphore_mem>>
      %dma_start3A_158 = arith.constant 0 : i32
      %dma_start3A_159 = tpu.memref_slice %arg5[%run_scoped3A, %mul3A_76, %dma_start3A_158] : memref<2x2500x128xi32, #tpu.memory_space<hbm>> -> memref<1x78x128xi32, #tpu.memory_space<hbm>>
      %dma_start3A_160 = tpu.memref_squeeze %dma_start3A_159 : memref<1x78x128xi32, #tpu.memory_space<hbm>> -> memref<78x128xi32, #tpu.memory_space<hbm>>
      %dma_start3A_161 = arith.constant 0 : i32
      %dma_start3A_162 = tpu.memref_slice %arg5[%run_scoped3A, %mul3A_76, %dma_start3A_161] : memref<2x2500x128xi32, #tpu.memory_space<hbm>> -> memref<1x78x128xi32, #tpu.memory_space<hbm>>
      %dma_start3A_163 = tpu.memref_squeeze %dma_start3A_162 : memref<1x78x128xi32, #tpu.memory_space<hbm>> -> memref<78x128xi32, #tpu.memory_space<hbm>>
      tpu.enqueue_dma source(%dma_start3A_163 : memref<78x128xi32, #tpu.memory_space<hbm>>) target(%arg7 : memref<78x128xi32, #tpu.memory_space<vmem>>) target_semaphore(%run_scoped3A_157 : memref<!tpu.dma_semaphore, #tpu.memory_space<semaphore_mem>>)
      %dma_wait3A_164 = arith.constant 0 : i32
      %dma_wait3A_165 = tpu.memref_slice %arg5[%run_scoped3A, %mul3A_76, %dma_wait3A_164] : memref<2x2500x128xi32, #tpu.memory_space<hbm>> -> memref<1x78x128xi32, #tpu.memory_space<hbm>>
      %dma_wait3A_166 = tpu.memref_squeeze %dma_wait3A_165 : memref<1x78x128xi32, #tpu.memory_space<hbm>> -> memref<78x128xi32, #tpu.memory_space<hbm>>
      %dma_wait3A_167 = arith.constant 0 : i32
      %dma_wait3A_168 = tpu.memref_slice %arg5[%run_scoped3A, %mul3A_76, %dma_wait3A_167] : memref<2x2500x128xi32, #tpu.memory_space<hbm>> -> memref<1x78x128xi32, #tpu.memory_space<hbm>>
      %dma_wait3A_169 = tpu.memref_squeeze %dma_wait3A_168 : memref<1x78x128xi32, #tpu.memory_space<hbm>> -> memref<78x128xi32, #tpu.memory_space<hbm>>
      tpu.wait_dma2 semaphore(%run_scoped3A_157 : memref<!tpu.dma_semaphore, #tpu.memory_space<semaphore_mem>>) src(%dma_wait3A_169 : memref<78x128xi32, #tpu.memory_space<hbm>>) dst(%arg7 : memref<78x128xi32, #tpu.memory_space<vmem>>)
      tpu.yield
    }) : () -> ()
    %mul3A_77 = arith.constant 78 : i32
    %mul3A_78 = arith.muli %add3A, %mul3A_77 : i32
    %run_scoped3A_79 = arith.constant 1 : i32
    "tpu.region"() ({
      %run_scoped3A_157 = tpu.sem_alloc : memref<!tpu.dma_semaphore, #tpu.memory_space<semaphore_mem>>
      %dma_start3A_158 = arith.constant 0 : i32
      %dma_start3A_159 = tpu.memref_slice %arg5[%run_scoped3A_79, %mul3A_78, %dma_start3A_158] : memref<2x2500x128xi32, #tpu.memory_space<hbm>> -> memref<1x78x128xi32, #tpu.memory_space<hbm>>
      %dma_start3A_160 = tpu.memref_squeeze %dma_start3A_159 : memref<1x78x128xi32, #tpu.memory_space<hbm>> -> memref<78x128xi32, #tpu.memory_space<hbm>>
      %dma_start3A_161 = arith.constant 0 : i32
      %dma_start3A_162 = tpu.memref_slice %arg5[%run_scoped3A_79, %mul3A_78, %dma_start3A_161] : memref<2x2500x128xi32, #tpu.memory_space<hbm>> -> memref<1x78x128xi32, #tpu.memory_space<hbm>>
      %dma_start3A_163 = tpu.memref_squeeze %dma_start3A_162 : memref<1x78x128xi32, #tpu.memory_space<hbm>> -> memref<78x128xi32, #tpu.memory_space<hbm>>
      tpu.enqueue_dma source(%dma_start3A_163 : memref<78x128xi32, #tpu.memory_space<hbm>>) target(%arg8 : memref<78x128xi32, #tpu.memory_space<vmem>>) target_semaphore(%run_scoped3A_157 : memref<!tpu.dma_semaphore, #tpu.memory_space<semaphore_mem>>)
      %dma_wait3A_164 = arith.constant 0 : i32
      %dma_wait3A_165 = tpu.memref_slice %arg5[%run_scoped3A_79, %mul3A_78, %dma_wait3A_164] : memref<2x2500x128xi32, #tpu.memory_space<hbm>> -> memref<1x78x128xi32, #tpu.memory_space<hbm>>
      %dma_wait3A_166 = tpu.memref_squeeze %dma_wait3A_165 : memref<1x78x128xi32, #tpu.memory_space<hbm>> -> memref<78x128xi32, #tpu.memory_space<hbm>>
      %dma_wait3A_167 = arith.constant 0 : i32
      %dma_wait3A_168 = tpu.memref_slice %arg5[%run_scoped3A_79, %mul3A_78, %dma_wait3A_167] : memref<2x2500x128xi32, #tpu.memory_space<hbm>> -> memref<1x78x128xi32, #tpu.memory_space<hbm>>
      %dma_wait3A_169 = tpu.memref_squeeze %dma_wait3A_168 : memref<1x78x128xi32, #tpu.memory_space<hbm>> -> memref<78x128xi32, #tpu.memory_space<hbm>>
      tpu.wait_dma2 semaphore(%run_scoped3A_157 : memref<!tpu.dma_semaphore, #tpu.memory_space<semaphore_mem>>) src(%dma_wait3A_169 : memref<78x128xi32, #tpu.memory_space<hbm>>) dst(%arg8 : memref<78x128xi32, #tpu.memory_space<vmem>>)
      tpu.yield
    }) : () -> ()
    %dma_start3A_80 = arith.constant 0 : i32
    %dma_start3A_81 = arith.constant 0 : i32
    %dma_start3A_82 = tpu.memref_slice %arg7[%dma_start3A_80, %dma_start3A_81] : memref<78x128xi32, #tpu.memory_space<vmem>> -> memref<1x128xi32, #tpu.memory_space<vmem>>
    %dma_start3A_83 = tpu.memref_squeeze %dma_start3A_82 : memref<1x128xi32, #tpu.memory_space<vmem>> -> memref<128xi32, #tpu.memory_space<vmem>>
    %dma_start3A_84 = arith.constant 0 : i32
    %dma_start3A_85 = arith.constant 0 : i32
    %dma_start3A_86 = tpu.memref_slice %arg24[%dma_start3A_84, %dma_start3A_85] : memref<10112x16xf32, #tpu.memory_space<vmem_shared>> -> memref<10112x16xf32, #tpu.memory_space<vmem_shared>>
    tpu.enqueue_indirect_dma source(%dma_start3A_86 : memref<10112x16xf32, #tpu.memory_space<vmem_shared>>) target(%arg9 : memref<128x16xf32, #tpu.memory_space<vmem>>) offsets(%dma_start3A_83 : memref<128xi32, #tpu.memory_space<vmem>>) semaphore(%arg25 : memref<!tpu.dma_semaphore, #tpu.memory_space<semaphore_mem>>)
    %dma_start3A_87 = arith.constant 1 : i32
    %dma_start3A_88 = arith.constant 0 : i32
    %dma_start3A_89 = tpu.memref_slice %arg7[%dma_start3A_87, %dma_start3A_88] : memref<78x128xi32, #tpu.memory_space<vmem>> -> memref<1x128xi32, #tpu.memory_space<vmem>>
    %dma_start3A_90 = tpu.memref_squeeze %dma_start3A_89 : memref<1x128xi32, #tpu.memory_space<vmem>> -> memref<128xi32, #tpu.memory_space<vmem>>
    %dma_start3A_91 = arith.constant 0 : i32
    %dma_start3A_92 = arith.constant 0 : i32
    %dma_start3A_93 = tpu.memref_slice %arg24[%dma_start3A_91, %dma_start3A_92] : memref<10112x16xf32, #tpu.memory_space<vmem_shared>> -> memref<10112x16xf32, #tpu.memory_space<vmem_shared>>
    tpu.enqueue_indirect_dma source(%dma_start3A_93 : memref<10112x16xf32, #tpu.memory_space<vmem_shared>>) target(%arg10 : memref<128x16xf32, #tpu.memory_space<vmem>>) offsets(%dma_start3A_90 : memref<128xi32, #tpu.memory_space<vmem>>) semaphore(%arg26 : memref<!tpu.dma_semaphore, #tpu.memory_space<semaphore_mem>>)
    %dma_start3A_94 = arith.constant 2 : i32
    %dma_start3A_95 = arith.constant 0 : i32
    %dma_start3A_96 = tpu.memref_slice %arg7[%dma_start3A_94, %dma_start3A_95] : memref<78x128xi32, #tpu.memory_space<vmem>> -> memref<1x128xi32, #tpu.memory_space<vmem>>
    %dma_start3A_97 = tpu.memref_squeeze %dma_start3A_96 : memref<1x128xi32, #tpu.memory_space<vmem>> -> memref<128xi32, #tpu.memory_space<vmem>>
    %dma_start3A_98 = arith.constant 0 : i32
    %dma_start3A_99 = arith.constant 0 : i32
    %dma_start3A_100 = tpu.memref_slice %arg24[%dma_start3A_98, %dma_start3A_99] : memref<10112x16xf32, #tpu.memory_space<vmem_shared>> -> memref<10112x16xf32, #tpu.memory_space<vmem_shared>>
    tpu.enqueue_indirect_dma source(%dma_start3A_100 : memref<10112x16xf32, #tpu.memory_space<vmem_shared>>) target(%arg11 : memref<128x16xf32, #tpu.memory_space<vmem>>) offsets(%dma_start3A_97 : memref<128xi32, #tpu.memory_space<vmem>>) semaphore(%arg27 : memref<!tpu.dma_semaphore, #tpu.memory_space<semaphore_mem>>)
    %scan3A_101 = arith.constant 0 : i32
    %scan3A_102 = arith.constant 0 : i32
    %scan3A_103 = arith.constant 13 : i32
    %scan3A_104 = arith.addi %scan3A_102, %scan3A_103 : i32
    %scan3A_105 = arith.constant 1 : i32
    %scan3A_106 = scf.for %scan3A_157 = %scan3A_102 to %scan3A_104 step %scan3A_105 iter_args(%scan3A_158 = %scan3A_101) -> (i32)  : i32 {
      %mul3A_159 = arith.constant 6 : i32
      %mul3A_160 = arith.muli %scan3A_157, %mul3A_159 : i32
      %add3A_161 = arith.constant 0 : i32
      %add3A_162 = arith.addi %mul3A_160, %add3A_161 : i32
      %dma_wait3A_163 = arith.constant 0 : i32
      %dma_wait3A_164 = tpu.memref_slice %arg7[%add3A_162, %dma_wait3A_163] : memref<78x128xi32, #tpu.memory_space<vmem>> -> memref<1x128xi32, #tpu.memory_space<vmem>>
      %dma_wait3A_165 = tpu.memref_squeeze %dma_wait3A_164 : memref<1x128xi32, #tpu.memory_space<vmem>> -> memref<128xi32, #tpu.memory_space<vmem>>
      %dma_wait3A_166 = arith.constant 0 : i32
      %dma_wait3A_167 = arith.constant 0 : i32
      %dma_wait3A_168 = tpu.memref_slice %arg24[%dma_wait3A_166, %dma_wait3A_167] : memref<10112x16xf32, #tpu.memory_space<vmem_shared>> -> memref<10112x16xf32, #tpu.memory_space<vmem_shared>>
      tpu.wait_indirect_dma semaphore(%arg25 : memref<!tpu.dma_semaphore, #tpu.memory_space<semaphore_mem>>) src(%dma_wait3A_168 : memref<10112x16xf32, #tpu.memory_space<vmem_shared>>) dst(%arg9 : memref<128x16xf32, #tpu.memory_space<vmem>>)
      %dma_start3A_169 = arith.constant 0 : i32
      %dma_start3A_170 = tpu.memref_slice %arg8[%add3A_162, %dma_start3A_169] : memref<78x128xi32, #tpu.memory_space<vmem>> -> memref<1x128xi32, #tpu.memory_space<vmem>>
      %dma_start3A_171 = tpu.memref_squeeze %dma_start3A_170 : memref<1x128xi32, #tpu.memory_space<vmem>> -> memref<128xi32, #tpu.memory_space<vmem>>
      %dma_start3A_172 = arith.constant 0 : i32
      %dma_start3A_173 = arith.constant 0 : i32
      %dma_start3A_174 = tpu.memref_slice %arg23[%dma_start3A_172, %dma_start3A_173] : memref<10112x16xf32, #tpu.memory_space<vmem_shared>> -> memref<10112x16xf32, #tpu.memory_space<vmem_shared>>
      tpu.enqueue_indirect_dma source(%arg9 : memref<128x16xf32, #tpu.memory_space<vmem>>) target(%dma_start3A_174 : memref<10112x16xf32, #tpu.memory_space<vmem_shared>>) offsets(%dma_start3A_171 : memref<128xi32, #tpu.memory_space<vmem>>) semaphore(%arg31 : memref<!tpu.dma_semaphore, #tpu.memory_space<semaphore_mem>>) {add = true}
      %add3A_175 = arith.constant 3 : i32
      %add3A_176 = arith.addi %add3A_162, %add3A_175 : i32
      %sub3A = arith.constant 6 : i32
      %sub3A_177 = arith.subi %add3A_176, %sub3A : i32
      %lt3A_178 = arith.constant 78 : i32
      %lt3A_179 = arith.cmpi slt, %add3A_176, %lt3A_178 : i32
      %convert_element_type3A_180 = arith.extui %lt3A_179 : i1 to i32
      %cond3A_181 = arith.constant 0 : i32
      %cond3A_182 = arith.cmpi ne, %convert_element_type3A_180, %cond3A_181 : i32
      scf.if %cond3A_182 {
        %ge3A = arith.constant 0 : i32
        %ge3A_299 = arith.cmpi sge, %sub3A_177, %ge3A : i32
        %convert_element_type3A_300 = arith.extui %ge3A_299 : i1 to i32
        %cond3A_301 = arith.constant 0 : i32
        %cond3A_302 = arith.cmpi ne, %convert_element_type3A_300, %cond3A_301 : i32
        scf.if %cond3A_302 {
          %dma_wait3A_309 = arith.constant 0 : i32
          %dma_wait3A_310 = tpu.memref_slice %arg8[%sub3A_177, %dma_wait3A_309] : memref<78x128xi32, #tpu.memory_space<vmem>> -> memref<1x128xi32, #tpu.memory_space<vmem>>
          %dma_wait3A_311 = tpu.memref_squeeze %dma_wait3A_310 : memref<1x128xi32, #tpu.memory_space<vmem>> -> memref<128xi32, #tpu.memory_space<vmem>>
          %dma_wait3A_312 = arith.constant 0 : i32
          %dma_wait3A_313 = arith.constant 0 : i32
          %dma_wait3A_314 = tpu.memref_slice %arg23[%dma_wait3A_312, %dma_wait3A_313] : memref<10112x16xf32, #tpu.memory_space<vmem_shared>> -> memref<10112x16xf32, #tpu.memory_space<vmem_shared>>
          tpu.wait_indirect_dma semaphore(%arg34 : memref<!tpu.dma_semaphore, #tpu.memory_space<semaphore_mem>>) src(%arg12 : memref<128x16xf32, #tpu.memory_space<vmem>>) dst(%dma_wait3A_314 : memref<10112x16xf32, #tpu.memory_space<vmem_shared>>)
        } else {
        }
        %dma_start3A_303 = arith.constant 0 : i32
        %dma_start3A_304 = tpu.memref_slice %arg7[%add3A_176, %dma_start3A_303] : memref<78x128xi32, #tpu.memory_space<vmem>> -> memref<1x128xi32, #tpu.memory_space<vmem>>
        %dma_start3A_305 = tpu.memref_squeeze %dma_start3A_304 : memref<1x128xi32, #tpu.memory_space<vmem>> -> memref<128xi32, #tpu.memory_space<vmem>>
        %dma_start3A_306 = arith.constant 0 : i32
        %dma_start3A_307 = arith.constant 0 : i32
        %dma_start3A_308 = tpu.memref_slice %arg24[%dma_start3A_306, %dma_start3A_307] : memref<10112x16xf32, #tpu.memory_space<vmem_shared>> -> memref<10112x16xf32, #tpu.memory_space<vmem_shared>>
        tpu.enqueue_indirect_dma source(%dma_start3A_308 : memref<10112x16xf32, #tpu.memory_space<vmem_shared>>) target(%arg12 : memref<128x16xf32, #tpu.memory_space<vmem>>) offsets(%dma_start3A_305 : memref<128xi32, #tpu.memory_space<vmem>>) semaphore(%arg28 : memref<!tpu.dma_semaphore, #tpu.memory_space<semaphore_mem>>)
      } else {
      }
      %add3A_183 = arith.constant 1 : i32
      %add3A_184 = arith.addi %mul3A_160, %add3A_183 : i32
      %dma_wait3A_185 = arith.constant 0 : i32
      %dma_wait3A_186 = tpu.memref_slice %arg7[%add3A_184, %dma_wait3A_185] : memref<78x128xi32, #tpu.memory_space<vmem>> -> memref<1x128xi32, #tpu.memory_space<vmem>>
      %dma_wait3A_187 = tpu.memref_squeeze %dma_wait3A_186 : memref<1x128xi32, #tpu.memory_space<vmem>> -> memref<128xi32, #tpu.memory_space<vmem>>
      %dma_wait3A_188 = arith.constant 0 : i32
      %dma_wait3A_189 = arith.constant 0 : i32
      %dma_wait3A_190 = tpu.memref_slice %arg24[%dma_wait3A_188, %dma_wait3A_189] : memref<10112x16xf32, #tpu.memory_space<vmem_shared>> -> memref<10112x16xf32, #tpu.memory_space<vmem_shared>>
      tpu.wait_indirect_dma semaphore(%arg26 : memref<!tpu.dma_semaphore, #tpu.memory_space<semaphore_mem>>) src(%dma_wait3A_190 : memref<10112x16xf32, #tpu.memory_space<vmem_shared>>) dst(%arg10 : memref<128x16xf32, #tpu.memory_space<vmem>>)
      %dma_start3A_191 = arith.constant 0 : i32
      %dma_start3A_192 = tpu.memref_slice %arg8[%add3A_184, %dma_start3A_191] : memref<78x128xi32, #tpu.memory_space<vmem>> -> memref<1x128xi32, #tpu.memory_space<vmem>>
      %dma_start3A_193 = tpu.memref_squeeze %dma_start3A_192 : memref<1x128xi32, #tpu.memory_space<vmem>> -> memref<128xi32, #tpu.memory_space<vmem>>
      %dma_start3A_194 = arith.constant 0 : i32
      %dma_start3A_195 = arith.constant 0 : i32
      %dma_start3A_196 = tpu.memref_slice %arg23[%dma_start3A_194, %dma_start3A_195] : memref<10112x16xf32, #tpu.memory_space<vmem_shared>> -> memref<10112x16xf32, #tpu.memory_space<vmem_shared>>
      tpu.enqueue_indirect_dma source(%arg10 : memref<128x16xf32, #tpu.memory_space<vmem>>) target(%dma_start3A_196 : memref<10112x16xf32, #tpu.memory_space<vmem_shared>>) offsets(%dma_start3A_193 : memref<128xi32, #tpu.memory_space<vmem>>) semaphore(%arg32 : memref<!tpu.dma_semaphore, #tpu.memory_space<semaphore_mem>>) {add = true}
      %add3A_197 = arith.constant 3 : i32
      %add3A_198 = arith.addi %add3A_184, %add3A_197 : i32
      %sub3A_199 = arith.constant 6 : i32
      %sub3A_200 = arith.subi %add3A_198, %sub3A_199 : i32
      %lt3A_201 = arith.constant 78 : i32
      %lt3A_202 = arith.cmpi slt, %add3A_198, %lt3A_201 : i32
      %convert_element_type3A_203 = arith.extui %lt3A_202 : i1 to i32
      %cond3A_204 = arith.constant 0 : i32
      %cond3A_205 = arith.cmpi ne, %convert_element_type3A_203, %cond3A_204 : i32
      scf.if %cond3A_205 {
        %ge3A = arith.constant 0 : i32
        %ge3A_299 = arith.cmpi sge, %sub3A_200, %ge3A : i32
        %convert_element_type3A_300 = arith.extui %ge3A_299 : i1 to i32
        %cond3A_301 = arith.constant 0 : i32
        %cond3A_302 = arith.cmpi ne, %convert_element_type3A_300, %cond3A_301 : i32
        scf.if %cond3A_302 {
          %dma_wait3A_309 = arith.constant 0 : i32
          %dma_wait3A_310 = tpu.memref_slice %arg8[%sub3A_200, %dma_wait3A_309] : memref<78x128xi32, #tpu.memory_space<vmem>> -> memref<1x128xi32, #tpu.memory_space<vmem>>
          %dma_wait3A_311 = tpu.memref_squeeze %dma_wait3A_310 : memref<1x128xi32, #tpu.memory_space<vmem>> -> memref<128xi32, #tpu.memory_space<vmem>>
          %dma_wait3A_312 = arith.constant 0 : i32
          %dma_wait3A_313 = arith.constant 0 : i32
          %dma_wait3A_314 = tpu.memref_slice %arg23[%dma_wait3A_312, %dma_wait3A_313] : memref<10112x16xf32, #tpu.memory_space<vmem_shared>> -> memref<10112x16xf32, #tpu.memory_space<vmem_shared>>
          tpu.wait_indirect_dma semaphore(%arg35 : memref<!tpu.dma_semaphore, #tpu.memory_space<semaphore_mem>>) src(%arg13 : memref<128x16xf32, #tpu.memory_space<vmem>>) dst(%dma_wait3A_314 : memref<10112x16xf32, #tpu.memory_space<vmem_shared>>)
        } else {
        }
        %dma_start3A_303 = arith.constant 0 : i32
        %dma_start3A_304 = tpu.memref_slice %arg7[%add3A_198, %dma_start3A_303] : memref<78x128xi32, #tpu.memory_space<vmem>> -> memref<1x128xi32, #tpu.memory_space<vmem>>
        %dma_start3A_305 = tpu.memref_squeeze %dma_start3A_304 : memref<1x128xi32, #tpu.memory_space<vmem>> -> memref<128xi32, #tpu.memory_space<vmem>>
        %dma_start3A_306 = arith.constant 0 : i32
        %dma_start3A_307 = arith.constant 0 : i32
        %dma_start3A_308 = tpu.memref_slice %arg24[%dma_start3A_306, %dma_start3A_307] : memref<10112x16xf32, #tpu.memory_space<vmem_shared>> -> memref<10112x16xf32, #tpu.memory_space<vmem_shared>>
        tpu.enqueue_indirect_dma source(%dma_start3A_308 : memref<10112x16xf32, #tpu.memory_space<vmem_shared>>) target(%arg13 : memref<128x16xf32, #tpu.memory_space<vmem>>) offsets(%dma_start3A_305 : memref<128xi32, #tpu.memory_space<vmem>>) semaphore(%arg29 : memref<!tpu.dma_semaphore, #tpu.memory_space<semaphore_mem>>)
      } else {
      }
      %add3A_206 = arith.constant 2 : i32
      %add3A_207 = arith.addi %mul3A_160, %add3A_206 : i32
      %dma_wait3A_208 = arith.constant 0 : i32
      %dma_wait3A_209 = tpu.memref_slice %arg7[%add3A_207, %dma_wait3A_208] : memref<78x128xi32, #tpu.memory_space<vmem>> -> memref<1x128xi32, #tpu.memory_space<vmem>>
      %dma_wait3A_210 = tpu.memref_squeeze %dma_wait3A_209 : memref<1x128xi32, #tpu.memory_space<vmem>> -> memref<128xi32, #tpu.memory_space<vmem>>
      %dma_wait3A_211 = arith.constant 0 : i32
      %dma_wait3A_212 = arith.constant 0 : i32
      %dma_wait3A_213 = tpu.memref_slice %arg24[%dma_wait3A_211, %dma_wait3A_212] : memref<10112x16xf32, #tpu.memory_space<vmem_shared>> -> memref<10112x16xf32, #tpu.memory_space<vmem_shared>>
      tpu.wait_indirect_dma semaphore(%arg27 : memref<!tpu.dma_semaphore, #tpu.memory_space<semaphore_mem>>) src(%dma_wait3A_213 : memref<10112x16xf32, #tpu.memory_space<vmem_shared>>) dst(%arg11 : memref<128x16xf32, #tpu.memory_space<vmem>>)
      %dma_start3A_214 = arith.constant 0 : i32
      %dma_start3A_215 = tpu.memref_slice %arg8[%add3A_207, %dma_start3A_214] : memref<78x128xi32, #tpu.memory_space<vmem>> -> memref<1x128xi32, #tpu.memory_space<vmem>>
      %dma_start3A_216 = tpu.memref_squeeze %dma_start3A_215 : memref<1x128xi32, #tpu.memory_space<vmem>> -> memref<128xi32, #tpu.memory_space<vmem>>
      %dma_start3A_217 = arith.constant 0 : i32
      %dma_start3A_218 = arith.constant 0 : i32
      %dma_start3A_219 = tpu.memref_slice %arg23[%dma_start3A_217, %dma_start3A_218] : memref<10112x16xf32, #tpu.memory_space<vmem_shared>> -> memref<10112x16xf32, #tpu.memory_space<vmem_shared>>
      tpu.enqueue_indirect_dma source(%arg11 : memref<128x16xf32, #tpu.memory_space<vmem>>) target(%dma_start3A_219 : memref<10112x16xf32, #tpu.memory_space<vmem_shared>>) offsets(%dma_start3A_216 : memref<128xi32, #tpu.memory_space<vmem>>) semaphore(%arg33 : memref<!tpu.dma_semaphore, #tpu.memory_space<semaphore_mem>>) {add = true}
      %add3A_220 = arith.constant 3 : i32
      %add3A_221 = arith.addi %add3A_207, %add3A_220 : i32
      %sub3A_222 = arith.constant 6 : i32
      %sub3A_223 = arith.subi %add3A_221, %sub3A_222 : i32
      %lt3A_224 = arith.constant 78 : i32
      %lt3A_225 = arith.cmpi slt, %add3A_221, %lt3A_224 : i32
      %convert_element_type3A_226 = arith.extui %lt3A_225 : i1 to i32
      %cond3A_227 = arith.constant 0 : i32
      %cond3A_228 = arith.cmpi ne, %convert_element_type3A_226, %cond3A_227 : i32
      scf.if %cond3A_228 {
        %ge3A = arith.constant 0 : i32
        %ge3A_299 = arith.cmpi sge, %sub3A_223, %ge3A : i32
        %convert_element_type3A_300 = arith.extui %ge3A_299 : i1 to i32
        %cond3A_301 = arith.constant 0 : i32
        %cond3A_302 = arith.cmpi ne, %convert_element_type3A_300, %cond3A_301 : i32
        scf.if %cond3A_302 {
          %dma_wait3A_309 = arith.constant 0 : i32
          %dma_wait3A_310 = tpu.memref_slice %arg8[%sub3A_223, %dma_wait3A_309] : memref<78x128xi32, #tpu.memory_space<vmem>> -> memref<1x128xi32, #tpu.memory_space<vmem>>
          %dma_wait3A_311 = tpu.memref_squeeze %dma_wait3A_310 : memref<1x128xi32, #tpu.memory_space<vmem>> -> memref<128xi32, #tpu.memory_space<vmem>>
          %dma_wait3A_312 = arith.constant 0 : i32
          %dma_wait3A_313 = arith.constant 0 : i32
          %dma_wait3A_314 = tpu.memref_slice %arg23[%dma_wait3A_312, %dma_wait3A_313] : memref<10112x16xf32, #tpu.memory_space<vmem_shared>> -> memref<10112x16xf32, #tpu.memory_space<vmem_shared>>
          tpu.wait_indirect_dma semaphore(%arg36 : memref<!tpu.dma_semaphore, #tpu.memory_space<semaphore_mem>>) src(%arg14 : memref<128x16xf32, #tpu.memory_space<vmem>>) dst(%dma_wait3A_314 : memref<10112x16xf32, #tpu.memory_space<vmem_shared>>)
        } else {
        }
        %dma_start3A_303 = arith.constant 0 : i32
        %dma_start3A_304 = tpu.memref_slice %arg7[%add3A_221, %dma_start3A_303] : memref<78x128xi32, #tpu.memory_space<vmem>> -> memref<1x128xi32, #tpu.memory_space<vmem>>
        %dma_start3A_305 = tpu.memref_squeeze %dma_start3A_304 : memref<1x128xi32, #tpu.memory_space<vmem>> -> memref<128xi32, #tpu.memory_space<vmem>>
        %dma_start3A_306 = arith.constant 0 : i32
        %dma_start3A_307 = arith.constant 0 : i32
        %dma_start3A_308 = tpu.memref_slice %arg24[%dma_start3A_306, %dma_start3A_307] : memref<10112x16xf32, #tpu.memory_space<vmem_shared>> -> memref<10112x16xf32, #tpu.memory_space<vmem_shared>>
        tpu.enqueue_indirect_dma source(%dma_start3A_308 : memref<10112x16xf32, #tpu.memory_space<vmem_shared>>) target(%arg14 : memref<128x16xf32, #tpu.memory_space<vmem>>) offsets(%dma_start3A_305 : memref<128xi32, #tpu.memory_space<vmem>>) semaphore(%arg30 : memref<!tpu.dma_semaphore, #tpu.memory_space<semaphore_mem>>)
      } else {
      }
      %add3A_229 = arith.constant 3 : i32
      %add3A_230 = arith.addi %mul3A_160, %add3A_229 : i32
      %dma_wait3A_231 = arith.constant 0 : i32
      %dma_wait3A_232 = tpu.memref_slice %arg7[%add3A_230, %dma_wait3A_231] : memref<78x128xi32, #tpu.memory_space<vmem>> -> memref<1x128xi32, #tpu.memory_space<vmem>>
      %dma_wait3A_233 = tpu.memref_squeeze %dma_wait3A_232 : memref<1x128xi32, #tpu.memory_space<vmem>> -> memref<128xi32, #tpu.memory_space<vmem>>
      %dma_wait3A_234 = arith.constant 0 : i32
      %dma_wait3A_235 = arith.constant 0 : i32
      %dma_wait3A_236 = tpu.memref_slice %arg24[%dma_wait3A_234, %dma_wait3A_235] : memref<10112x16xf32, #tpu.memory_space<vmem_shared>> -> memref<10112x16xf32, #tpu.memory_space<vmem_shared>>
      tpu.wait_indirect_dma semaphore(%arg28 : memref<!tpu.dma_semaphore, #tpu.memory_space<semaphore_mem>>) src(%dma_wait3A_236 : memref<10112x16xf32, #tpu.memory_space<vmem_shared>>) dst(%arg12 : memref<128x16xf32, #tpu.memory_space<vmem>>)
      %dma_start3A_237 = arith.constant 0 : i32
      %dma_start3A_238 = tpu.memref_slice %arg8[%add3A_230, %dma_start3A_237] : memref<78x128xi32, #tpu.memory_space<vmem>> -> memref<1x128xi32, #tpu.memory_space<vmem>>
      %dma_start3A_239 = tpu.memref_squeeze %dma_start3A_238 : memref<1x128xi32, #tpu.memory_space<vmem>> -> memref<128xi32, #tpu.memory_space<vmem>>
      %dma_start3A_240 = arith.constant 0 : i32
      %dma_start3A_241 = arith.constant 0 : i32
      %dma_start3A_242 = tpu.memref_slice %arg23[%dma_start3A_240, %dma_start3A_241] : memref<10112x16xf32, #tpu.memory_space<vmem_shared>> -> memref<10112x16xf32, #tpu.memory_space<vmem_shared>>
      tpu.enqueue_indirect_dma source(%arg12 : memref<128x16xf32, #tpu.memory_space<vmem>>) target(%dma_start3A_242 : memref<10112x16xf32, #tpu.memory_space<vmem_shared>>) offsets(%dma_start3A_239 : memref<128xi32, #tpu.memory_space<vmem>>) semaphore(%arg34 : memref<!tpu.dma_semaphore, #tpu.memory_space<semaphore_mem>>) {add = true}
      %add3A_243 = arith.constant 3 : i32
      %add3A_244 = arith.addi %add3A_230, %add3A_243 : i32
      %sub3A_245 = arith.constant 6 : i32
      %sub3A_246 = arith.subi %add3A_244, %sub3A_245 : i32
      %lt3A_247 = arith.constant 78 : i32
      %lt3A_248 = arith.cmpi slt, %add3A_244, %lt3A_247 : i32
      %convert_element_type3A_249 = arith.extui %lt3A_248 : i1 to i32
      %cond3A_250 = arith.constant 0 : i32
      %cond3A_251 = arith.cmpi ne, %convert_element_type3A_249, %cond3A_250 : i32
      scf.if %cond3A_251 {
        %ge3A = arith.constant 0 : i32
        %ge3A_299 = arith.cmpi sge, %sub3A_246, %ge3A : i32
        %convert_element_type3A_300 = arith.extui %ge3A_299 : i1 to i32
        %cond3A_301 = arith.constant 0 : i32
        %cond3A_302 = arith.cmpi ne, %convert_element_type3A_300, %cond3A_301 : i32
        scf.if %cond3A_302 {
          %dma_wait3A_309 = arith.constant 0 : i32
          %dma_wait3A_310 = tpu.memref_slice %arg8[%sub3A_246, %dma_wait3A_309] : memref<78x128xi32, #tpu.memory_space<vmem>> -> memref<1x128xi32, #tpu.memory_space<vmem>>
          %dma_wait3A_311 = tpu.memref_squeeze %dma_wait3A_310 : memref<1x128xi32, #tpu.memory_space<vmem>> -> memref<128xi32, #tpu.memory_space<vmem>>
          %dma_wait3A_312 = arith.constant 0 : i32
          %dma_wait3A_313 = arith.constant 0 : i32
          %dma_wait3A_314 = tpu.memref_slice %arg23[%dma_wait3A_312, %dma_wait3A_313] : memref<10112x16xf32, #tpu.memory_space<vmem_shared>> -> memref<10112x16xf32, #tpu.memory_space<vmem_shared>>
          tpu.wait_indirect_dma semaphore(%arg31 : memref<!tpu.dma_semaphore, #tpu.memory_space<semaphore_mem>>) src(%arg9 : memref<128x16xf32, #tpu.memory_space<vmem>>) dst(%dma_wait3A_314 : memref<10112x16xf32, #tpu.memory_space<vmem_shared>>)
        } else {
        }
        %dma_start3A_303 = arith.constant 0 : i32
        %dma_start3A_304 = tpu.memref_slice %arg7[%add3A_244, %dma_start3A_303] : memref<78x128xi32, #tpu.memory_space<vmem>> -> memref<1x128xi32, #tpu.memory_space<vmem>>
        %dma_start3A_305 = tpu.memref_squeeze %dma_start3A_304 : memref<1x128xi32, #tpu.memory_space<vmem>> -> memref<128xi32, #tpu.memory_space<vmem>>
        %dma_start3A_306 = arith.constant 0 : i32
        %dma_start3A_307 = arith.constant 0 : i32
        %dma_start3A_308 = tpu.memref_slice %arg24[%dma_start3A_306, %dma_start3A_307] : memref<10112x16xf32, #tpu.memory_space<vmem_shared>> -> memref<10112x16xf32, #tpu.memory_space<vmem_shared>>
        tpu.enqueue_indirect_dma source(%dma_start3A_308 : memref<10112x16xf32, #tpu.memory_space<vmem_shared>>) target(%arg9 : memref<128x16xf32, #tpu.memory_space<vmem>>) offsets(%dma_start3A_305 : memref<128xi32, #tpu.memory_space<vmem>>) semaphore(%arg25 : memref<!tpu.dma_semaphore, #tpu.memory_space<semaphore_mem>>)
      } else {
      }
      %add3A_252 = arith.constant 4 : i32
      %add3A_253 = arith.addi %mul3A_160, %add3A_252 : i32
      %dma_wait3A_254 = arith.constant 0 : i32
      %dma_wait3A_255 = tpu.memref_slice %arg7[%add3A_253, %dma_wait3A_254] : memref<78x128xi32, #tpu.memory_space<vmem>> -> memref<1x128xi32, #tpu.memory_space<vmem>>
      %dma_wait3A_256 = tpu.memref_squeeze %dma_wait3A_255 : memref<1x128xi32, #tpu.memory_space<vmem>> -> memref<128xi32, #tpu.memory_space<vmem>>
      %dma_wait3A_257 = arith.constant 0 : i32
      %dma_wait3A_258 = arith.constant 0 : i32
      %dma_wait3A_259 = tpu.memref_slice %arg24[%dma_wait3A_257, %dma_wait3A_258] : memref<10112x16xf32, #tpu.memory_space<vmem_shared>> -> memref<10112x16xf32, #tpu.memory_space<vmem_shared>>
      tpu.wait_indirect_dma semaphore(%arg29 : memref<!tpu.dma_semaphore, #tpu.memory_space<semaphore_mem>>) src(%dma_wait3A_259 : memref<10112x16xf32, #tpu.memory_space<vmem_shared>>) dst(%arg13 : memref<128x16xf32, #tpu.memory_space<vmem>>)
      %dma_start3A_260 = arith.constant 0 : i32
      %dma_start3A_261 = tpu.memref_slice %arg8[%add3A_253, %dma_start3A_260] : memref<78x128xi32, #tpu.memory_space<vmem>> -> memref<1x128xi32, #tpu.memory_space<vmem>>
      %dma_start3A_262 = tpu.memref_squeeze %dma_start3A_261 : memref<1x128xi32, #tpu.memory_space<vmem>> -> memref<128xi32, #tpu.memory_space<vmem>>
      %dma_start3A_263 = arith.constant 0 : i32
      %dma_start3A_264 = arith.constant 0 : i32
      %dma_start3A_265 = tpu.memref_slice %arg23[%dma_start3A_263, %dma_start3A_264] : memref<10112x16xf32, #tpu.memory_space<vmem_shared>> -> memref<10112x16xf32, #tpu.memory_space<vmem_shared>>
      tpu.enqueue_indirect_dma source(%arg13 : memref<128x16xf32, #tpu.memory_space<vmem>>) target(%dma_start3A_265 : memref<10112x16xf32, #tpu.memory_space<vmem_shared>>) offsets(%dma_start3A_262 : memref<128xi32, #tpu.memory_space<vmem>>) semaphore(%arg35 : memref<!tpu.dma_semaphore, #tpu.memory_space<semaphore_mem>>) {add = true}
      %add3A_266 = arith.constant 3 : i32
      %add3A_267 = arith.addi %add3A_253, %add3A_266 : i32
      %sub3A_268 = arith.constant 6 : i32
      %sub3A_269 = arith.subi %add3A_267, %sub3A_268 : i32
      %lt3A_270 = arith.constant 78 : i32
      %lt3A_271 = arith.cmpi slt, %add3A_267, %lt3A_270 : i32
      %convert_element_type3A_272 = arith.extui %lt3A_271 : i1 to i32
      %cond3A_273 = arith.constant 0 : i32
      %cond3A_274 = arith.cmpi ne, %convert_element_type3A_272, %cond3A_273 : i32
      scf.if %cond3A_274 {
        %ge3A = arith.constant 0 : i32
        %ge3A_299 = arith.cmpi sge, %sub3A_269, %ge3A : i32
        %convert_element_type3A_300 = arith.extui %ge3A_299 : i1 to i32
        %cond3A_301 = arith.constant 0 : i32
        %cond3A_302 = arith.cmpi ne, %convert_element_type3A_300, %cond3A_301 : i32
        scf.if %cond3A_302 {
          %dma_wait3A_309 = arith.constant 0 : i32
          %dma_wait3A_310 = tpu.memref_slice %arg8[%sub3A_269, %dma_wait3A_309] : memref<78x128xi32, #tpu.memory_space<vmem>> -> memref<1x128xi32, #tpu.memory_space<vmem>>
          %dma_wait3A_311 = tpu.memref_squeeze %dma_wait3A_310 : memref<1x128xi32, #tpu.memory_space<vmem>> -> memref<128xi32, #tpu.memory_space<vmem>>
          %dma_wait3A_312 = arith.constant 0 : i32
          %dma_wait3A_313 = arith.constant 0 : i32
          %dma_wait3A_314 = tpu.memref_slice %arg23[%dma_wait3A_312, %dma_wait3A_313] : memref<10112x16xf32, #tpu.memory_space<vmem_shared>> -> memref<10112x16xf32, #tpu.memory_space<vmem_shared>>
          tpu.wait_indirect_dma semaphore(%arg32 : memref<!tpu.dma_semaphore, #tpu.memory_space<semaphore_mem>>) src(%arg10 : memref<128x16xf32, #tpu.memory_space<vmem>>) dst(%dma_wait3A_314 : memref<10112x16xf32, #tpu.memory_space<vmem_shared>>)
        } else {
        }
        %dma_start3A_303 = arith.constant 0 : i32
        %dma_start3A_304 = tpu.memref_slice %arg7[%add3A_267, %dma_start3A_303] : memref<78x128xi32, #tpu.memory_space<vmem>> -> memref<1x128xi32, #tpu.memory_space<vmem>>
        %dma_start3A_305 = tpu.memref_squeeze %dma_start3A_304 : memref<1x128xi32, #tpu.memory_space<vmem>> -> memref<128xi32, #tpu.memory_space<vmem>>
        %dma_start3A_306 = arith.constant 0 : i32
        %dma_start3A_307 = arith.constant 0 : i32
        %dma_start3A_308 = tpu.memref_slice %arg24[%dma_start3A_306, %dma_start3A_307] : memref<10112x16xf32, #tpu.memory_space<vmem_shared>> -> memref<10112x16xf32, #tpu.memory_space<vmem_shared>>
        tpu.enqueue_indirect_dma source(%dma_start3A_308 : memref<10112x16xf32, #tpu.memory_space<vmem_shared>>) target(%arg10 : memref<128x16xf32, #tpu.memory_space<vmem>>) offsets(%dma_start3A_305 : memref<128xi32, #tpu.memory_space<vmem>>) semaphore(%arg26 : memref<!tpu.dma_semaphore, #tpu.memory_space<semaphore_mem>>)
      } else {
      }
      %add3A_275 = arith.constant 5 : i32
      %add3A_276 = arith.addi %mul3A_160, %add3A_275 : i32
      %dma_wait3A_277 = arith.constant 0 : i32
      %dma_wait3A_278 = tpu.memref_slice %arg7[%add3A_276, %dma_wait3A_277] : memref<78x128xi32, #tpu.memory_space<vmem>> -> memref<1x128xi32, #tpu.memory_space<vmem>>
      %dma_wait3A_279 = tpu.memref_squeeze %dma_wait3A_278 : memref<1x128xi32, #tpu.memory_space<vmem>> -> memref<128xi32, #tpu.memory_space<vmem>>
      %dma_wait3A_280 = arith.constant 0 : i32
      %dma_wait3A_281 = arith.constant 0 : i32
      %dma_wait3A_282 = tpu.memref_slice %arg24[%dma_wait3A_280, %dma_wait3A_281] : memref<10112x16xf32, #tpu.memory_space<vmem_shared>> -> memref<10112x16xf32, #tpu.memory_space<vmem_shared>>
      tpu.wait_indirect_dma semaphore(%arg30 : memref<!tpu.dma_semaphore, #tpu.memory_space<semaphore_mem>>) src(%dma_wait3A_282 : memref<10112x16xf32, #tpu.memory_space<vmem_shared>>) dst(%arg14 : memref<128x16xf32, #tpu.memory_space<vmem>>)
      %dma_start3A_283 = arith.constant 0 : i32
      %dma_start3A_284 = tpu.memref_slice %arg8[%add3A_276, %dma_start3A_283] : memref<78x128xi32, #tpu.memory_space<vmem>> -> memref<1x128xi32, #tpu.memory_space<vmem>>
      %dma_start3A_285 = tpu.memref_squeeze %dma_start3A_284 : memref<1x128xi32, #tpu.memory_space<vmem>> -> memref<128xi32, #tpu.memory_space<vmem>>
      %dma_start3A_286 = arith.constant 0 : i32
      %dma_start3A_287 = arith.constant 0 : i32
      %dma_start3A_288 = tpu.memref_slice %arg23[%dma_start3A_286, %dma_start3A_287] : memref<10112x16xf32, #tpu.memory_space<vmem_shared>> -> memref<10112x16xf32, #tpu.memory_space<vmem_shared>>
      tpu.enqueue_indirect_dma source(%arg14 : memref<128x16xf32, #tpu.memory_space<vmem>>) target(%dma_start3A_288 : memref<10112x16xf32, #tpu.memory_space<vmem_shared>>) offsets(%dma_start3A_285 : memref<128xi32, #tpu.memory_space<vmem>>) semaphore(%arg36 : memref<!tpu.dma_semaphore, #tpu.memory_space<semaphore_mem>>) {add = true}
      %add3A_289 = arith.constant 3 : i32
      %add3A_290 = arith.addi %add3A_276, %add3A_289 : i32
      %sub3A_291 = arith.constant 6 : i32
      %sub3A_292 = arith.subi %add3A_290, %sub3A_291 : i32
      %lt3A_293 = arith.constant 78 : i32
      %lt3A_294 = arith.cmpi slt, %add3A_290, %lt3A_293 : i32
      %convert_element_type3A_295 = arith.extui %lt3A_294 : i1 to i32
      %cond3A_296 = arith.constant 0 : i32
      %cond3A_297 = arith.cmpi ne, %convert_element_type3A_295, %cond3A_296 : i32
      scf.if %cond3A_297 {
        %ge3A = arith.constant 0 : i32
        %ge3A_299 = arith.cmpi sge, %sub3A_292, %ge3A : i32
        %convert_element_type3A_300 = arith.extui %ge3A_299 : i1 to i32
        %cond3A_301 = arith.constant 0 : i32
        %cond3A_302 = arith.cmpi ne, %convert_element_type3A_300, %cond3A_301 : i32
        scf.if %cond3A_302 {
          %dma_wait3A_309 = arith.constant 0 : i32
          %dma_wait3A_310 = tpu.memref_slice %arg8[%sub3A_292, %dma_wait3A_309] : memref<78x128xi32, #tpu.memory_space<vmem>> -> memref<1x128xi32, #tpu.memory_space<vmem>>
          %dma_wait3A_311 = tpu.memref_squeeze %dma_wait3A_310 : memref<1x128xi32, #tpu.memory_space<vmem>> -> memref<128xi32, #tpu.memory_space<vmem>>
          %dma_wait3A_312 = arith.constant 0 : i32
          %dma_wait3A_313 = arith.constant 0 : i32
          %dma_wait3A_314 = tpu.memref_slice %arg23[%dma_wait3A_312, %dma_wait3A_313] : memref<10112x16xf32, #tpu.memory_space<vmem_shared>> -> memref<10112x16xf32, #tpu.memory_space<vmem_shared>>
          tpu.wait_indirect_dma semaphore(%arg33 : memref<!tpu.dma_semaphore, #tpu.memory_space<semaphore_mem>>) src(%arg11 : memref<128x16xf32, #tpu.memory_space<vmem>>) dst(%dma_wait3A_314 : memref<10112x16xf32, #tpu.memory_space<vmem_shared>>)
        } else {
        }
        %dma_start3A_303 = arith.constant 0 : i32
        %dma_start3A_304 = tpu.memref_slice %arg7[%add3A_290, %dma_start3A_303] : memref<78x128xi32, #tpu.memory_space<vmem>> -> memref<1x128xi32, #tpu.memory_space<vmem>>
        %dma_start3A_305 = tpu.memref_squeeze %dma_start3A_304 : memref<1x128xi32, #tpu.memory_space<vmem>> -> memref<128xi32, #tpu.memory_space<vmem>>
        %dma_start3A_306 = arith.constant 0 : i32
        %dma_start3A_307 = arith.constant 0 : i32
        %dma_start3A_308 = tpu.memref_slice %arg24[%dma_start3A_306, %dma_start3A_307] : memref<10112x16xf32, #tpu.memory_space<vmem_shared>> -> memref<10112x16xf32, #tpu.memory_space<vmem_shared>>
        tpu.enqueue_indirect_dma source(%dma_start3A_308 : memref<10112x16xf32, #tpu.memory_space<vmem_shared>>) target(%arg11 : memref<128x16xf32, #tpu.memory_space<vmem>>) offsets(%dma_start3A_305 : memref<128xi32, #tpu.memory_space<vmem>>) semaphore(%arg27 : memref<!tpu.dma_semaphore, #tpu.memory_space<semaphore_mem>>)
      } else {
      }
      %scan3A_298 = arith.constant 0 : i32
      scf.yield %scan3A_298 : i32
    }
    %scan3A_107 = arith.constant 13 : i32
    %dma_wait3A_108 = arith.constant 72 : i32
    %dma_wait3A_109 = arith.constant 0 : i32
    %dma_wait3A_110 = tpu.memref_slice %arg8[%dma_wait3A_108, %dma_wait3A_109] : memref<78x128xi32, #tpu.memory_space<vmem>> -> memref<1x128xi32, #tpu.memory_space<vmem>>
    %dma_wait3A_111 = tpu.memref_squeeze %dma_wait3A_110 : memref<1x128xi32, #tpu.memory_space<vmem>> -> memref<128xi32, #tpu.memory_space<vmem>>
    %dma_wait3A_112 = arith.constant 0 : i32
    %dma_wait3A_113 = arith.constant 0 : i32
    %dma_wait3A_114 = tpu.memref_slice %arg23[%dma_wait3A_112, %dma_wait3A_113] : memref<10112x16xf32, #tpu.memory_space<vmem_shared>> -> memref<10112x16xf32, #tpu.memory_space<vmem_shared>>
    tpu.wait_indirect_dma semaphore(%arg31 : memref<!tpu.dma_semaphore, #tpu.memory_space<semaphore_mem>>) src(%arg9 : memref<128x16xf32, #tpu.memory_space<vmem>>) dst(%dma_wait3A_114 : memref<10112x16xf32, #tpu.memory_space<vmem_shared>>)
    %dma_wait3A_115 = arith.constant 73 : i32
    %dma_wait3A_116 = arith.constant 0 : i32
    %dma_wait3A_117 = tpu.memref_slice %arg8[%dma_wait3A_115, %dma_wait3A_116] : memref<78x128xi32, #tpu.memory_space<vmem>> -> memref<1x128xi32, #tpu.memory_space<vmem>>
    %dma_wait3A_118 = tpu.memref_squeeze %dma_wait3A_117 : memref<1x128xi32, #tpu.memory_space<vmem>> -> memref<128xi32, #tpu.memory_space<vmem>>
    %dma_wait3A_119 = arith.constant 0 : i32
    %dma_wait3A_120 = arith.constant 0 : i32
    %dma_wait3A_121 = tpu.memref_slice %arg23[%dma_wait3A_119, %dma_wait3A_120] : memref<10112x16xf32, #tpu.memory_space<vmem_shared>> -> memref<10112x16xf32, #tpu.memory_space<vmem_shared>>
    tpu.wait_indirect_dma semaphore(%arg32 : memref<!tpu.dma_semaphore, #tpu.memory_space<semaphore_mem>>) src(%arg10 : memref<128x16xf32, #tpu.memory_space<vmem>>) dst(%dma_wait3A_121 : memref<10112x16xf32, #tpu.memory_space<vmem_shared>>)
    %dma_wait3A_122 = arith.constant 74 : i32
    %dma_wait3A_123 = arith.constant 0 : i32
    %dma_wait3A_124 = tpu.memref_slice %arg8[%dma_wait3A_122, %dma_wait3A_123] : memref<78x128xi32, #tpu.memory_space<vmem>> -> memref<1x128xi32, #tpu.memory_space<vmem>>
    %dma_wait3A_125 = tpu.memref_squeeze %dma_wait3A_124 : memref<1x128xi32, #tpu.memory_space<vmem>> -> memref<128xi32, #tpu.memory_space<vmem>>
    %dma_wait3A_126 = arith.constant 0 : i32
    %dma_wait3A_127 = arith.constant 0 : i32
    %dma_wait3A_128 = tpu.memref_slice %arg23[%dma_wait3A_126, %dma_wait3A_127] : memref<10112x16xf32, #tpu.memory_space<vmem_shared>> -> memref<10112x16xf32, #tpu.memory_space<vmem_shared>>
    tpu.wait_indirect_dma semaphore(%arg33 : memref<!tpu.dma_semaphore, #tpu.memory_space<semaphore_mem>>) src(%arg11 : memref<128x16xf32, #tpu.memory_space<vmem>>) dst(%dma_wait3A_128 : memref<10112x16xf32, #tpu.memory_space<vmem_shared>>)
    %dma_wait3A_129 = arith.constant 75 : i32
    %dma_wait3A_130 = arith.constant 0 : i32
    %dma_wait3A_131 = tpu.memref_slice %arg8[%dma_wait3A_129, %dma_wait3A_130] : memref<78x128xi32, #tpu.memory_space<vmem>> -> memref<1x128xi32, #tpu.memory_space<vmem>>
    %dma_wait3A_132 = tpu.memref_squeeze %dma_wait3A_131 : memref<1x128xi32, #tpu.memory_space<vmem>> -> memref<128xi32, #tpu.memory_space<vmem>>
    %dma_wait3A_133 = arith.constant 0 : i32
    %dma_wait3A_134 = arith.constant 0 : i32
    %dma_wait3A_135 = tpu.memref_slice %arg23[%dma_wait3A_133, %dma_wait3A_134] : memref<10112x16xf32, #tpu.memory_space<vmem_shared>> -> memref<10112x16xf32, #tpu.memory_space<vmem_shared>>
    tpu.wait_indirect_dma semaphore(%arg34 : memref<!tpu.dma_semaphore, #tpu.memory_space<semaphore_mem>>) src(%arg12 : memref<128x16xf32, #tpu.memory_space<vmem>>) dst(%dma_wait3A_135 : memref<10112x16xf32, #tpu.memory_space<vmem_shared>>)
    %dma_wait3A_136 = arith.constant 76 : i32
    %dma_wait3A_137 = arith.constant 0 : i32
    %dma_wait3A_138 = tpu.memref_slice %arg8[%dma_wait3A_136, %dma_wait3A_137] : memref<78x128xi32, #tpu.memory_space<vmem>> -> memref<1x128xi32, #tpu.memory_space<vmem>>
    %dma_wait3A_139 = tpu.memref_squeeze %dma_wait3A_138 : memref<1x128xi32, #tpu.memory_space<vmem>> -> memref<128xi32, #tpu.memory_space<vmem>>
    %dma_wait3A_140 = arith.constant 0 : i32
    %dma_wait3A_141 = arith.constant 0 : i32
    %dma_wait3A_142 = tpu.memref_slice %arg23[%dma_wait3A_140, %dma_wait3A_141] : memref<10112x16xf32, #tpu.memory_space<vmem_shared>> -> memref<10112x16xf32, #tpu.memory_space<vmem_shared>>
    tpu.wait_indirect_dma semaphore(%arg35 : memref<!tpu.dma_semaphore, #tpu.memory_space<semaphore_mem>>) src(%arg13 : memref<128x16xf32, #tpu.memory_space<vmem>>) dst(%dma_wait3A_142 : memref<10112x16xf32, #tpu.memory_space<vmem_shared>>)
    %dma_wait3A_143 = arith.constant 77 : i32
    %dma_wait3A_144 = arith.constant 0 : i32
    %dma_wait3A_145 = tpu.memref_slice %arg8[%dma_wait3A_143, %dma_wait3A_144] : memref<78x128xi32, #tpu.memory_space<vmem>> -> memref<1x128xi32, #tpu.memory_space<vmem>>
    %dma_wait3A_146 = tpu.memref_squeeze %dma_wait3A_145 : memref<1x128xi32, #tpu.memory_space<vmem>> -> memref<128xi32, #tpu.memory_space<vmem>>
    %dma_wait3A_147 = arith.constant 0 : i32
    %dma_wait3A_148 = arith.constant 0 : i32
    %dma_wait3A_149 = tpu.memref_slice %arg23[%dma_wait3A_147, %dma_wait3A_148] : memref<10112x16xf32, #tpu.memory_space<vmem_shared>> -> memref<10112x16xf32, #tpu.memory_space<vmem_shared>>
    tpu.wait_indirect_dma semaphore(%arg36 : memref<!tpu.dma_semaphore, #tpu.memory_space<semaphore_mem>>) src(%arg14 : memref<128x16xf32, #tpu.memory_space<vmem>>) dst(%dma_wait3A_149 : memref<10112x16xf32, #tpu.memory_space<vmem_shared>>)
    %lt3A = arith.constant 4 : i32
    %lt3A_150 = arith.cmpi slt, %add3A, %lt3A : i32
    %convert_element_type3A_151 = arith.extui %lt3A_150 : i1 to i32
    %cond3A_152 = arith.constant 0 : i32
    %cond3A_153 = arith.cmpi ne, %convert_element_type3A_151, %cond3A_152 : i32
    scf.if %cond3A_153 {
      %add3A_157 = arith.constant 2496 : i32
      %add3A_158 = arith.addi %add3A_157, %add3A : i32
      %run_scoped3A_159 = arith.constant 0 : i32
      "tpu.region"() ({
        %run_scoped3A_178 = tpu.sem_alloc : memref<!tpu.dma_semaphore, #tpu.memory_space<semaphore_mem>>
        %dma_start3A_179 = arith.constant 0 : i32
        %dma_start3A_180 = tpu.memref_slice %arg5[%run_scoped3A_159, %add3A_158, %dma_start3A_179] : memref<2x2500x128xi32, #tpu.memory_space<hbm>> -> memref<1x1x128xi32, #tpu.memory_space<hbm>>
        %dma_start3A_181 = tpu.memref_squeeze %dma_start3A_180 : memref<1x1x128xi32, #tpu.memory_space<hbm>> -> memref<1x128xi32, #tpu.memory_space<hbm>>
        %dma_start3A_182 = arith.constant 0 : i32
        %dma_start3A_183 = tpu.memref_slice %arg5[%run_scoped3A_159, %add3A_158, %dma_start3A_182] : memref<2x2500x128xi32, #tpu.memory_space<hbm>> -> memref<1x1x128xi32, #tpu.memory_space<hbm>>
        %dma_start3A_184 = tpu.memref_squeeze %dma_start3A_183 : memref<1x1x128xi32, #tpu.memory_space<hbm>> -> memref<1x128xi32, #tpu.memory_space<hbm>>
        tpu.enqueue_dma source(%dma_start3A_184 : memref<1x128xi32, #tpu.memory_space<hbm>>) target(%arg15 : memref<1x128xi32, #tpu.memory_space<vmem>>) target_semaphore(%run_scoped3A_178 : memref<!tpu.dma_semaphore, #tpu.memory_space<semaphore_mem>>)
        %dma_wait3A_185 = arith.constant 0 : i32
        %dma_wait3A_186 = tpu.memref_slice %arg5[%run_scoped3A_159, %add3A_158, %dma_wait3A_185] : memref<2x2500x128xi32, #tpu.memory_space<hbm>> -> memref<1x1x128xi32, #tpu.memory_space<hbm>>
        %dma_wait3A_187 = tpu.memref_squeeze %dma_wait3A_186 : memref<1x1x128xi32, #tpu.memory_space<hbm>> -> memref<1x128xi32, #tpu.memory_space<hbm>>
        %dma_wait3A_188 = arith.constant 0 : i32
        %dma_wait3A_189 = tpu.memref_slice %arg5[%run_scoped3A_159, %add3A_158, %dma_wait3A_188] : memref<2x2500x128xi32, #tpu.memory_space<hbm>> -> memref<1x1x128xi32, #tpu.memory_space<hbm>>
        %dma_wait3A_190 = tpu.memref_squeeze %dma_wait3A_189 : memref<1x1x128xi32, #tpu.memory_space<hbm>> -> memref<1x128xi32, #tpu.memory_space<hbm>>
        tpu.wait_dma2 semaphore(%run_scoped3A_178 : memref<!tpu.dma_semaphore, #tpu.memory_space<semaphore_mem>>) src(%dma_wait3A_190 : memref<1x128xi32, #tpu.memory_space<hbm>>) dst(%arg15 : memref<1x128xi32, #tpu.memory_space<vmem>>)
        tpu.yield
      }) : () -> ()
      %add3A_160 = arith.constant 2496 : i32
      %add3A_161 = arith.addi %add3A_160, %add3A : i32
      %run_scoped3A_162 = arith.constant 1 : i32
      "tpu.region"() ({
        %run_scoped3A_178 = tpu.sem_alloc : memref<!tpu.dma_semaphore, #tpu.memory_space<semaphore_mem>>
        %dma_start3A_179 = arith.constant 0 : i32
        %dma_start3A_180 = tpu.memref_slice %arg5[%run_scoped3A_162, %add3A_161, %dma_start3A_179] : memref<2x2500x128xi32, #tpu.memory_space<hbm>> -> memref<1x1x128xi32, #tpu.memory_space<hbm>>
        %dma_start3A_181 = tpu.memref_squeeze %dma_start3A_180 : memref<1x1x128xi32, #tpu.memory_space<hbm>> -> memref<1x128xi32, #tpu.memory_space<hbm>>
        %dma_start3A_182 = arith.constant 0 : i32
        %dma_start3A_183 = tpu.memref_slice %arg5[%run_scoped3A_162, %add3A_161, %dma_start3A_182] : memref<2x2500x128xi32, #tpu.memory_space<hbm>> -> memref<1x1x128xi32, #tpu.memory_space<hbm>>
        %dma_start3A_184 = tpu.memref_squeeze %dma_start3A_183 : memref<1x1x128xi32, #tpu.memory_space<hbm>> -> memref<1x128xi32, #tpu.memory_space<hbm>>
        tpu.enqueue_dma source(%dma_start3A_184 : memref<1x128xi32, #tpu.memory_space<hbm>>) target(%arg16 : memref<1x128xi32, #tpu.memory_space<vmem>>) target_semaphore(%run_scoped3A_178 : memref<!tpu.dma_semaphore, #tpu.memory_space<semaphore_mem>>)
        %dma_wait3A_185 = arith.constant 0 : i32
        %dma_wait3A_186 = tpu.memref_slice %arg5[%run_scoped3A_162, %add3A_161, %dma_wait3A_185] : memref<2x2500x128xi32, #tpu.memory_space<hbm>> -> memref<1x1x128xi32, #tpu.memory_space<hbm>>
        %dma_wait3A_187 = tpu.memref_squeeze %dma_wait3A_186 : memref<1x1x128xi32, #tpu.memory_space<hbm>> -> memref<1x128xi32, #tpu.memory_space<hbm>>
        %dma_wait3A_188 = arith.constant 0 : i32
        %dma_wait3A_189 = tpu.memref_slice %arg5[%run_scoped3A_162, %add3A_161, %dma_wait3A_188] : memref<2x2500x128xi32, #tpu.memory_space<hbm>> -> memref<1x1x128xi32, #tpu.memory_space<hbm>>
        %dma_wait3A_190 = tpu.memref_squeeze %dma_wait3A_189 : memref<1x1x128xi32, #tpu.memory_space<hbm>> -> memref<1x128xi32, #tpu.memory_space<hbm>>
        tpu.wait_dma2 semaphore(%run_scoped3A_178 : memref<!tpu.dma_semaphore, #tpu.memory_space<semaphore_mem>>) src(%dma_wait3A_190 : memref<1x128xi32, #tpu.memory_space<hbm>>) dst(%arg16 : memref<1x128xi32, #tpu.memory_space<vmem>>)
        tpu.yield
      }) : () -> ()
      %dma_start3A_163 = arith.constant 0 : i32
      %dma_start3A_164 = arith.constant 0 : i32
      %dma_start3A_165 = tpu.memref_slice %arg15[%dma_start3A_163, %dma_start3A_164] : memref<1x128xi32, #tpu.memory_space<vmem>> -> memref<1x128xi32, #tpu.memory_space<vmem>>
      %dma_start3A_166 = tpu.memref_squeeze %dma_start3A_165 : memref<1x128xi32, #tpu.memory_space<vmem>> -> memref<128xi32, #tpu.memory_space<vmem>>
      %dma_start3A_167 = arith.constant 0 : i32
      %dma_start3A_168 = arith.constant 0 : i32
      %dma_start3A_169 = tpu.memref_slice %arg24[%dma_start3A_167, %dma_start3A_168] : memref<10112x16xf32, #tpu.memory_space<vmem_shared>> -> memref<10112x16xf32, #tpu.memory_space<vmem_shared>>
      tpu.enqueue_indirect_dma source(%dma_start3A_169 : memref<10112x16xf32, #tpu.memory_space<vmem_shared>>) target(%arg9 : memref<128x16xf32, #tpu.memory_space<vmem>>) offsets(%dma_start3A_166 : memref<128xi32, #tpu.memory_space<vmem>>) semaphore(%arg25 : memref<!tpu.dma_semaphore, #tpu.memory_space<semaphore_mem>>)
      %dma_wait3A_170 = arith.constant 0 : i32
      %dma_wait3A_171 = arith.constant 0 : i32
      %dma_wait3A_172 = tpu.memref_slice %arg15[%dma_wait3A_170, %dma_wait3A_171] : memref<1x128xi32, #tpu.memory_space<vmem>> -> memref<1x128xi32, #tpu.memory_space<vmem>>
      %dma_wait3A_173 = tpu.memref_squeeze %dma_wait3A_172 : memref<1x128xi32, #tpu.memory_space<vmem>> -> memref<128xi32, #tpu.memory_space<vmem>>
      %dma_wait3A_174 = arith.constant 0 : i32
      %dma_wait3A_175 = arith.constant 0 : i32
      %dma_wait3A_176 = tpu.memref_slice %arg24[%dma_wait3A_174, %dma_wait3A_175] : memref<10112x16xf32, #tpu.memory_space<vmem_shared>> -> memref<10112x16xf32, #tpu.memory_space<vmem_shared>>
      tpu.wait_indirect_dma semaphore(%arg25 : memref<!tpu.dma_semaphore, #tpu.memory_space<semaphore_mem>>) src(%dma_wait3A_176 : memref<10112x16xf32, #tpu.memory_space<vmem_shared>>) dst(%arg9 : memref<128x16xf32, #tpu.memory_space<vmem>>)
      %run_scoped3A_177 = arith.constant 0 : i32
      "tpu.region"() ({
        %run_scoped3A_178 = tpu.sem_alloc : memref<!tpu.dma_semaphore, #tpu.memory_space<semaphore_mem>>
        %dma_start3A_179 = arith.constant 0 : i32
        %dma_start3A_180 = tpu.memref_slice %arg16[%run_scoped3A_177, %dma_start3A_179] : memref<1x128xi32, #tpu.memory_space<vmem>> -> memref<1x128xi32, #tpu.memory_space<vmem>>
        %dma_start3A_181 = tpu.memref_squeeze %dma_start3A_180 : memref<1x128xi32, #tpu.memory_space<vmem>> -> memref<128xi32, #tpu.memory_space<vmem>>
        %dma_start3A_182 = arith.constant 0 : i32
        %dma_start3A_183 = arith.constant 0 : i32
        %dma_start3A_184 = tpu.memref_slice %arg23[%dma_start3A_182, %dma_start3A_183] : memref<10112x16xf32, #tpu.memory_space<vmem_shared>> -> memref<10112x16xf32, #tpu.memory_space<vmem_shared>>
        tpu.enqueue_indirect_dma source(%arg9 : memref<128x16xf32, #tpu.memory_space<vmem>>) target(%dma_start3A_184 : memref<10112x16xf32, #tpu.memory_space<vmem_shared>>) offsets(%dma_start3A_181 : memref<128xi32, #tpu.memory_space<vmem>>) semaphore(%run_scoped3A_178 : memref<!tpu.dma_semaphore, #tpu.memory_space<semaphore_mem>>) {add = true}
        %dma_wait3A_185 = arith.constant 0 : i32
        %dma_wait3A_186 = tpu.memref_slice %arg16[%run_scoped3A_177, %dma_wait3A_185] : memref<1x128xi32, #tpu.memory_space<vmem>> -> memref<1x128xi32, #tpu.memory_space<vmem>>
        %dma_wait3A_187 = tpu.memref_squeeze %dma_wait3A_186 : memref<1x128xi32, #tpu.memory_space<vmem>> -> memref<128xi32, #tpu.memory_space<vmem>>
        %dma_wait3A_188 = arith.constant 0 : i32
        %dma_wait3A_189 = arith.constant 0 : i32
        %dma_wait3A_190 = tpu.memref_slice %arg23[%dma_wait3A_188, %dma_wait3A_189] : memref<10112x16xf32, #tpu.memory_space<vmem_shared>> -> memref<10112x16xf32, #tpu.memory_space<vmem_shared>>
        tpu.wait_indirect_dma semaphore(%run_scoped3A_178 : memref<!tpu.dma_semaphore, #tpu.memory_space<semaphore_mem>>) src(%arg9 : memref<128x16xf32, #tpu.memory_space<vmem>>) dst(%dma_wait3A_190 : memref<10112x16xf32, #tpu.memory_space<vmem_shared>>)
        tpu.yield
      }) : () -> ()
    } else {
    }
    %barrier3A_154 = arith.constant 0 : index
    tpu.barrier barrier_id(%barrier3A_154)
    %mul3A_155 = arith.constant 16 : i32
    %mul3A_156 = arith.muli %arg0, %mul3A_155 : i32
    "tpu.region"() ({
      %run_scoped3A_157 = tpu.sem_alloc : memref<!tpu.dma_semaphore, #tpu.memory_space<semaphore_mem>>
      %dma_start3A_158 = tpu.memref_slice %arg6[%mul3A_2, %mul3A_156] : memref<10112x128xf32, #tpu.memory_space<hbm>> -> memref<632x16xf32, #tpu.memory_space<hbm>>
      %dma_start3A_159 = arith.constant 0 : i32
      %dma_start3A_160 = tpu.memref_slice %arg23[%mul3A_2, %dma_start3A_159] : memref<10112x16xf32, #tpu.memory_space<vmem_shared>> -> memref<632x16xf32, #tpu.memory_space<vmem_shared>>
      tpu.enqueue_dma source(%dma_start3A_160 : memref<632x16xf32, #tpu.memory_space<vmem_shared>>) target(%dma_start3A_158 : memref<632x16xf32, #tpu.memory_space<hbm>>) target_semaphore(%run_scoped3A_157 : memref<!tpu.dma_semaphore, #tpu.memory_space<semaphore_mem>>)
      %dma_wait3A_161 = tpu.memref_slice %arg6[%mul3A_2, %mul3A_156] : memref<10112x128xf32, #tpu.memory_space<hbm>> -> memref<632x16xf32, #tpu.memory_space<hbm>>
      %dma_wait3A_162 = arith.constant 0 : i32
      %dma_wait3A_163 = tpu.memref_slice %arg23[%mul3A_2, %dma_wait3A_162] : memref<10112x16xf32, #tpu.memory_space<vmem_shared>> -> memref<632x16xf32, #tpu.memory_space<vmem_shared>>
      tpu.wait_dma2 semaphore(%run_scoped3A_157 : memref<!tpu.dma_semaphore, #tpu.memory_space<semaphore_mem>>) src(%dma_wait3A_163 : memref<632x16xf32, #tpu.memory_space<vmem_shared>>) dst(%dma_wait3A_161 : memref<632x16xf32, #tpu.memory_space<hbm>>)
      tpu.yield
    }) : () -> ()
    return
  }
}

module attributes {stable_mosaic.version = 14 : i64} {
  func.func @_k3_body(%arg0: memref<10112x128xf32, #tpu.memory_space<vmem>>, %arg1: memref<32x40xf32, #tpu.memory_space<vmem>>, %arg2: memref<1x40xf32, #tpu.memory_space<vmem>>, %arg3: memref<10000x40xf32, #tpu.memory_space<vmem>>) attributes {dimension_semantics = [], scalar_prefetch = 0 : i64, scratch_operands = 0 : i64, tpu.core_type = #tpu.core_type<tc>} {
    %get3A = arith.constant 0 : index
    %get3A_0 = arith.constant 0 : index
    %get3A_1 = vector.load %arg0[%get3A, %get3A_0] : memref<10112x128xf32, #tpu.memory_space<vmem>>, vector<10000x16xf32>
    %get3A_2 = arith.constant 0 : index
    %get3A_3 = arith.constant 16 : index
    %get3A_4 = vector.load %arg0[%get3A_2, %get3A_3] : memref<10112x128xf32, #tpu.memory_space<vmem>>, vector<10000x16xf32>
    %add3A = arith.addf %get3A_1, %get3A_4 : vector<10000x16xf32>
    %get3A_5 = arith.constant 0 : index
    %get3A_6 = arith.constant 32 : index
    %get3A_7 = vector.load %arg0[%get3A_5, %get3A_6] : memref<10112x128xf32, #tpu.memory_space<vmem>>, vector<10000x16xf32>
    %get3A_8 = arith.constant 0 : index
    %get3A_9 = arith.constant 48 : index
    %get3A_10 = vector.load %arg0[%get3A_8, %get3A_9] : memref<10112x128xf32, #tpu.memory_space<vmem>>, vector<10000x1xf32>
    %mul3A = vector.broadcast %get3A_10 : vector<10000x1xf32> to vector<10000x16xf32>
    %mul3A_11 = arith.mulf %add3A, %mul3A : vector<10000x16xf32>
    %concatenate3A = tpu.concatenate %mul3A_11, %get3A_7 in 1 : vector<10000x16xf32>, vector<10000x16xf32> -> vector<10000x32xf32>
    %get3A_12 = arith.constant 0 : index
    %get3A_13 = arith.constant 0 : index
    %get3A_14 = vector.load %arg1[%get3A_12, %get3A_13] : memref<32x40xf32, #tpu.memory_space<vmem>>, vector<32x40xf32>
    %dot_general3A = arith.constant dense<0.000000e+00> : vector<10000x40xf32>
    %dot_general3A_15 = tpu.matmul %concatenate3A, %get3A_14, %dot_general3A {dimension_numbers = #tpu.dot_dimension_numbers<[1], [0], [0], [1], [0, 0, 1, 1], [], []>, transpose_lhs_hint = false} : vector<10000x32xf32>, vector<32x40xf32>, vector<10000x40xf32> -> vector<10000x40xf32>
    %get3A_16 = arith.constant 0 : index
    %get3A_17 = arith.constant 0 : index
    %get3A_18 = vector.load %arg2[%get3A_16, %get3A_17] : memref<1x40xf32, #tpu.memory_space<vmem>>, vector<1x40xf32>
    %add3A_19 = vector.broadcast %get3A_18 : vector<1x40xf32> to vector<10000x40xf32>
    %add3A_20 = arith.addf %dot_general3A_15, %add3A_19 : vector<10000x40xf32>
    %reduce_max3A = arith.constant dense<0xFF800000> : vector<10000xf32>
    %reduce_max3A_21 = vector.multi_reduction <maximumf>, %add3A_20, %reduce_max3A [1] : vector<10000x40xf32> to vector<10000xf32>
    %broadcast_in_dim3A = vector.shape_cast %reduce_max3A_21 : vector<10000xf32> to vector<10000x1xf32>
    %sub3A = vector.broadcast %broadcast_in_dim3A : vector<10000x1xf32> to vector<10000x40xf32>
    %sub3A_22 = arith.subf %add3A_20, %sub3A : vector<10000x40xf32>
    %exp3A = math.exp %sub3A_22 : vector<10000x40xf32>
    %reduce_sum3A = arith.constant dense<0.000000e+00> : vector<10000xf32>
    %reduce_sum3A_23 = vector.multi_reduction <add>, %exp3A, %reduce_sum3A [1] : vector<10000x40xf32> to vector<10000xf32>
    %broadcast_in_dim3A_24 = vector.shape_cast %reduce_sum3A_23 : vector<10000xf32> to vector<10000x1xf32>
    %log3A = math.log %broadcast_in_dim3A_24 : vector<10000x1xf32>
    %sub3A_25 = vector.broadcast %broadcast_in_dim3A : vector<10000x1xf32> to vector<10000x40xf32>
    %sub3A_26 = arith.subf %add3A_20, %sub3A_25 : vector<10000x40xf32>
    %sub3A_27 = vector.broadcast %log3A : vector<10000x1xf32> to vector<10000x40xf32>
    %sub3A_28 = arith.subf %sub3A_26, %sub3A_27 : vector<10000x40xf32>
    %swap3A = arith.constant 0 : index
    %swap3A_29 = arith.constant 0 : index
    %swap3A_30 = vector.load %arg3[%swap3A, %swap3A_29] : memref<10000x40xf32, #tpu.memory_space<vmem>>, vector<10000x40xf32>
    tpu.vector_store %arg3[%swap3A, %swap3A_29], %sub3A_28 {strides = array<i32>} : memref<10000x40xf32, #tpu.memory_space<vmem>>, vector<10000x40xf32>,
    return
  }
}

module attributes {stable_mosaic.version = 14 : i64} {
  func.func @_k1_body(%arg0: memref<10000x128xf32, #tpu.memory_space<vmem>>, %arg1: memref<128x48xf32, #tpu.memory_space<vmem>>, %arg2: memref<1x48xf32, #tpu.memory_space<vmem>>, %arg3: memref<10112x128xf32, #tpu.memory_space<vmem>>) attributes {dimension_semantics = [], scalar_prefetch = 0 : i64, scratch_operands = 0 : i64, tpu.core_type = #tpu.core_type<tc>} {
    %get3A = arith.constant 0 : index
    %get3A_0 = arith.constant 0 : index
    %get3A_1 = vector.load %arg0[%get3A, %get3A_0] : memref<10000x128xf32, #tpu.memory_space<vmem>>, vector<10000x128xf32>
    %get3A_2 = arith.constant 0 : index
    %get3A_3 = arith.constant 0 : index
    %get3A_4 = vector.load %arg1[%get3A_2, %get3A_3] : memref<128x48xf32, #tpu.memory_space<vmem>>, vector<128x48xf32>
    %dot_general3A = arith.constant dense<0.000000e+00> : vector<10000x48xf32>
    %dot_general3A_5 = tpu.matmul %get3A_1, %get3A_4, %dot_general3A {dimension_numbers = #tpu.dot_dimension_numbers<[1], [0], [0], [1], [0, 0, 1, 1], [], []>, transpose_lhs_hint = false} : vector<10000x128xf32>, vector<128x48xf32>, vector<10000x48xf32> -> vector<10000x48xf32>
    %get3A_6 = arith.constant 0 : index
    %get3A_7 = arith.constant 0 : index
    %get3A_8 = vector.load %arg2[%get3A_6, %get3A_7] : memref<1x48xf32, #tpu.memory_space<vmem>>, vector<1x48xf32>
    %add3A = vector.broadcast %get3A_8 : vector<1x48xf32> to vector<10000x48xf32>
    %add3A_9 = arith.addf %dot_general3A_5, %add3A : vector<10000x48xf32>
    %swap3A = arith.constant 0 : index
    %swap3A_10 = arith.constant 0 : index
    %swap3A_11 = vector.load %arg3[%swap3A, %swap3A_10] : memref<10112x128xf32, #tpu.memory_space<vmem>>, vector<10000x48xf32>
    tpu.vector_store %arg3[%swap3A, %swap3A_10], %add3A_9 {strides = array<i32>} : memref<10112x128xf32, #tpu.memory_space<vmem>>, vector<10000x48xf32>,
    %broadcast_in_dim3A = arith.constant 0.000000e+00 : f32
    %broadcast_in_dim3A_12 = vector.broadcast %broadcast_in_dim3A : f32 to vector<112x48xf32>
    %swap3A_13 = arith.constant 10000 : index
    %swap3A_14 = arith.constant 0 : index
    %swap3A_15 = vector.load %arg3[%swap3A_13, %swap3A_14] : memref<10112x128xf32, #tpu.memory_space<vmem>>, vector<112x48xf32>
    tpu.vector_store %arg3[%swap3A_13, %swap3A_14], %broadcast_in_dim3A_12 {strides = array<i32>} : memref<10112x128xf32, #tpu.memory_space<vmem>>, vector<112x48xf32>,
    return
  }
}

</mosaic_0001>

<sc_bundles>
// kernel: kernel.6.cloned.1.call-start
scs
__scs_entry_jumppad:
0x0: {  	(pc) =	sbr.rel $0x88, $3  }
0x1: {  	(tag) =	ssettag $0x0;
	lr =	simm.s32 $0x1  }
0x2: {  	[smem:$0x3F99] =	sst lr;
	_ =	strace $0xD0000000  }
0x3: {  	_ = 	snop  }
0x4: {  	_ = 	snop  }
0x5: {  	_ = 	snop  }
0x6: {  	_ = 	snop  }
0x7: {  	_ = 	snop  }
__scs_overlays_trampoline_lowered:
0x8: {  	[smem:$0x3FA8] =	sst s0  }
0x9: {  	[smem:$0x3FA9] =	sst s1  }
0xa: {  	[smem:$0x3FAA] =	sst s2  }
0xb: {  	[smem:$0x3FAB] =	sst s3  }
0xc: {  	[smem:$0x3FAC] =	sst s4  }
0xd: {  	[smem:$0x3FAD] =	sst s5  }
0xe: {  	[smem:$0x3FAE] =	sst s6  }
0xf: {  	[smem:$0x3FAF] =	sst s7  }
0x10: {  	[smem:$0x3FB0] =	sst s8  }
0x11: {  	[smem:$0x3FB1] =	sst s9;
	s0 =	simm.s32 @!p0 $0x0  }
0x12: {  	s1 =	sld [smem:$0x3F97];
	s0 =	simm.s32 @p0 $0x1  }
0x13: {  	[smem:$0x3FB2] =	sst s0;
	s0 =	simm.s32 @!p1 $0x0  }
0x14: {  	s2 =	sld [smem:$0x3F96];
	s0 =	simm.s32 @p1 $0x1  }
0x15: {  	[smem:$0x3FB3] =	sst s0;
	s0 =	simm.s32 @!p2 $0x0  }
0x16: {  	s3 =	sld [smem:$0x3FDB];
	s0 =	simm.s32 @p2 $0x1  }
0x17: {  	s4 =	simm.s32 $0x1BF5;
	[smem:$0x3FB5] =	sst s0  }
0x18: {  	s0 =	sld [smem:$0x3F98];
	_ =	swait.ge [sflag:s4], $0x0  }
0x19: {  	s7 =	sld [smem:$0x3F99]  }
0x1a: {  	s8 =	sadd.s32 $0xFFFFE003, lr  }
0x1b: {  	s9 =	sadd.s32 $0xFFFFFEF7, lr;
	s5 =	simm.s32 $0xFFFFFFFF;
	p2 =	slt.u32 s8, $0xFFFFF086  }
0x1c: {  	p1 =	slt.u32 s9, $0xF7A;
	s5 =	simm.s32 @!p2 $0x0  }
0x1d: {  	s5 =	simm.s32 @p1 $0x1;
	p0 =	seq.s32 s7, s2  }
0x1e: {  	s7 =	smul.u32 @!p0 $0xF7A, s2;
	p2 =	seq.s32 @!p0 s5, $0x0  }
0x1f: {  	s9 =	smul.u32 $0xF7A, s1;
	s8 =	simm.s32 @!p0 $0x1BF5;
	p2 =	por !p2, p0  }
0x20: {  	[sflag:s8] =	ssyncset.s32 @!p0 $0xFFFFF086;
	s6 =	sadd.s32 @!p0 s3, s7;
	s7 =	simm.s32 @!p0 $0x108  }
0x21: {  	s3 =	sadd.s32 s3, s9;
	s6 =	sadd.s32 @!p0 $0x88, s6;
	s7 =	simm.s32 @p2 $0x1082  }
0x22: {  	[simem:s7], [sflag:s8] =	dma.local @!p0 [hbm:s6], $0xF7A  }
0x23: {  	s9 =	sor.u32 $0xD0000000, s2;
	s6 =	simm.s32 $0x108;
	_ =	swait.ge @!p0 [sflag:s8], $0x0  }
0x24: {  	s3 =	sadd.s32 $0x88, s3;
	s6 =	simm.s32 @!p1 $0x1082;
	[sflag:s4] =	ssyncset.s32 $0xFFFFF086  }
0x25: {  	[simem:s6], [sflag:s4] =	dma.local [hbm:s3], $0xF7A  }
0x26: {  	[smem:$0x3F99] =	sst s1;
	(tag) =	ssettag s2;
	_ =	strace s9  }
0x27: {  	s1 =	sld [smem:$0x3FA9]  }
0x28: {  	s2 =	sld [smem:$0x3FAA]  }
0x29: {  	s4 =	sld [smem:$0x3FAC]  }
0x2a: {  	p0 =	seq.s32 s5, $0x0;
	s5 =	sld [smem:$0x3FAD]  }
0x2b: {  	s6 =	sld [smem:$0x3FAE]  }
0x2c: {  	s7 =	sld [smem:$0x3FAF]  }
0x2d: {  	s3 =	simm.s32 $0x108;
	s8 =	sld [smem:$0x3FB0]  }
0x2e: {  	s3 =	simm.s32 @!p0 $0x1082;
	s9 =	sld [smem:$0x3FB1]  }
0x2f: {  	lr =	sadd.s32 s0, s3;
	s0 =	sld [smem:$0x3FA8]  }
0x30: {  	s3 =	sld [smem:$0x3FAB]  }
0x31: {  	[smem:$0x3FB4] =	sst s10  }
0x32: {  	s10 =	sld [smem:$0x3FB2];
	_ =	sdelay $0x3  }
0x33: {  	p0 =	seq.s32 s10, $0x1;
	s10 =	sld [smem:$0x3FB4];
	_ =	sdelay $0x3  }
0x34: {  	[smem:$0x3FB4] =	sst s10  }
0x35: {  	s10 =	sld [smem:$0x3FB3];
	_ =	sdelay $0x3  }
0x36: {  	p1 =	seq.s32 s10, $0x1;
	s10 =	sld [smem:$0x3FB4];
	_ =	sdelay $0x3  }
0x37: {  	[smem:$0x3FB4] =	sst s10  }
0x38: {  	s10 =	sld [smem:$0x3FB5]  }
0x39: {  	_ = 	snop;
	(pc) =	sbr.ind lr, $3  }
0x3a: {  	_ = 	snop  }
0x3b: {  	_ = 	snop  }
0x3c: {  	p2 =	seq.s32 s10, $0x1;
	s10 =	sld [smem:$0x3FB4]  }
0x3d: {  	_ =	shalt  }
0x3e: {  	_ =	shalt  }
0x3f: {  	_ =	shalt  }
0x40: {  	_ =	shalt  }
0x41: {  	_ =	shalt  }
0x42: {  	_ =	shalt  }
0x43: {  	_ =	shalt  }
0x44: {  	_ =	shalt  }
0x45: {  	_ =	shalt  }
0x46: {  	_ =	shalt  }
0x47: {  	_ =	shalt  }
0x48: {  	_ =	shalt  }
0x49: {  	_ =	shalt  }
0x4a: {  	_ =	shalt  }
0x4b: {  	_ =	shalt  }
0x4c: {  	_ =	shalt  }
0x4d: {  	_ =	shalt  }
0x4e: {  	_ =	shalt  }
0x4f: {  	_ =	shalt  }
0x50: {  	_ =	shalt  }
0x51: {  	_ =	shalt  }
0x52: {  	_ =	shalt  }
0x53: {  	_ =	shalt  }
0x54: {  	_ =	shalt  }
0x55: {  	_ =	shalt  }
0x56: {  	_ =	shalt  }
0x57: {  	_ =	shalt  }
0x58: {  	_ =	shalt  }
0x59: {  	_ =	shalt  }
0x5a: {  	_ =	shalt  }
0x5b: {  	_ =	shalt  }
0x5c: {  	_ =	shalt  }
0x5d: {  	_ =	shalt  }
0x5e: {  	_ =	shalt  }
0x5f: {  	_ =	shalt  }
0x60: {  	_ =	shalt  }
0x61: {  	_ =	shalt  }
0x62: {  	_ =	shalt  }
0x63: {  	_ =	shalt  }
0x64: {  	_ =	shalt  }
0x65: {  	_ =	shalt  }
0x66: {  	_ =	shalt  }
0x67: {  	_ =	shalt  }
0x68: {  	_ =	shalt  }
0x69: {  	_ =	shalt  }
0x6a: {  	_ =	shalt  }
0x6b: {  	_ =	shalt  }
0x6c: {  	_ =	shalt  }
0x6d: {  	_ =	shalt  }
0x6e: {  	_ =	shalt  }
0x6f: {  	_ =	shalt  }
0x70: {  	_ =	shalt  }
0x71: {  	_ =	shalt  }
0x72: {  	_ =	shalt  }
0x73: {  	_ =	shalt  }
0x74: {  	_ =	shalt  }
0x75: {  	_ =	shalt  }
0x76: {  	_ =	shalt  }
0x77: {  	_ =	shalt  }
0x78: {  	_ =	shalt  }
0x79: {  	_ =	shalt  }
0x7a: {  	_ =	shalt  }
0x7b: {  	_ =	shalt  }
0x7c: {  	_ =	shalt  }
0x7d: {  	_ =	shalt  }
0x7e: {  	_ =	shalt  }
0x7f: {  	_ =	shalt  }
0x80: {  	_ =	shalt  }
0x81: {  	_ =	shalt  }
0x82: {  	_ =	shalt  }
0x83: {  	_ =	shalt  }
0x84: {  	_ =	shalt  }
0x85: {  	_ =	shalt  }
0x86: {  	_ =	shalt  }
0x87: {  	_ =	shalt  }
.Lfunc_end0:
.L_simem_size_0:
called_computation_lowered:
.L_overlay_start_0:
0x88: {  	s2 =	sld [smem:$0x3FD9]  }
0x89: {  	s3 =	sld [smem:$0x3FFE];
	_ =	sdelay $0x1  }
0x8a: {  	s1 =	srdreg.scid  }
0x8b: {  	s0 =	sand.u32 $0x1, s1  }
0x8c: {  	s16 =	sshll.u32 s0, $0xA;
	s2 =	sadd.s32 s3, s2  }
0x8d: {  	s2 =	sadd.s32 s2, s16  }
0x8e: {  	[smem:$0x3FC0] =	sst s2  }
0x8f: {  	_ = 	snop  }
0x90: {  	(tm) =	ssettm $0x1  }
0x91: {  	s17 =	sld [smem:$0x3FFB];
	_ =	sdelay $0x3  }
0x92: {  	_ =	strace s17  }
0x93: {  	s2 =	sld [smem:$0x3FFC];
	_ =	sdelay $0x3  }
0x94: {  	_ =	strace s2  }
0x95: {  	s2 =	sld [smem:$0x3FFD];
	_ =	sdelay $0x3  }
0x96: {  	_ =	strace s2  }
0x97: {  	_ =	strace $0x8FFFFFFF  }
0x98: {  	s18 =	sld [smem:$0x3FDB];
	_ =	sdelay $0x1  }
0x99: {  	s19 =	simm.s32 $_scs_section_size  }
0x9a: {  	s4 =	simm.s32 $_size__tile_overlayer_lowered;
	s5 =	simm.s32 $_tile_overlayer_lowered  }
0x9b: {  	s22 =	simm.s32 $0x1BFF;
	s21 =	sshll.u32 s5, $0x1;
	s2 =	sadd.s32 s19, s18  }
0x9c: {  	s6 =	simm.s32 $0x0;
	s20 =	sshll.u32 s4, $0x1;
	s4 =	sadd.s32 s21, s2  }
0x9d: {  	[timem:s6], [sflag:s22] =	dma.local [hbm:s4], s20  }
0x9e: {  	_ =	swait.ge [sflag:s22], s20  }
0x9f: {  	s3 =	ssub.s32 $0x0, s20;
	[sflag:s22] =	ssyncset.done $0x0  }
0xa0: {  	[sflag:s22] =	ssyncadd.s32 s3;
	_ =	sdelay $0x1  }
0xa1: {  	s23 =	simm.s32 $0x1B8B  }
0xa2: {  	_ =	swait.ge [sflag:s23], $0x1  }
0xa3: {  	[sflag:s23] =	ssyncset.done $0x0  }
0xa4: {  	s25 =	simm.s32 $0x1B8E;
	s24 =	sld [smem:$0x3FFE];
	[sflag:s23] =	ssyncadd.s32 $0xFFFFFFFF  }
0xa5: {  	s26 =	simm.s32 $execute0_lowered;
	[smem:$0x3FD2] =	sst s25  }
0xa6: {  	s4 =	sshll.u32 s26, $0x1;
	_ =	strace $0x80000046;
	[dreg:$0x1] =	wrdreg $0xFFFFFFFF  }
0xa7: {  	s28 =	simm.s32 $_size_execute0_lowered;
	s2 =	sadd.s32 s2, s4;
	[dreg:$0x0] =	wrdreg $0x0  }
0xa8: {  	s4 =	sshll.u32 s28, $0x1;
	[dreg:$0x2] =	wrdreg s2  }
0xa9: {  	[dreg:$0x3] =	wrdreg s4  }
0xaa: {  	[dreg:$0x4] =	wrdreg $0xC0  }
0xab: {  	_ =	task [dreg:s6], $0x5FFFF  }
0xac: {  	[dreg:$0x1] =	wrdreg $0xFFFFFFFF  }
0xad: {  	[dreg:$0x0] =	wrdreg $0x60  }
0xae: {  	[dreg:$0x2] =	wrdreg s24  }
0xaf: {  	[dreg:$0x3] =	wrdreg $0x16E000  }
0xb0: {  	[dreg:$0x4] =	wrdreg $0x11F000  }
0xb1: {  	[dreg:$0x5] =	wrdreg $0x9  }
0xb2: {  	_ =	task.clear_ibuf [dreg:s6], $0x6FFFF;
	_ =	strace $0x90000046  }
0xb3: {  	s29 =	simm.s32 $0x9;
	_ =	strace $0x80000048  }
0xb4: {  	_ =	swait.ge [sflag:s29], $0x1  }
0xb5: {  	[sflag:s29] =	ssyncadd.s32 $0xFFFFFFFF  }
0xb6: {  	_ =	strace $0x90000048  }
0xb7: {  	_ =	sfence  }
0xb8: {  	s30 =	sld [smem:$0x0];
	_ =	sdelay $0x2  }
0xb9: {  	s31 =	sshll.u32 s1, $0xD;
	s1 =	sshrl.u32 s1, $0x2  }
0xba: {  	s3 =	sand.u32 $0x4000, s31;
	s1 =	sadd.s32 s1, s30  }
0xbb: {  	s0 =	sor.u32 s3, s0;
	s1 =	sshll.u32 s1, $0x11  }
0xbc: {  	s0 =	sor.u32 s1, s0  }
0xbd: {  	s0 =	sadd.s32 $0x8F2B, s0  }
0xbe: {  	[sflag:s0] =	ssyncadd.remote.s32 $0x1  }
0xbf: {  	_ =	sfence.sel $0xFFFF  }
0xc0: {  	[dreg:$0x0] =	wrdreg $0xFFFFFFFF;
	(pc) =	sbr.abs _section_cstart, $3  }
0xc1: {  	[dreg:$0x1] =	wrdreg $0xFFFFFFFF  }
0xc2: {  	_ =	task.clear_ibuf [dreg:s6], $0x2FFFF;
	_ =	strace $0x9FFFFFFF  }
0xc3: {  	(tm) =	ssettm $0x7FFFFFFF  }
tec
execute0_lowered:
.L_overlay_start_1:
0x0: {  	(tag) =	ssettag $0x1  }
0x1: {  	s0 =	rddreg [dreg:$0x0];
	s10 =	stileid.u32  }
0x2: {  	s1 =	srdreg.scid;
	s2 =	rddreg [dreg:$0x1]  }
0x3: {  	s3 =	rddreg [dreg:$0x2];
	s16 =	simm.s32 $0x0;
	s30 =	simm.s32 $0x10  }
0x4: {  	s28 =	simm.s32 $0x12;
	s31 =	simm.s32 $0x80;
	s4 =	smul.u32 $0x4F00, s10  }
0x5: {  	s1 =	sand.u32 $0x1, s1;
	s6 =	smul.u32 $0x2780, s10;
	[smem:$0x7FF] =	sst s16  }
0x6: {  	s7 =	sadd.s32 $0x1600, s0;
	s9 =	smul.u32 $0x13C00, s10;
	s21 =	sshll.u32 s10, $0x4  }
0x7: {  	s5 =	smul.u32 $0x4F000, s1;
	_ =	strace $0x80000047;
	s11 =	ssub.s32 $0x2, s1  }
0x8: {  	s1 =	sshll.u32 s1, $0x4;
	s24 =	sadd.s32 s21, s7;
	s21 =	simm.s32 $0x4  }
0x9: {  	s6 =	sadd.s32 s6, s0;
	s8 =	sshrl.u32 s11, $0x1;
	s1 =	sor.u32 s10, s1  }
0xa: {  	s12 =	sadd.s32 s4, s2;
	s13 =	sshrl.u32 s9, $0x2;
	s23 =	sadd.s32 s4, s3  }
0xb: {  	s25 =	sadd.s32 $0x9C00, s24;
	s9 =	simm.s32 $0xAE00;
	s5 =	sadd.s32 s4, s5  }
0xc: {  	s6 =	sadd.s32 $0x15000, s6;
	s15 =	smul.u32 $0x2700, s1;
	[dreg:$0xf] =	wrdreg s25  }
0xd: {  	s4 =	sadd.s32 $0x13840, s24;
	s29 =	sshrl.u32 s12, $0x3;
	[dreg:$0x8] =	wrdreg s23  }
0xe: {  	p0 =	sgt.u32 s1, $0x3;
	s12 =	simm.s32 $0x3;
	[dreg:$0x5] =	wrdreg s6  }
0xf: {  	s24 =	simm.s32 $0xA;
	s25 =	simm.s32 $0xC;
	[dreg:$0x10] =	wrdreg s4  }
0x10: {  	s5 =	sshrl.u32 s5, $0x3;
	s6 =	sadd.s32 s13, s3;
	[dreg:$0x13] =	wrdreg s29  }
0x11: {  	s0 =	sadd.s32 s5, s0;
	s5 =	ssub.s32 s11, s8;
	s11 =	sshll.u32 s10, $0x6  }
0x12: {  	s13 =	simm.s32 $0x10E00;
	s17 =	sadd.s32 $0x1000, s6;
	[dreg:$0x6] =	wrdreg s11  }
0x13: {  	s18 =	sadd.s32 $0x2000, s6;
	s19 =	sadd.s32 $0x3000, s6;
	[dreg:$0x9] =	wrdreg s17  }
0x14: {  	s20 =	sshrl.u32 s15, $0x3;
	s6 =	sadd.s32 $0x4000, s6;
	[dreg:$0xa] =	wrdreg s18  }
0x15: {  	s10 =	simm.s32 $0x2;
	s15 =	simm.s32 $0x5;
	[dreg:$0xb] =	wrdreg s19  }
0x16: {  	s8 =	simm.s32 $0x8;
	s14 =	sor.u32 $0x1C01, s11;
	[dreg:$0xc] =	wrdreg s6  }
0x17: {  	s22 =	sadd.s32 s7, s20;
	s0 =	sadd.s32 $0x3C800, s0;
	s26 =	smax.u32 s5, $0x1  }
0x18: {  	s20 =	simm.s32 $0x1;
	s5 =	simm.s32 $0x8E00;
	s7 =	simm.s32 $0x9E00  }
.Ltmp0:
0x19: {  	s11 =	simm.s32 $0xBE00;
	[dreg:$0x7] =	wrdreg s14;
	(pc) =	sbr.rel .LBB2_1-.Ltmp0, $4  }
0x1a: {  	s17 =	simm.s32 $0x6;
	s18 =	simm.s32 $0xFE00;
	[dreg:$0xd] =	wrdreg s22  }
0x1b: {  	s19 =	simm.s32 $0x7;
	s6 =	sadd.s32 $0x9C40, s22;
	[dreg:$0x11] =	wrdreg s0  }
0x1c: {  	[dreg:$0x12] =	wrdreg s26;
	s14 =	simm.s32 $0xDE00;
	s26 =	simm.s32 $0xD  }
0x1d: {  	v0 =	vimm.f32 $0.0e+00;
	s22 =	simm.s32 $0x13;
	[dreg:$0xe] =	wrdreg s6;
	s6 =	simm.s32 $0x1B  }
.LBB2_6:
0x1e: {  	_ =	swait.ge [sflag:s26], $0x1000  }
0x1f: {  	[sflag:s26] =	ssyncset.done $0x0  }
0x20: {  	s0 =	simm.s32 $0xE;
	[sflag:s26] =	ssyncadd.s32 $0xFFFFF000  }
0x21: {  	[spmem:s3] =	stream.indirect.scatter.add.f32 [tilespmem:s13], [sflag:$0x1A], $0x20, s1, s31, $0xb8;
	[tilespmem:$0x1BD00] =	vst v63  }
0x22: {  	_ =	swait.ge [sflag:s0], $0x1000  }
0x23: {  	[sflag:s0] =	ssyncset.done $0x0  }
0x24: {  	s29 =	simm.s32 $0xF;
	[sflag:s0] =	ssyncadd.s32 $0xFFFFF000  }
0x25: {  	_ =	swait.ge [sflag:s29], $0x1000  }
0x26: {  	[sflag:s29] =	ssyncset.done $0x0  }
0x27: {  	s30 =	simm.s32 $0x10;
	[sflag:s29] =	ssyncadd.s32 $0xFFFFF000  }
0x28: {  	_ =	swait.ge [sflag:s30], $0x1000  }
0x29: {  	[sflag:s30] =	ssyncset.done $0x0  }
0x2a: {  	s1 =	simm.s32 $0x11;
	[sflag:s30] =	ssyncadd.s32 $0xFFFFF000  }
0x2b: {  	_ =	swait.ge [sflag:s1], $0x1000  }
0x2c: {  	[sflag:s1] =	ssyncset.done $0x0  }
0x2d: {  	[sflag:s1] =	ssyncadd.s32 $0xFFFFF000  }
0x2e: {  	_ =	swait.ge [sflag:s28], $0x1000  }
0x2f: {  	[sflag:s28] =	ssyncset.done $0x0  }
0x30: {  	[sflag:s28] =	ssyncadd.s32 $0xFFFFF000  }
0x31: {  	_ =	swait.ge [sflag:s22], $0x1000  }
0x32: {  	[sflag:s22] =	ssyncset.done $0x0  }
0x33: {  	s4 =	simm.s32 $0x14;
	[sflag:s22] =	ssyncadd.s32 $0xFFFFF000  }
0x34: {  	_ =	swait.ge [sflag:s4], $0x1000  }
0x35: {  	[sflag:s4] =	ssyncset.done $0x0  }
0x36: {  	s6 =	simm.s32 $0x15;
	[sflag:s4] =	ssyncadd.s32 $0xFFFFF000  }
0x37: {  	_ =	swait.ge [sflag:s6], $0x1000  }
0x38: {  	[sflag:s6] =	ssyncset.done $0x0  }
0x39: {  	s16 =	simm.s32 $0x16;
	[sflag:s6] =	ssyncadd.s32 $0xFFFFF000  }
0x3a: {  	_ =	swait.ge [sflag:s16], $0x1000  }
0x3b: {  	[sflag:s16] =	ssyncset.done $0x0  }
0x3c: {  	s23 =	simm.s32 $0x17;
	[sflag:s16] =	ssyncadd.s32 $0xFFFFF000  }
0x3d: {  	_ =	swait.ge [sflag:s23], $0x1000  }
0x3e: {  	[sflag:s23] =	ssyncset.done $0x0  }
0x3f: {  	s29 =	simm.s32 $0x18;
	[sflag:s23] =	ssyncadd.s32 $0xFFFFF000  }
0x40: {  	_ =	swait.ge [sflag:s29], $0x1000  }
0x41: {  	[sflag:s29] =	ssyncset.done $0x0  }
0x42: {  	s1 =	simm.s32 $0x19;
	[sflag:s29] =	ssyncadd.s32 $0xFFFFF000  }
0x43: {  	_ =	swait.ge [sflag:s1], $0x1000  }
0x44: {  	[sflag:s1] =	ssyncset.done $0x0  }
0x45: {  	s4 =	simm.s32 $0x1A;
	[sflag:s1] =	ssyncadd.s32 $0xFFFFF000  }
0x46: {  	_ =	swait.ge [sflag:s4], $0x1000  }
0x47: {  	s0 =	simm.s32 @!p0 $0x0;
	[sflag:s4] =	ssyncset.done $0x0  }
0x48: {  	s1 =	simm.s32 @!p0 $0x11E00;
	[sflag:s4] =	ssyncadd.s32 $0xFFFFF000;
	s4 =	rddreg [dreg:$0xf]  }
0x49: {  	[tilespmem:s1], [sflag:$0x1B] =	stream.linear.gather @!p0 [hbm4b:s4+s0], $0x80, $0x38;
	[tilespmem:$0x1BD00] =	vst v63  }
0x4a: {  	s4 =	simm.s32 @!p0 $0x1B  }
0x4b: {  	_ =	swait.ge @!p0 [sflag:s4], $0x80  }
0x4c: {  	[sflag:s4] =	ssyncset.done @!p0 $0x0  }
0x4d: {  	s6 =	simm.s32 @!p0 $0x11E80;
	s16 =	rddreg [dreg:$0x10];
	[sflag:s4] =	ssyncadd.s32 @!p0 $0xFFFFFF80  }
0x4e: {  	[tilespmem:s6], [sflag:$0x1B] =	stream.linear.gather @!p0 [hbm4b:s16+s0], $0x80, $0x38;
	[tilespmem:$0x1BD00] =	vst v63  }
0x4f: {  	_ =	swait.ge @!p0 [sflag:s4], $0x80  }
0x50: {  	[sflag:s4] =	ssyncset.done @!p0 $0x0  }
0x51: {  	s0 =	simm.s32 @!p0 $0x80;
	s16 =	simm.s32 @!p0 $0x4E00;
	[sflag:s4] =	ssyncadd.s32 @!p0 $0xFFFFFF80  }
0x52: {  	[tilespmem:s16], [sflag:$0x1] =	stream.indirect.gather @!p0 [spmem:s2], $0x20, s1, s0, $0xb8;
	[tilespmem:$0x1BD00] =	vst v63  }
0x53: {  	s1 =	simm.s32 @!p0 $0x1  }
0x54: {  	_ =	swait.ge @!p0 [sflag:s1], $0x1000  }
0x55: {  	[sflag:s1] =	ssyncset.done @!p0 $0x0  }
0x56: {  	[sflag:s1] =	ssyncadd.s32 @!p0 $0xFFFFF000  }
0x57: {  	[spmem:s3] =	stream.indirect.scatter.add.f32 @!p0 [tilespmem:s16], [sflag:$0x1B], $0x20, s6, s0, $0xb8;
	[tilespmem:$0x1BD00] =	vst v63  }
0x58: {  	_ =	swait.ge @!p0 [sflag:s4], $0x1000  }
0x59: {  	[sflag:s4] =	ssyncset.done @!p0 $0x0  }
0x5a: {  	[sflag:s4] =	ssyncadd.s32 @!p0 $0xFFFFF000  }
0x5b: {  	[bflag:$0x0] =	sbarrier.arrive $0xFFFF  }
0x5c: {  	s6 =	rddreg [dreg:$0x6]  }
0x5d: {  	s23 =	rddreg [dreg:$0x8]  }
0x5e: {  	s29 =	rddreg [dreg:$0x11]  }
0x5f: {  	s0 =	sor.u32 $0x1C1B, s6;
	s16 =	sshrl.u32 s23, $0x3;
	s6 =	simm.s32 $0x1B  }
0x60: {  	[hbm:s29], [sflag:s0] =	dma.local [spmem:s16], $0x9E0  }
0x61: {  	_ =	swait.ge [sflag:s6], $0x9E0  }
0x62: {  	s4 =	rddreg [dreg:$0x4]  }
0x63: {  	s29 =	rddreg [dreg:$0x12];
	s16 =	sadd.s32 $0x1, s4  }
0x64: {  	p1 =	sne.s32 s16, s29  }
.Ltmp1:
0x65: {  	_ = 	snop;
	(pc) =	sbr.rel @!p1 .LBB2_7-.Ltmp1, $3  }
0x66: {  	_ =	sdelay $0x1  }
0x67: {  	[sflag:s6] =	ssyncset.done $0x0  }
0x68: {  	[sflag:s6] =	ssyncadd.s32 $0xFFFFF620  }
.LBB2_1:
0x69: {  	[dreg:$0x4] =	wrdreg s16  }
0x6a: {  	s0 =	rddreg [dreg:$0x5]  }
0x6b: {  	s1 =	rddreg [dreg:$0x7]  }
0x6c: {  	s4 =	rddreg [dreg:$0x13]  }
0x6d: {  	[spmem:s4@s21], [sflag:s1] =	dma.strided [hbm:s0@s30], $0x9E0, s20, $0x4   }
0x6e: {  	s4 =	simm.s32 $0x80;
	s1 =	simm.s32 $0x0  }
.LBB2_2:
0x6f: {  	p1 =	sne.s32 s4, $0x3F80;
	[tilespmem:s1+$0x4E00] =	vst v0;
	s29 =	smov.u32 s4;
	s4 =	sadd.s32 $0x80, s4  }
.Ltmp2:
0x70: {  	[tilespmem:s1+$0x4E10] =	vst v0;
	(pc) =	sbr.rel @p1 .LBB2_2-.Ltmp2, $2  }
0x71: {  	_ =	sdelay $0x2  }
0x72: {  	s1 =	sshra.s32 s29, $0x2  }
0x73: {  	[tilespmem:s1+$0x4E00] =	vst v0  }
0x74: {  	[tilespmem:s1+$0x4E10] =	vst v0;
	s1 =	simm.s32 $0x4E00  }
0x75: {  	[spmem:s23] =	stream.linear.scatter [tilespmem:s1], [sflag:$0xE], $0x1000, $0x38;
	[tilespmem:$0x1BD00] =	vst v63  }
0x76: {  	s0 =	rddreg [dreg:$0x9]  }
0x77: {  	[spmem:s0] =	stream.linear.scatter [tilespmem:s1], [sflag:$0xF], $0x1000, $0x38;
	[tilespmem:$0x1BD00] =	vst v63  }
0x78: {  	s16 =	rddreg [dreg:$0xa]  }
0x79: {  	[spmem:s16] =	stream.linear.scatter [tilespmem:s1], [sflag:$0x10], $0x1000, $0x38;
	[tilespmem:$0x1BD00] =	vst v63  }
0x7a: {  	s23 =	rddreg [dreg:$0xb]  }
0x7b: {  	[spmem:s23] =	stream.linear.scatter [tilespmem:s1], [sflag:$0x11], $0x1000, $0x38;
	[tilespmem:$0x1BD00] =	vst v63  }
0x7c: {  	s4 =	rddreg [dreg:$0xc];
	s16 =	simm.s32 $0xE  }
0x7d: {  	[spmem:s4] =	stream.linear.scatter [tilespmem:s1], [sflag:$0x12], $0xF00, $0x38;
	[tilespmem:$0x1BD00] =	vst v63  }
0x7e: {  	_ =	swait.ge [sflag:s16], $0x1000  }
0x7f: {  	[sflag:s16] =	ssyncset.done $0x0  }
0x80: {  	s23 =	simm.s32 $0xF;
	[sflag:s16] =	ssyncadd.s32 $0xFFFFF000  }
0x81: {  	_ =	swait.ge [sflag:s23], $0x1000  }
0x82: {  	[sflag:s23] =	ssyncset.done $0x0  }
0x83: {  	[sflag:s23] =	ssyncadd.s32 $0xFFFFF000  }
0x84: {  	_ =	swait.ge [sflag:s30], $0x1000  }
0x85: {  	[sflag:s30] =	ssyncset.done $0x0  }
0x86: {  	s4 =	simm.s32 $0x11;
	[sflag:s30] =	ssyncadd.s32 $0xFFFFF000  }
0x87: {  	_ =	swait.ge [sflag:s4], $0x1000  }
0x88: {  	[sflag:s4] =	ssyncset.done $0x0  }
0x89: {  	[sflag:s4] =	ssyncadd.s32 $0xFFFFF000  }
0x8a: {  	_ =	swait.ge [sflag:s28], $0xF00  }
0x8b: {  	[sflag:s28] =	ssyncset.done $0x0  }
0x8c: {  	[sflag:s28] =	ssyncadd.s32 $0xFFFFF100  }
0x8d: {  	_ =	swait.ge [sflag:s20], $0x9E0  }
0x8e: {  	[sflag:s20] =	ssyncset.done $0x0  }
0x8f: {  	[sflag:s20] =	ssyncadd.s32 $0xFFFFF620  }
0x90: {  	[bflag:$0x0] =	sbarrier.arrive $0xFFFF  }
0x91: {  	s29 =	simm.s32 $0x0;
	s16 =	rddreg [dreg:$0xd]  }
0x92: {  	[tilespmem:s29], [sflag:$0x1B] =	stream.linear.gather [hbm4b:s16+s29], $0x2700, $0x38;
	[tilespmem:$0x1BD00] =	vst v63  }
0x93: {  	_ =	swait.ge [sflag:s6], $0x2700  }
0x94: {  	[sflag:s6] =	ssyncset.done $0x0  }
0x95: {  	s4 =	simm.s32 $0x2700;
	s23 =	rddreg [dreg:$0xe];
	[sflag:s6] =	ssyncadd.s32 $0xFFFFD900  }
0x96: {  	[tilespmem:s4], [sflag:$0x1B] =	stream.linear.gather [hbm4b:s23+s29], $0x2700, $0x38;
	[tilespmem:$0x1BD00] =	vst v63  }
0x97: {  	_ =	swait.ge [sflag:s6], $0x2700  }
0x98: {  	[sflag:s6] =	ssyncset.done $0x0  }
0x99: {  	[sflag:s6] =	ssyncadd.s32 $0xFFFFD900  }
0x9a: {  	[tilespmem:s1], [sflag:$0x1] =	stream.indirect.gather [spmem:s2], $0x20, s29, s31, $0xb8;
	[tilespmem:$0x1BD00] =	vst v63  }
0x9b: {  	s30 =	simm.s32 $0x5E00  }
0x9c: {  	[tilespmem:s30], [sflag:$0x2] =	stream.indirect.gather [spmem:s2], $0x20, s31, s31, $0xb8;
	[tilespmem:$0x1BD00] =	vst v63  }
0x9d: {  	s4 =	simm.s32 $0x6E00;
	s1 =	simm.s32 $0x100  }
0x9e: {  	[tilespmem:s4], [sflag:$0x3] =	stream.indirect.gather [spmem:s2], $0x20, s1, s31, $0xb8;
	[tilespmem:$0x1BD00] =	vst v63  }
0x9f: {  	s16 =	simm.s32 $0x7E00;
	s6 =	simm.s32 $0x180  }
0xa0: {  	[tilespmem:s16], [sflag:$0x4] =	stream.indirect.gather [spmem:s2], $0x20, s6, s31, $0xb8;
	[tilespmem:$0x1BD00] =	vst v63  }
0xa1: {  	s23 =	simm.s32 $0x200  }
0xa2: {  	[tilespmem:s5], [sflag:$0x5] =	stream.indirect.gather [spmem:s2], $0x20, s23, s31, $0xb8;
	[tilespmem:$0x1BD00] =	vst v63  }
0xa3: {  	s30 =	simm.s32 $0x280  }
0xa4: {  	[tilespmem:s7], [sflag:$0x6] =	stream.indirect.gather [spmem:s2], $0x20, s30, s31, $0xb8;
	[tilespmem:$0x1BD00] =	vst v63  }
.LBB2_4:
0xa5: {  	_ =	swait.ge [sflag:s20], $0x1000  }
0xa6: {  	s4 =	sshra.s32 s29, $0x2;
	s0 =	simm.s32 $0x4E00;
	[sflag:s20] =	ssyncset.done $0x0  }
0xa7: {  	p1 =	seq.s32 s29, $0x0;
	s1 =	sadd.s32 $0x2700, s4;
	[sflag:s20] =	ssyncadd.s32 $0xFFFFF000  }
0xa8: {  	[spmem:s3] =	stream.indirect.scatter.add.f32 [tilespmem:s0], [sflag:$0xE], $0x20, s1, s31, $0xb8;
	[tilespmem:$0x1BD00] =	vst v63  }
0xa9: {  	s1 =	simm.s32 @!p1 $0x14  }
0xaa: {  	_ =	swait.ge @!p1 [sflag:s1], $0x1000  }
0xab: {  	[sflag:s1] =	ssyncset.done @!p1 $0x0  }
0xac: {  	s30 =	sadd.s32 $0x300, s4;
	[sflag:s1] =	ssyncadd.s32 @!p1 $0xFFFFF000  }
0xad: {  	[tilespmem:s9], [sflag:$0x7] =	stream.indirect.gather [spmem:s2], $0x20, s30, s31, $0xb8;
	[tilespmem:$0x1BD00] =	vst v63  }
0xae: {  	_ =	swait.ge [sflag:s10], $0x1000  }
0xaf: {  	s6 =	simm.s32 $0x5E00;
	[sflag:s10] =	ssyncset.done $0x0  }
0xb0: {  	s0 =	sadd.s32 $0x2780, s4;
	s1 =	simm.s32 @!p1 $0x15;
	[sflag:s10] =	ssyncadd.s32 $0xFFFFF000  }
0xb1: {  	[spmem:s3] =	stream.indirect.scatter.add.f32 [tilespmem:s6], [sflag:$0xF], $0x20, s0, s31, $0xb8;
	[tilespmem:$0x1BD00] =	vst v63  }
0xb2: {  	_ =	swait.ge @!p1 [sflag:s1], $0x1000  }
0xb3: {  	[sflag:s1] =	ssyncset.done @!p1 $0x0  }
0xb4: {  	s16 =	sadd.s32 $0x380, s4;
	[sflag:s1] =	ssyncadd.s32 @!p1 $0xFFFFF000  }
0xb5: {  	[tilespmem:s11], [sflag:$0x8] =	stream.indirect.gather [spmem:s2], $0x20, s16, s31, $0xb8;
	[tilespmem:$0x1BD00] =	vst v63  }
0xb6: {  	_ =	swait.ge [sflag:s12], $0x1000  }
0xb7: {  	s23 =	sadd.s32 $0x2800, s4;
	[sflag:s12] =	ssyncset.done $0x0  }
0xb8: {  	s30 =	simm.s32 $0x6E00;
	s1 =	simm.s32 @!p1 $0x16;
	[sflag:s12] =	ssyncadd.s32 $0xFFFFF000  }
0xb9: {  	[spmem:s3] =	stream.indirect.scatter.add.f32 [tilespmem:s30], [sflag:$0x10], $0x20, s23, s31, $0xb8;
	[tilespmem:$0x1BD00] =	vst v63  }
0xba: {  	_ =	swait.ge @!p1 [sflag:s1], $0x1000  }
0xbb: {  	[sflag:s1] =	ssyncset.done @!p1 $0x0  }
0xbc: {  	s0 =	sadd.s32 $0x400, s4;
	s6 =	simm.s32 $0xCE00;
	[sflag:s1] =	ssyncadd.s32 @!p1 $0xFFFFF000  }
0xbd: {  	[tilespmem:s6], [sflag:$0x9] =	stream.indirect.gather [spmem:s2], $0x20, s0, s31, $0xb8;
	[tilespmem:$0x1BD00] =	vst v63  }
0xbe: {  	_ =	swait.ge [sflag:s21], $0x1000  }
0xbf: {  	s16 =	sadd.s32 $0x2880, s4;
	[sflag:s21] =	ssyncset.done $0x0  }
0xc0: {  	s23 =	simm.s32 $0x7E00;
	s1 =	simm.s32 @!p1 $0x17;
	[sflag:s21] =	ssyncadd.s32 $0xFFFFF000  }
0xc1: {  	[spmem:s3] =	stream.indirect.scatter.add.f32 [tilespmem:s23], [sflag:$0x11], $0x20, s16, s31, $0xb8;
	[tilespmem:$0x1BD00] =	vst v63  }
0xc2: {  	_ =	swait.ge @!p1 [sflag:s1], $0x1000  }
0xc3: {  	[sflag:s1] =	ssyncset.done @!p1 $0x0  }
0xc4: {  	s30 =	sadd.s32 $0x480, s4;
	[sflag:s1] =	ssyncadd.s32 @!p1 $0xFFFFF000  }
0xc5: {  	[tilespmem:s14], [sflag:$0xA] =	stream.indirect.gather [spmem:s2], $0x20, s30, s31, $0xb8;
	[tilespmem:$0x1BD00] =	vst v63  }
0xc6: {  	_ =	swait.ge [sflag:s15], $0x1000  }
0xc7: {  	[sflag:s15] =	ssyncset.done $0x0  }
0xc8: {  	s0 =	sadd.s32 $0x2900, s4;
	s1 =	simm.s32 @!p1 $0x18;
	[sflag:s15] =	ssyncadd.s32 $0xFFFFF000  }
0xc9: {  	[spmem:s3] =	stream.indirect.scatter.add.f32 [tilespmem:s5], [sflag:$0x12], $0x20, s0, s31, $0xb8;
	[tilespmem:$0x1BD00] =	vst v63  }
0xca: {  	_ =	swait.ge @!p1 [sflag:s1], $0x1000  }
0xcb: {  	[sflag:s1] =	ssyncset.done @!p1 $0x0  }
0xcc: {  	s6 =	sadd.s32 $0x500, s4;
	s16 =	simm.s32 $0xEE00;
	[sflag:s1] =	ssyncadd.s32 @!p1 $0xFFFFF000  }
0xcd: {  	[tilespmem:s16], [sflag:$0xB] =	stream.indirect.gather [spmem:s2], $0x20, s6, s31, $0xb8;
	[tilespmem:$0x1BD00] =	vst v63  }
0xce: {  	_ =	swait.ge [sflag:s17], $0x1000  }
0xcf: {  	[sflag:s17] =	ssyncset.done $0x0  }
0xd0: {  	s23 =	sadd.s32 $0x2980, s4;
	s1 =	simm.s32 @!p1 $0x19;
	[sflag:s17] =	ssyncadd.s32 $0xFFFFF000  }
0xd1: {  	[spmem:s3] =	stream.indirect.scatter.add.f32 [tilespmem:s7], [sflag:$0x13], $0x20, s23, s31, $0xb8;
	[tilespmem:$0x1BD00] =	vst v63  }
0xd2: {  	_ =	swait.ge @!p1 [sflag:s1], $0x1000  }
0xd3: {  	[sflag:s1] =	ssyncset.done @!p1 $0x0  }
0xd4: {  	s30 =	sadd.s32 $0x580, s4;
	[sflag:s1] =	ssyncadd.s32 @!p1 $0xFFFFF000  }
0xd5: {  	[tilespmem:s18], [sflag:$0xC] =	stream.indirect.gather [spmem:s2], $0x20, s30, s31, $0xb8;
	[tilespmem:$0x1BD00] =	vst v63  }
0xd6: {  	_ =	swait.ge [sflag:s19], $0x1000  }
0xd7: {  	[sflag:s19] =	ssyncset.done $0x0  }
0xd8: {  	s0 =	sadd.s32 $0x2A00, s4;
	s1 =	simm.s32 @!p1 $0x1A;
	[sflag:s19] =	ssyncadd.s32 $0xFFFFF000  }
0xd9: {  	[spmem:s3] =	stream.indirect.scatter.add.f32 [tilespmem:s9], [sflag:$0x14], $0x20, s0, s31, $0xb8;
	[tilespmem:$0x1BD00] =	vst v63  }
0xda: {  	_ =	swait.ge @!p1 [sflag:s1], $0x1000  }
0xdb: {  	[sflag:s1] =	ssyncset.done @!p1 $0x0  }
0xdc: {  	s6 =	sadd.s32 $0x600, s4;
	[sflag:s1] =	ssyncadd.s32 @!p1 $0xFFFFF000  }
0xdd: {  	[tilespmem:s13], [sflag:$0xD] =	stream.indirect.gather [spmem:s2], $0x20, s6, s31, $0xb8;
	[tilespmem:$0x1BD00] =	vst v63  }
0xde: {  	_ =	swait.ge [sflag:s8], $0x1000  }
0xdf: {  	p1 =	seq.s32 s29, $0x8200;
	[sflag:s8] =	ssyncset.done $0x0  }
0xe0: {  	s16 =	sadd.s32 $0x2A80, s4;
	s1 =	simm.s32 @p1 $0x9;
	[sflag:s8] =	ssyncadd.s32 $0xFFFFF000  }
0xe1: {  	[spmem:s3] =	stream.indirect.scatter.add.f32 [tilespmem:s11], [sflag:$0x15], $0x20, s16, s31, $0xb8;
	[tilespmem:$0x1BD00] =	vst v63  }
0xe2: {  	_ =	swait.ge @p1 [sflag:s1], $0x1000  }
0xe3: {  	[sflag:s1] =	ssyncset.done @p1 $0x0  }
0xe4: {  	[sflag:s1] =	ssyncadd.s32 @p1 $0xFFFFF000;
	s1 =	sshra.s32 @p1 s29, $0x2  }
0xe5: {  	s30 =	simm.s32 @p1 $0x80;
	s0 =	simm.s32 @p1 $0xCE00;
	s6 =	sadd.s32 @p1 $0x2B00, s1  }
0xe6: {  	[spmem:s3] =	stream.indirect.scatter.add.f32 @p1 [tilespmem:s0], [sflag:$0x16], $0x20, s6, s30, $0xb8;
	[tilespmem:$0x1BD00] =	vst v63  }
0xe7: {  	s0 =	simm.s32 @!p1 $0xE  }
0xe8: {  	_ =	swait.ge @!p1 [sflag:s0], $0x1000  }
0xe9: {  	[sflag:s0] =	ssyncset.done @!p1 $0x0  }
0xea: {  	[sflag:s0] =	ssyncadd.s32 @!p1 $0xFFFFF000;
	s0 =	sshra.s32 @!p1 s29, $0x2  }
0xeb: {  	s23 =	simm.s32 @!p1 $0x4E00;
	s16 =	simm.s32 @!p1 $0x80;
	s6 =	sadd.s32 @!p1 $0x680, s0  }
0xec: {  	[tilespmem:s23], [sflag:$0x1] =	stream.indirect.gather @!p1 [spmem:s2], $0x20, s6, s16, $0xb8;
	[tilespmem:$0x1BD00] =	vst v63  }
0xed: {  	s6 =	simm.s32 @!p1 $0x9  }
0xee: {  	_ =	swait.ge @!p1 [sflag:s6], $0x1000  }
0xef: {  	[sflag:s6] =	ssyncset.done @!p1 $0x0  }
0xf0: {  	s23 =	simm.s32 @!p1 $0xCE00;
	[sflag:s6] =	ssyncadd.s32 @!p1 $0xFFFFF000;
	s6 =	sadd.s32 @!p1 $0x2B00, s0  }
0xf1: {  	[spmem:s3] =	stream.indirect.scatter.add.f32 @!p1 [tilespmem:s23], [sflag:$0x16], $0x20, s6, s16, $0xb8;
	[tilespmem:$0x1BD00] =	vst v63  }
0xf2: {  	s6 =	simm.s32 @!p1 $0xF  }
0xf3: {  	_ =	swait.ge @!p1 [sflag:s6], $0x1000  }
0xf4: {  	[sflag:s6] =	ssyncset.done @!p1 $0x0  }
0xf5: {  	s23 =	simm.s32 @!p1 $0x5E00;
	[sflag:s6] =	ssyncadd.s32 @!p1 $0xFFFFF000;
	s6 =	sadd.s32 @!p1 $0x700, s0  }
0xf6: {  	[tilespmem:s23], [sflag:$0x2] =	stream.indirect.gather @!p1 [spmem:s2], $0x20, s6, s16, $0xb8;
	[tilespmem:$0x1BD00] =	vst v63  }
0xf7: {  	_ =	swait.ge [sflag:s24], $0x1000  }
0xf8: {  	[sflag:s24] =	ssyncset.done $0x0  }
0xf9: {  	s23 =	sadd.s32 $0x2B80, s4;
	s6 =	simm.s32 @p1 $0xB;
	[sflag:s24] =	ssyncadd.s32 $0xFFFFF000  }
0xfa: {  	[spmem:s3] =	stream.indirect.scatter.add.f32 [tilespmem:s14], [sflag:$0x17], $0x20, s23, s31, $0xb8;
	[tilespmem:$0x1BD00] =	vst v63  }
0xfb: {  	_ =	swait.ge @p1 [sflag:s6], $0x1000  }
0xfc: {  	[sflag:s6] =	ssyncset.done @p1 $0x0  }
0xfd: {  	s1 =	sadd.s32 @p1 $0x2C00, s1;
	[sflag:s6] =	ssyncadd.s32 @p1 $0xFFFFF000;
	s6 =	simm.s32 @p1 $0xEE00  }
0xfe: {  	[spmem:s3] =	stream.indirect.scatter.add.f32 @p1 [tilespmem:s6], [sflag:$0x18], $0x20, s1, s30, $0xb8;
	[tilespmem:$0x1BD00] =	vst v63  }
0xff: {  	s1 =	simm.s32 @!p1 $0x10  }
0x100: {  	_ =	swait.ge @!p1 [sflag:s1], $0x1000  }
0x101: {  	[sflag:s1] =	ssyncset.done @!p1 $0x0  }
0x102: {  	s6 =	simm.s32 @!p1 $0x6E00;
	[sflag:s1] =	ssyncadd.s32 @!p1 $0xFFFFF000;
	s1 =	sadd.s32 @!p1 $0x780, s0  }
0x103: {  	[tilespmem:s6], [sflag:$0x3] =	stream.indirect.gather @!p1 [spmem:s2], $0x20, s1, s16, $0xb8;
	[tilespmem:$0x1BD00] =	vst v63  }
0x104: {  	s1 =	simm.s32 @!p1 $0xB  }
0x105: {  	_ =	swait.ge @!p1 [sflag:s1], $0x1000  }
0x106: {  	[sflag:s1] =	ssyncset.done @!p1 $0x0  }
0x107: {  	s6 =	simm.s32 @!p1 $0xEE00;
	[sflag:s1] =	ssyncadd.s32 @!p1 $0xFFFFF000;
	s1 =	sadd.s32 @!p1 $0x2C00, s0  }
0x108: {  	[spmem:s3] =	stream.indirect.scatter.add.f32 @!p1 [tilespmem:s6], [sflag:$0x18], $0x20, s1, s16, $0xb8;
	[tilespmem:$0x1BD00] =	vst v63  }
0x109: {  	s1 =	simm.s32 @!p1 $0x11  }
0x10a: {  	_ =	swait.ge @!p1 [sflag:s1], $0x1000  }
0x10b: {  	[sflag:s1] =	ssyncset.done @!p1 $0x0  }
0x10c: {  	s0 =	sadd.s32 @!p1 $0x800, s0;
	[sflag:s1] =	ssyncadd.s32 @!p1 $0xFFFFF000;
	s1 =	simm.s32 @!p1 $0x7E00  }
0x10d: {  	[tilespmem:s1], [sflag:$0x4] =	stream.indirect.gather @!p1 [spmem:s2], $0x20, s0, s16, $0xb8;
	[tilespmem:$0x1BD00] =	vst v63  }
.Ltmp3:
0x10e: {  	_ = 	snop;
	(pc) =	sbr.rel @p1 .LBB2_6-.Ltmp3, $4  }
0x10f: {  	_ =	swait.ge [sflag:s25], $0x1000  }
0x110: {  	[sflag:s25] =	ssyncset.done $0x0  }
0x111: {  	s30 =	sadd.s32 $0x2C80, s4;
	s1 =	sadd.s32 $0x2D00, s4;
	[sflag:s25] =	ssyncadd.s32 $0xFFFFF000  }
0x112: {  	[spmem:s3] =	stream.indirect.scatter.add.f32 [tilespmem:s18], [sflag:$0x19], $0x20, s30, s31, $0xb8;
	[tilespmem:$0x1BD00] =	vst v63  }
0x113: {  	_ =	swait.ge [sflag:s28], $0x1000  }
0x114: {  	[sflag:s28] =	ssyncset.done $0x0  }
0x115: {  	s0 =	sadd.s32 $0x880, s4;
	[sflag:s28] =	ssyncadd.s32 $0xFFFFF000  }
0x116: {  	[tilespmem:s5], [sflag:$0x5] =	stream.indirect.gather [spmem:s2], $0x20, s0, s31, $0xb8;
	[tilespmem:$0x1BD00] =	vst v63  }
0x117: {  	_ =	swait.ge [sflag:s26], $0x1000  }
0x118: {  	[sflag:s26] =	ssyncset.done $0x0  }
0x119: {  	[sflag:s26] =	ssyncadd.s32 $0xFFFFF000  }
0x11a: {  	[spmem:s3] =	stream.indirect.scatter.add.f32 [tilespmem:s13], [sflag:$0x1A], $0x20, s1, s31, $0xb8;
	[tilespmem:$0x1BD00] =	vst v63  }
.Ltmp4:
0x11b: {  	_ = 	snop;
	(pc) =	sbr.rel .LBB2_4-.Ltmp4, $4  }
0x11c: {  	_ =	swait.ge [sflag:s22], $0x1000  }
0x11d: {  	[sflag:s22] =	ssyncset.done $0x0  }
0x11e: {  	s30 =	sadd.s32 $0x900, s4;
	s29 =	sadd.s32 $0x1A00, s29;
	[sflag:s22] =	ssyncadd.s32 $0xFFFFF000  }
0x11f: {  	[tilespmem:s7], [sflag:$0x6] =	stream.indirect.gather [spmem:s2], $0x20, s30, s31, $0xb8;
	[tilespmem:$0x1BD00] =	vst v63  }
.LBB2_7:
0x120: {  	_ =	sfence.sel $0x180000  }
0x121: {  	[bflag:$0x0] =	sbarrier.arrive $0xFFFF  }
0x122: {  	_ =	strace $0x90000047  }
0x123: {  	s0 =	stileid.u32;
	[bflag:$0x2] =	sbarrier.arrive $0xFFFF  }
0x124: {  	p0 =	sne.s32 s0, $0x0;
	s0 =	rddreg [dreg:$0x3]  }
0x125: {  	s0 =	sadd.s32 @!p0 $0x100000, s0  }
0x126: {  	[sflag:s0] =	ssyncadd.tile.s32 @!p0 $0x1;
	_ =	shalt  }
.Lfunc_end2:
_tile_overlayer_lowered:
.L_overlay_start_2:
0x127: {  	(tag) =	ssettag $0x2  }
0x128: {  	s0 =	rddreg [dreg:$0x0];
	s2 =	stileid.u32  }
0x129: {  	s1 =	rddreg [dreg:$0x1];
	p0 =	sne.s32 s2, $0x0  }
0x12a: {  	s3 =	rddreg [dreg:$0x2];
	[bflag:$0x3] =	sbarrier.arrive $0xFFFF;
	s2 =	simm.s32 @!p0 $0x1C1B  }
0x12b: {  	[timem:s3], [sflag:s2] =	dma.local @!p0 [hbm:s0], s1  }
0x12c: {  	s0 =	simm.s32 @!p0 $0x1B  }
0x12d: {  	_ =	swait.ge @!p0 [sflag:s0], s1  }
0x12e: {  	s1 =	ssub.s32 @!p0 $0x0, s1;
	[sflag:s0] =	ssyncset.done @!p0 $0x0  }
0x12f: {  	[sflag:s0] =	ssyncadd.s32 @!p0 s1  }
0x130: {  	[bflag:$0x3] =	sbarrier.arrive $0xFFFF  }
0x131: {  	_ =	shalt  }

// kernel: kernel.9.cloned.1.call-start
scs
__scs_entry_jumppad:
0x0: {  	(pc) =	sbr.rel $0x88, $3  }
0x1: {  	(tag) =	ssettag $0x0;
	lr =	simm.s32 $0x1  }
0x2: {  	[smem:$0x3F99] =	sst lr;
	_ =	strace $0xD0000000  }
0x3: {  	_ = 	snop  }
0x4: {  	_ = 	snop  }
0x5: {  	_ = 	snop  }
0x6: {  	_ = 	snop  }
0x7: {  	_ = 	snop  }
__scs_overlays_trampoline_lowered:
0x8: {  	[smem:$0x3FA8] =	sst s0  }
0x9: {  	[smem:$0x3FA9] =	sst s1  }
0xa: {  	[smem:$0x3FAA] =	sst s2  }
0xb: {  	[smem:$0x3FAB] =	sst s3  }
0xc: {  	[smem:$0x3FAC] =	sst s4  }
0xd: {  	[smem:$0x3FAD] =	sst s5  }
0xe: {  	[smem:$0x3FAE] =	sst s6  }
0xf: {  	[smem:$0x3FAF] =	sst s7  }
0x10: {  	[smem:$0x3FB0] =	sst s8  }
0x11: {  	[smem:$0x3FB1] =	sst s9;
	s0 =	simm.s32 @!p0 $0x0  }
0x12: {  	s1 =	sld [smem:$0x3F97];
	s0 =	simm.s32 @p0 $0x1  }
0x13: {  	[smem:$0x3FB2] =	sst s0;
	s0 =	simm.s32 @!p1 $0x0  }
0x14: {  	s2 =	sld [smem:$0x3F96];
	s0 =	simm.s32 @p1 $0x1  }
0x15: {  	[smem:$0x3FB3] =	sst s0;
	s0 =	simm.s32 @!p2 $0x0  }
0x16: {  	s3 =	sld [smem:$0x3FDB];
	s0 =	simm.s32 @p2 $0x1  }
0x17: {  	s4 =	simm.s32 $0x1BF5;
	[smem:$0x3FB5] =	sst s0  }
0x18: {  	s0 =	sld [smem:$0x3F98];
	_ =	swait.ge [sflag:s4], $0x0  }
0x19: {  	s7 =	sld [smem:$0x3F99]  }
0x1a: {  	s8 =	sadd.s32 $0xFFFFE003, lr  }
0x1b: {  	s9 =	sadd.s32 $0xFFFFFEF7, lr;
	s5 =	simm.s32 $0xFFFFFFFF;
	p2 =	slt.u32 s8, $0xFFFFF086  }
0x1c: {  	p1 =	slt.u32 s9, $0xF7A;
	s5 =	simm.s32 @!p2 $0x0  }
0x1d: {  	s5 =	simm.s32 @p1 $0x1;
	p0 =	seq.s32 s7, s2  }
0x1e: {  	s7 =	smul.u32 @!p0 $0xF7A, s2;
	p2 =	seq.s32 @!p0 s5, $0x0  }
0x1f: {  	s9 =	smul.u32 $0xF7A, s1;
	s8 =	simm.s32 @!p0 $0x1BF5;
	p2 =	por !p2, p0  }
0x20: {  	[sflag:s8] =	ssyncset.s32 @!p0 $0xFFFFF086;
	s6 =	sadd.s32 @!p0 s3, s7;
	s7 =	simm.s32 @!p0 $0x108  }
0x21: {  	s3 =	sadd.s32 s3, s9;
	s6 =	sadd.s32 @!p0 $0x88, s6;
	s7 =	simm.s32 @p2 $0x1082  }
0x22: {  	[simem:s7], [sflag:s8] =	dma.local @!p0 [hbm:s6], $0xF7A  }
0x23: {  	s9 =	sor.u32 $0xD0000000, s2;
	s6 =	simm.s32 $0x108;
	_ =	swait.ge @!p0 [sflag:s8], $0x0  }
0x24: {  	s3 =	sadd.s32 $0x88, s3;
	s6 =	simm.s32 @!p1 $0x1082;
	[sflag:s4] =	ssyncset.s32 $0xFFFFF086  }
0x25: {  	[simem:s6], [sflag:s4] =	dma.local [hbm:s3], $0xF7A  }
0x26: {  	[smem:$0x3F99] =	sst s1;
	(tag) =	ssettag s2;
	_ =	strace s9  }
0x27: {  	s1 =	sld [smem:$0x3FA9]  }
0x28: {  	s2 =	sld [smem:$0x3FAA]  }
0x29: {  	s4 =	sld [smem:$0x3FAC]  }
0x2a: {  	p0 =	seq.s32 s5, $0x0;
	s5 =	sld [smem:$0x3FAD]  }
0x2b: {  	s6 =	sld [smem:$0x3FAE]  }
0x2c: {  	s7 =	sld [smem:$0x3FAF]  }
0x2d: {  	s3 =	simm.s32 $0x108;
	s8 =	sld [smem:$0x3FB0]  }
0x2e: {  	s3 =	simm.s32 @!p0 $0x1082;
	s9 =	sld [smem:$0x3FB1]  }
0x2f: {  	lr =	sadd.s32 s0, s3;
	s0 =	sld [smem:$0x3FA8]  }
0x30: {  	s3 =	sld [smem:$0x3FAB]  }
0x31: {  	[smem:$0x3FB4] =	sst s10  }
0x32: {  	s10 =	sld [smem:$0x3FB2];
	_ =	sdelay $0x3  }
0x33: {  	p0 =	seq.s32 s10, $0x1;
	s10 =	sld [smem:$0x3FB4];
	_ =	sdelay $0x3  }
0x34: {  	[smem:$0x3FB4] =	sst s10  }
0x35: {  	s10 =	sld [smem:$0x3FB3];
	_ =	sdelay $0x3  }
0x36: {  	p1 =	seq.s32 s10, $0x1;
	s10 =	sld [smem:$0x3FB4];
	_ =	sdelay $0x3  }
0x37: {  	[smem:$0x3FB4] =	sst s10  }
0x38: {  	s10 =	sld [smem:$0x3FB5]  }
0x39: {  	_ = 	snop;
	(pc) =	sbr.ind lr, $3  }
0x3a: {  	_ = 	snop  }
0x3b: {  	_ = 	snop  }
0x3c: {  	p2 =	seq.s32 s10, $0x1;
	s10 =	sld [smem:$0x3FB4]  }
0x3d: {  	_ =	shalt  }
0x3e: {  	_ =	shalt  }
0x3f: {  	_ =	shalt  }
0x40: {  	_ =	shalt  }
0x41: {  	_ =	shalt  }
0x42: {  	_ =	shalt  }
0x43: {  	_ =	shalt  }
0x44: {  	_ =	shalt  }
0x45: {  	_ =	shalt  }
0x46: {  	_ =	shalt  }
0x47: {  	_ =	shalt  }
0x48: {  	_ =	shalt  }
0x49: {  	_ =	shalt  }
0x4a: {  	_ =	shalt  }
0x4b: {  	_ =	shalt  }
0x4c: {  	_ =	shalt  }
0x4d: {  	_ =	shalt  }
0x4e: {  	_ =	shalt  }
0x4f: {  	_ =	shalt  }
0x50: {  	_ =	shalt  }
0x51: {  	_ =	shalt  }
0x52: {  	_ =	shalt  }
0x53: {  	_ =	shalt  }
0x54: {  	_ =	shalt  }
0x55: {  	_ =	shalt  }
0x56: {  	_ =	shalt  }
0x57: {  	_ =	shalt  }
0x58: {  	_ =	shalt  }
0x59: {  	_ =	shalt  }
0x5a: {  	_ =	shalt  }
0x5b: {  	_ =	shalt  }
0x5c: {  	_ =	shalt  }
0x5d: {  	_ =	shalt  }
0x5e: {  	_ =	shalt  }
0x5f: {  	_ =	shalt  }
0x60: {  	_ =	shalt  }
0x61: {  	_ =	shalt  }
0x62: {  	_ =	shalt  }
0x63: {  	_ =	shalt  }
0x64: {  	_ =	shalt  }
0x65: {  	_ =	shalt  }
0x66: {  	_ =	shalt  }
0x67: {  	_ =	shalt  }
0x68: {  	_ =	shalt  }
0x69: {  	_ =	shalt  }
0x6a: {  	_ =	shalt  }
0x6b: {  	_ =	shalt  }
0x6c: {  	_ =	shalt  }
0x6d: {  	_ =	shalt  }
0x6e: {  	_ =	shalt  }
0x6f: {  	_ =	shalt  }
0x70: {  	_ =	shalt  }
0x71: {  	_ =	shalt  }
0x72: {  	_ =	shalt  }
0x73: {  	_ =	shalt  }
0x74: {  	_ =	shalt  }
0x75: {  	_ =	shalt  }
0x76: {  	_ =	shalt  }
0x77: {  	_ =	shalt  }
0x78: {  	_ =	shalt  }
0x79: {  	_ =	shalt  }
0x7a: {  	_ =	shalt  }
0x7b: {  	_ =	shalt  }
0x7c: {  	_ =	shalt  }
0x7d: {  	_ =	shalt  }
0x7e: {  	_ =	shalt  }
0x7f: {  	_ =	shalt  }
0x80: {  	_ =	shalt  }
0x81: {  	_ =	shalt  }
0x82: {  	_ =	shalt  }
0x83: {  	_ =	shalt  }
0x84: {  	_ =	shalt  }
0x85: {  	_ =	shalt  }
0x86: {  	_ =	shalt  }
0x87: {  	_ =	shalt  }
.Lfunc_end0:
.L_simem_size_0:
called_computation.1_lowered:
.L_overlay_start_0:
0x88: {  	s2 =	sld [smem:$0x3FD9]  }
0x89: {  	s3 =	sld [smem:$0x3FFE];
	_ =	sdelay $0x1  }
0x8a: {  	s1 =	srdreg.scid  }
0x8b: {  	s0 =	sand.u32 $0x1, s1  }
0x8c: {  	s17 =	sshll.u32 s0, $0xA;
	s2 =	sadd.s32 s3, s2  }
0x8d: {  	s2 =	sadd.s32 s2, s17  }
0x8e: {  	[smem:$0x3FC0] =	sst s2  }
0x8f: {  	_ = 	snop  }
0x90: {  	s2 =	sld [smem:$0x3FC5];
	(tm) =	ssettm $0x1  }
0x91: {  	s18 =	sld [smem:$0x3FFB];
	_ =	sdelay $0x3  }
0x92: {  	_ =	strace s18  }
0x93: {  	s3 =	sld [smem:$0x3FFC];
	_ =	sdelay $0x3  }
0x94: {  	_ =	strace s3  }
0x95: {  	s3 =	sld [smem:$0x3FFD];
	_ =	sdelay $0x3  }
0x96: {  	_ =	strace s3  }
0x97: {  	_ =	strace $0x8FFFFFFF  }
0x98: {  	s19 =	sld [smem:$0x3FDB];
	_ =	sdelay $0x1  }
0x99: {  	s4 =	simm.s32 $_scs_section_size  }
0x9a: {  	s5 =	simm.s32 $_size__tile_overlayer_lowered;
	s6 =	simm.s32 $_tile_overlayer_lowered  }
0x9b: {  	s22 =	simm.s32 $0x1BFF;
	s21 =	sshll.u32 s6, $0x1;
	s3 =	sadd.s32 s4, s19  }
0x9c: {  	s7 =	simm.s32 $0x0;
	s20 =	sshll.u32 s5, $0x1;
	s5 =	sadd.s32 s21, s3  }
0x9d: {  	[timem:s7], [sflag:s22] =	dma.local [hbm:s5], s20  }
0x9e: {  	_ =	swait.ge [sflag:s22], s20  }
0x9f: {  	s4 =	ssub.s32 $0x0, s20;
	[sflag:s22] =	ssyncset.done $0x0  }
0xa0: {  	[sflag:s22] =	ssyncadd.s32 s4;
	_ =	sdelay $0x1  }
0xa1: {  	s23 =	simm.s32 $0x1B8B  }
0xa2: {  	_ =	swait.ge [sflag:s23], $0x1  }
0xa3: {  	[sflag:s23] =	ssyncset.done $0x0  }
0xa4: {  	s25 =	simm.s32 $0x1B8E;
	s24 =	sld [smem:$0x3FFE];
	[sflag:s23] =	ssyncadd.s32 $0xFFFFFFFF  }
0xa5: {  	s26 =	simm.s32 $execute0_lowered;
	[smem:$0x3FD2] =	sst s25  }
0xa6: {  	s5 =	sshll.u32 s26, $0x1;
	_ =	strace $0x80000049;
	[dreg:$0x1] =	wrdreg $0xFFFFFFFF  }
0xa7: {  	s28 =	simm.s32 $_size_execute0_lowered;
	s3 =	sadd.s32 s3, s5;
	[dreg:$0x0] =	wrdreg $0x0  }
0xa8: {  	s5 =	sshll.u32 s28, $0x1;
	[dreg:$0x2] =	wrdreg s3  }
0xa9: {  	[dreg:$0x3] =	wrdreg s5  }
0xaa: {  	[dreg:$0x4] =	wrdreg $0xC0  }
0xab: {  	_ =	task [dreg:s7], $0x5FFFF  }
0xac: {  	[dreg:$0x1] =	wrdreg $0xFFFFFFFF  }
0xad: {  	[dreg:$0x0] =	wrdreg $0x60  }
0xae: {  	[dreg:$0x2] =	wrdreg s24  }
0xaf: {  	[dreg:$0x3] =	wrdreg s2  }
0xb0: {  	[dreg:$0x4] =	wrdreg $0x1BB100  }
0xb1: {  	[dreg:$0x5] =	wrdreg $0x193900  }
0xb2: {  	[dreg:$0x6] =	wrdreg $0x9  }
0xb3: {  	_ =	task.clear_ibuf [dreg:s7], $0x7FFFF;
	_ =	strace $0x90000049  }
0xb4: {  	s29 =	simm.s32 $0x9;
	_ =	strace $0x8000004B  }
0xb5: {  	_ =	swait.ge [sflag:s29], $0x1  }
0xb6: {  	[sflag:s29] =	ssyncadd.s32 $0xFFFFFFFF  }
0xb7: {  	_ =	strace $0x9000004B  }
0xb8: {  	_ =	sfence  }
0xb9: {  	s30 =	sld [smem:$0x0];
	_ =	sdelay $0x2  }
0xba: {  	s31 =	sshll.u32 s1, $0xD;
	s1 =	sshrl.u32 s1, $0x2  }
0xbb: {  	s3 =	sand.u32 $0x4000, s31;
	s1 =	sadd.s32 s1, s30  }
0xbc: {  	s0 =	sor.u32 s3, s0;
	s1 =	sshll.u32 s1, $0x11  }
0xbd: {  	s0 =	sor.u32 s1, s0  }
0xbe: {  	s0 =	sadd.s32 $0x8F2B, s0  }
0xbf: {  	[sflag:s0] =	ssyncadd.remote.s32 $0x1  }
0xc0: {  	_ =	sfence.sel $0xFFFF  }
0xc1: {  	[dreg:$0x0] =	wrdreg $0xFFFFFFFF;
	(pc) =	sbr.abs _section_cstart, $3  }
0xc2: {  	[dreg:$0x1] =	wrdreg $0xFFFFFFFF  }
0xc3: {  	_ =	task.clear_ibuf [dreg:s7], $0x2FFFF;
	_ =	strace $0x9FFFFFFF  }
0xc4: {  	(tm) =	ssettm $0x7FFFFFFF  }
0xc5: {  	_ =	shalt  }
tec
execute0_lowered:
.L_overlay_start_1:
0x0: {  	(tag) =	ssettag $0x1  }
0x1: {  	s0 =	rddreg [dreg:$0x0]  }
0x2: {  	s3 =	rddreg [dreg:$0x2]  }
0x3: {  	s4 =	rddreg [dreg:$0x3]  }
0x4: {  	s13 =	stileid.u32;
	s5 =	simm.s32 $0x0;
	s7 =	srdreg.scid  }
0x5: {  	s28 =	simm.s32 $0x3;
	s29 =	simm.s32 $0x4;
	s31 =	simm.s32 $0xD  }
0x6: {  	s30 =	simm.s32 $0x6600;
	s1 =	smul.u32 $0x13C00, s13;
	[smem:$0x7FF] =	sst s5  }
0x7: {  	s2 =	smul.u32 $0x4F00, s13;
	s7 =	sand.u32 $0x1, s7;
	s11 =	sadd.s32 $0x1600, s0  }
0x8: {  	s17 =	smul.u32 $0x2780, s13;
	s21 =	sshll.u32 s13, $0x4;
	_ =	strace $0x8000004A  }
0x9: {  	s10 =	ssub.s32 $0x2, s7;
	s14 =	sshll.u32 s7, $0x4;
	s23 =	sadd.s32 s21, s11  }
0xa: {  	p0 =	sne.s32 s7, $0x0;
	s7 =	simm.s32 $0x8;
	s6 =	sshrl.u32 s1, $0x3  }
0xb: {  	s2 =	sshrl.u32 s2, $0x3;
	s12 =	sshrl.u32 s10, $0x1;
	s15 =	sor.u32 s13, s14  }
0xc: {  	s19 =	sadd.s32 s17, s3;
	s1 =	sor.u32 s14, s1;
	s25 =	sadd.s32 $0x9C00, s23  }
0xd: {  	s14 =	simm.s32 $0xC;
	s8 =	sor.u32 $0x4, s6;
	s2 =	sadd.s32 s2, s0  }
0xe: {  	s12 =	ssub.s32 s10, s12;
	[dreg:$0x8] =	wrdreg s19;
	s20 =	smul.u32 $0x2700, s15  }
0xf: {  	s10 =	sadd.s32 s17, s4;
	[dreg:$0xd] =	wrdreg s25;
	s1 =	sshrl.u32 s1, $0x3  }
0x10: {  	p1 =	sgt.u32 s15, $0x3;
	s25 =	simm.s32 $0x1;
	s19 =	simm.s32 $0x5600  }
0x11: {  	s15 =	simm.s32 $0x0;
	s9 =	sadd.s32 s8, s0;
	s16 =	sadd.s32 $0x3C800, s2  }
0x12: {  	s0 =	sadd.s32 $0x50400, s0;
	s2 =	sadd.s32 $0x46600, s2;
	[dreg:$0x5] =	wrdreg s16  }
0x13: {  	s26 =	smax.u32 s12, $0x1;
	s12 =	simm.s32 $0xB;
	[dreg:$0x6] =	wrdreg s2  }
0x14: {  	s18 =	sadd.s32 $0x15000, s9;
	s8 =	sadd.s32 s0, s8;
	s6 =	sadd.s32 s6, s0  }
0x15: {  	s2 =	sshrl.u32 s20, $0x3;
	s0 =	sadd.s32 s0, s1;
	[dreg:$0x10] =	wrdreg s26  }
0x16: {  	s16 =	simm.s32 $0x10;
	s26 =	simm.s32 $0x2;
	s20 =	simm.s32 $0x6E00  }
0x17: {  	s1 =	simm.s32 $0x7;
	s9 =	simm.s32 $0x9;
	[dreg:$0x7] =	wrdreg s18  }
0x18: {  	[dreg:$0x9] =	wrdreg s8;
	s6 =	sadd.s32 $0x6, s6;
	s22 =	sadd.s32 s11, s2  }
.Ltmp0:
0x19: {  	s2 =	sadd.s32 $0x13840, s23;
	[dreg:$0xf] =	wrdreg s0;
	(pc) =	sbr.rel .LBB2_1-.Ltmp0, $4  }
0x1a: {  	s23 =	simm.s32 $0x5E00;
	s8 =	simm.s32 $0x6;
	[dreg:$0xa] =	wrdreg s6  }
0x1b: {  	s11 =	simm.s32 $0xA;
	[dreg:$0xb] =	wrdreg s22;
	s24 =	sadd.s32 $0x9C40, s22  }
0x1c: {  	[dreg:$0xe] =	wrdreg s2;
	s22 =	simm.s32 $0x80;
	s2 =	simm.s32 $0x4E00  }
0x1d: {  	v0 =	vimm.f32 $0.0e+00;
	s6 =	simm.s32 $0x5;
	[dreg:$0xc] =	wrdreg s24;
	s24 =	simm.s32 $0x7600  }
.LBB2_8:
0x1e: {  	_ =	swait.ge [sflag:s1], $0x800  }
0x1f: {  	[sflag:s1] =	ssyncset.done $0x0  }
0x20: {  	[sflag:s1] =	ssyncadd.s32 $0xFFFFF800  }
0x21: {  	_ =	swait.ge [sflag:s7], $0x800  }
0x22: {  	[sflag:s7] =	ssyncset.done $0x0  }
0x23: {  	[sflag:s7] =	ssyncadd.s32 $0xFFFFF800  }
0x24: {  	_ =	swait.ge [sflag:s9], $0x800  }
0x25: {  	[sflag:s9] =	ssyncset.done $0x0  }
0x26: {  	[sflag:s9] =	ssyncadd.s32 $0xFFFFF800  }
0x27: {  	_ =	swait.ge [sflag:s11], $0x800  }
0x28: {  	[sflag:s11] =	ssyncset.done $0x0  }
0x29: {  	[sflag:s11] =	ssyncadd.s32 $0xFFFFF800  }
0x2a: {  	_ =	swait.ge [sflag:s12], $0x800  }
0x2b: {  	[sflag:s12] =	ssyncset.done $0x0  }
0x2c: {  	[sflag:s12] =	ssyncadd.s32 $0xFFFFF800  }
0x2d: {  	_ =	swait.ge [sflag:s14], $0x800  }
0x2e: {  	s0 =	simm.s32 @!p1 $0x0;
	[sflag:s14] =	ssyncset.done $0x0  }
0x2f: {  	s13 =	simm.s32 @!p1 $0x7E00;
	s16 =	rddreg [dreg:$0xd];
	[sflag:s14] =	ssyncadd.s32 $0xFFFFF800  }
0x30: {  	[tilespmem:s13], [sflag:$0xD] =	stream.linear.gather @!p1 [hbm4b:s16+s0], $0x80, $0x38;
	[tilespmem:$0x1E290] =	vst v63  }
0x31: {  	s16 =	simm.s32 @!p1 $0xD  }
0x32: {  	_ =	swait.ge @!p1 [sflag:s16], $0x80  }
0x33: {  	[sflag:s16] =	ssyncset.done @!p1 $0x0  }
0x34: {  	s17 =	simm.s32 @!p1 $0x7E80;
	s18 =	rddreg [dreg:$0xe];
	[sflag:s16] =	ssyncadd.s32 @!p1 $0xFFFFFF80  }
0x35: {  	[tilespmem:s17], [sflag:$0xD] =	stream.linear.gather @!p1 [hbm4b:s18+s0], $0x80, $0x38;
	[tilespmem:$0x1E290] =	vst v63  }
0x36: {  	_ =	swait.ge @!p1 [sflag:s16], $0x80  }
0x37: {  	[sflag:s16] =	ssyncset.done @!p1 $0x0  }
0x38: {  	s0 =	simm.s32 @!p1 $0x80;
	s18 =	simm.s32 @!p1 $0x4E00;
	[sflag:s16] =	ssyncadd.s32 @!p1 $0xFFFFFF80  }
0x39: {  	[tilespmem:s18], [sflag:$0x1] =	stream.indirect.gather @!p1 [spmem:s3], $0x10, s13, s0, $0xb8;
	[tilespmem:$0x1E290] =	vst v63  }
0x3a: {  	s13 =	simm.s32 @!p1 $0x1  }
0x3b: {  	_ =	swait.ge @!p1 [sflag:s13], $0x800  }
0x3c: {  	[sflag:s13] =	ssyncset.done @!p1 $0x0  }
0x3d: {  	[sflag:s13] =	ssyncadd.s32 @!p1 $0xFFFFF800  }
0x3e: {  	[spmem:s4] =	stream.indirect.scatter.add.f32 @!p1 [tilespmem:s18], [sflag:$0xD], $0x10, s17, s0, $0xb8;
	[tilespmem:$0x1E290] =	vst v63  }
0x3f: {  	_ =	swait.ge @!p1 [sflag:s16], $0x800  }
0x40: {  	[sflag:s16] =	ssyncset.done @!p1 $0x0  }
0x41: {  	s13 =	stileid.u32;
	[sflag:s16] =	ssyncadd.s32 @!p1 $0xFFFFF800  }
0x42: {  	s0 =	sshll.u32 s13, $0x6;
	s18 =	simm.s32 $0x10;
	[bflag:$0x0] =	sbarrier.arrive $0xFFFF  }
0x43: {  	s0 =	sor.u32 $0x1C0D, s0;
	s16 =	sshrl.u32 s10, $0x3;
	s17 =	rddreg [dreg:$0xf]  }
0x44: {  	[hbm:s17@s18], [sflag:s0] =	dma.strided [spmem:s16@s26], $0x4F0, s25, $0x2   }
0x45: {  	_ =	swait.ge [sflag:s31], $0x4F0  }
0x46: {  	s15 =	sadd.s32 $0x1, s15;
	s21 =	rddreg [dreg:$0x10]  }
0x47: {  	p2 =	sne.s32 s15, s21  }
.Ltmp1:
0x48: {  	_ = 	snop;
	(pc) =	sbr.rel @!p2 .LBB2_9-.Ltmp1, $3  }
0x49: {  	_ =	sdelay $0x1  }
0x4a: {  	[sflag:s31] =	ssyncset.done $0x0  }
0x4b: {  	s16 =	simm.s32 $0x10;
	[sflag:s31] =	ssyncadd.s32 $0xFFFFFB10  }
.LBB2_1:
0x4c: {  	s0 =	rddreg [dreg:$0x5];
	s13 =	simm.s32 $0x7F00  }
0x4d: {  	[tilespmem:s13], [sflag:$0x1] =	stream.linear.gather [hbm4b:s0+s5], $0x4F00, $0x38;
	[tilespmem:$0x1E290] =	vst v63  }
0x4e: {  	s18 =	rddreg [dreg:$0x6];
	s21 =	simm.s32 $0xCE00  }
0x4f: {  	[tilespmem:s21], [sflag:$0x2] =	stream.linear.gather [hbm4b:s18+s5], $0x4F00, $0x38;
	[tilespmem:$0x1E290] =	vst v63  }
0x50: {  	s17 =	simm.s32 $0x11D00;
	s13 =	rddreg [dreg:$0x7]  }
0x51: {  	[tilespmem:s17], [sflag:$0x3] =	stream.strided.gather [hbm4b:s13+s16], $0x2780, s22, s16, $0x38;
	[tilespmem:$0x1E290] =	vst v63  }
0x52: {  	s18 =	rddreg [dreg:$0x1];
	s21 =	simm.s32 $0x19380  }
0x53: {  	[tilespmem:s21], [sflag:$0x4] =	stream.linear.gather [hbm4b:s18+s5], $0x10, $0x38;
	[tilespmem:$0x1E290] =	vst v63  }
0x54: {  	_ =	swait.ge [sflag:s25], $0x4F00  }
0x55: {  	[sflag:s25] =	ssyncset.done $0x0  }
0x56: {  	[sflag:s25] =	ssyncadd.s32 $0xFFFFB100  }
0x57: {  	_ =	swait.ge [sflag:s26], $0x4F00  }
0x58: {  	[sflag:s26] =	ssyncset.done $0x0  }
0x59: {  	[sflag:s26] =	ssyncadd.s32 $0xFFFFB100  }
0x5a: {  	_ =	swait.ge [sflag:s28], $0x2780  }
0x5b: {  	[sflag:s28] =	ssyncset.done $0x0  }
0x5c: {  	[sflag:s28] =	ssyncadd.s32 $0xFFFFD880  }
0x5d: {  	_ =	swait.ge [sflag:s29], $0x10  }
0x5e: {  	[sflag:s29] =	ssyncset.done $0x0  }
0x5f: {  	s16 =	simm.s32 $0x7F20;
	[sflag:s29] =	ssyncadd.s32 $0xFFFFFFF0  }
0x60: {  	s21 =	simm.s32 $0xCE20;
	v1 =	vld [tilespmem:s16+$0xFFFFFFF0]  }
0x61: {  	v2 =	vld [tilespmem:s21+$0xFFFFFFF0];
	_ =	sdelay $0x4  }
0x62: {  	v1 =	vadd.f32 v2, v1;
	_ =	sdelay $0x1  }
0x63: {  	v1 =	vmax.f32 v1, $1.000000000e+00  }
0x64: {  	(erf) = vrcp.f32 v1;
	_ =	sdelay $0x1  }
0x65: {  	v3 =	vld [tilespmem:s21+$0xFFFFFFE0]  }
0x66: {  	v2 =	vld [tilespmem:s16+$0xFFFFFFE0];
	_ =	sdelay $0x3  }
0x67: {  	v1 =	vld [tilespmem:$0x19380]  }
0x68: {  	s18 =	simm.s32 $0x10;
	v2 =	vadd.f32 v3, v2  }
0x69: {  	v3 =	vld [tilespmem:s18+$0x11CF0];
	v4 =	vpop (erf)  }
0x6a: {  	v2 =	vmul.f32 v4, v2;
	_ =	sdelay $0x1  }
0x6b: {  	v2 =	vadd.f32 v2, v1;
	_ =	sdelay $0x1  }
0x6c: {  	v2 =	vadd.f32 v2, v3;
	_ =	sdelay $0x1  }
0x6d: {  	[tilespmem:s18+$0x16BF0] =	vst v4;
	v2 =	vmax.f32 v2, $0.0e+00  }
0x6e: {  	[tilespmem:s18+$0x14470] =	vst v2  }
0x6f: {  	[tilespmem:s16+$0xFFFFFFE0] =	vst v0;
	v2 =	vld [tilespmem:s16+$0x10]  }
0x70: {  	v3 =	vld [tilespmem:s21+$0x10];
	_ =	sdelay $0x4  }
0x71: {  	v2 =	vadd.f32 v3, v2;
	_ =	sdelay $0x1  }
0x72: {  	v2 =	vmax.f32 v2, $1.000000000e+00  }
0x73: {  	(erf) = vrcp.f32 v2;
	_ =	sdelay $0x1  }
0x74: {  	v3 =	vld [tilespmem:s21+$0x0]  }
0x75: {  	v2 =	vld [tilespmem:s16+$0x0];
	_ =	sdelay $0x4  }
0x76: {  	v2 =	vadd.f32 v3, v2  }
0x77: {  	v3 =	vld [tilespmem:s18+$0x11D00];
	v63 =	vpop (erf)  }
0x78: {  	v2 =	vmul.f32 v63, v2;
	_ =	sdelay $0x1  }
0x79: {  	v2 =	vadd.f32 v2, v1;
	_ =	sdelay $0x1  }
0x7a: {  	v2 =	vadd.f32 v2, v3;
	_ =	sdelay $0x1  }
0x7b: {  	[tilespmem:s18+$0x16C00] =	vst v63;
	v2 =	vmax.f32 v2, $0.0e+00  }
0x7c: {  	s17 =	simm.s32 $0xC0;
	[tilespmem:s18+$0x14480] =	vst v2;
	s18 =	simm.s32 $0x7F60  }
.LBB2_2:
0x7d: {  	p2 =	sne.s32 s17, $0x9DC0;
	s21 =	sadd.s32 $0x40, s21  }
0x7e: {  	v2 =	vld [tilespmem:s18+$0xFFFFFFF0];
	[tilespmem:s16+$0x0] =	vst v0;
	s13 =	smov.u32 s17;
	s17 =	sadd.s32 $0x80, s17;
	s16 =	smov.u32 s18  }
0x7f: {  	v3 =	vld [tilespmem:s21+$0xFFFFFFF0];
	_ =	sdelay $0x4  }
0x80: {  	v2 =	vadd.f32 v3, v2;
	_ =	sdelay $0x1  }
0x81: {  	v2 =	vmax.f32 v2, $1.000000000e+00  }
0x82: {  	(erf) = vrcp.f32 v2;
	_ =	sdelay $0x1  }
0x83: {  	v2 =	vld [tilespmem:s18+$0xFFFFFFE0]  }
0x84: {  	v3 =	vld [tilespmem:s21+$0xFFFFFFE0];
	_ =	sdelay $0x4  }
0x85: {  	s13 =	sshra.s32 s13, $0x2;
	v2 =	vadd.f32 v3, v2  }
0x86: {  	v3 =	vld [tilespmem:s13+$0x11CF0];
	v4 =	vpop (erf)  }
0x87: {  	v2 =	vmul.f32 v4, v2;
	_ =	sdelay $0x1  }
0x88: {  	v2 =	vadd.f32 v2, v1;
	_ =	sdelay $0x1  }
0x89: {  	v2 =	vadd.f32 v2, v3;
	_ =	sdelay $0x1  }
0x8a: {  	v2 =	vmax.f32 v2, $0.0e+00;
	[tilespmem:s13+$0x16BF0] =	vst v4  }
0x8b: {  	[tilespmem:s13+$0x14470] =	vst v2  }
0x8c: {  	[tilespmem:s18+$0xFFFFFFE0] =	vst v0;
	v2 =	vld [tilespmem:s18+$0x10]  }
0x8d: {  	v3 =	vld [tilespmem:s21+$0x10];
	_ =	sdelay $0x4  }
0x8e: {  	v2 =	vadd.f32 v3, v2;
	_ =	sdelay $0x1  }
0x8f: {  	v2 =	vmax.f32 v2, $1.000000000e+00  }
0x90: {  	(erf) = vrcp.f32 v2;
	_ =	sdelay $0x1  }
0x91: {  	v2 =	vld [tilespmem:s18+$0x0]  }
0x92: {  	v3 =	vld [tilespmem:s21+$0x0];
	_ =	sdelay $0x4  }
0x93: {  	v2 =	vadd.f32 v3, v2  }
0x94: {  	v3 =	vld [tilespmem:s13+$0x11D00];
	v4 =	vpop (erf)  }
0x95: {  	v2 =	vmul.f32 v4, v2;
	[tilespmem:s13+$0x16C00] =	vst v4;
	_ =	sdelay $0x1  }
0x96: {  	v2 =	vadd.f32 v2, v1  }
.Ltmp2:
0x97: {  	(pc) =	sbr.rel @p2 .LBB2_2-.Ltmp2, $3  }
0x98: {  	v2 =	vadd.f32 v2, v3;
	_ =	sdelay $0x1  }
0x99: {  	v2 =	vmax.f32 v2, $0.0e+00  }
0x9a: {  	s18 =	sadd.s32 $0x40, s18;
	[tilespmem:s13+$0x14480] =	vst v2  }
0x9b: {  	[tilespmem:s16+$0x0] =	vst v0;
	s0 =	rddreg [dreg:$0x8];
	s13 =	simm.s32 $0x14480  }
0x9c: {  	[spmem:s0] =	stream.linear.scatter [tilespmem:s13], [sflag:$0x1], $0x2780, $0x38;
	[tilespmem:$0x1E290] =	vst v63  }
0x9d: {  	s16 =	simm.s32 $0x7F00;
	s21 =	sadd.s32 $0x0, s10;
	s17 =	simm.s32 $0x40  }
0x9e: {  	[spmem:s21] =	stream.linear.scatter [tilespmem:s16], [sflag:$0x2], $0x10, $0x38;
	[tilespmem:$0x1E290] =	vst v63  }
.LBB2_4:
0x9f: {  	p2 =	sne.s32 s17, $0x9DC0  }
.Ltmp3:
0xa0: {  	_ = 	snop;
	(pc) =	sbr.rel @p2 .LBB2_4-.Ltmp3, $4  }
0xa1: {  	_ = 	snop  }
0xa2: {  	s13 =	sshra.s32 s17, $0x2;
	s17 =	sadd.s32 $0x40, s17  }
0xa3: {  	s16 =	sadd.s32 $0x20, s16;
	s13 =	sadd.s32 s13, s10  }
0xa4: {  	[spmem:s13] =	stream.linear.scatter [tilespmem:s16], [sflag:$0x2], $0x10, $0x38;
	[tilespmem:$0x1E290] =	vst v63  }
0xa5: {  	s13 =	simm.s32 @!p0 $0x10  }
0xa6: {  	s16 =	simm.s32 @!p0 $0x80;
	s17 =	simm.s32 @!p0 $0x14480;
	s0 =	rddreg [dreg:$0x9]  }
0xa7: {  	[hbm4b:s0+s13] =	stream.strided.scatter @!p0 [tilespmem:s17], [sflag:$0x7], $0x2780, s16, s13, $0x38;
	[tilespmem:$0x1E290] =	vst v63  }
0xa8: {  	s17 =	simm.s32 @!p0 $0x16C00;
	s0 =	rddreg [dreg:$0xa]  }
0xa9: {  	[hbm4b:s0+s13] =	stream.strided.scatter @!p0 [tilespmem:s17], [sflag:$0x8], $0x2780, s16, s13, $0x38;
	[tilespmem:$0x1E290] =	vst v63  }
0xaa: {  	s13 =	simm.s32 @!p0 $0x7  }
0xab: {  	_ =	swait.ge @!p0 [sflag:s13], $0x2780  }
0xac: {  	[sflag:s13] =	ssyncset.done @!p0 $0x0  }
0xad: {  	[sflag:s13] =	ssyncadd.s32 @!p0 $0xFFFFD880;
	s13 =	simm.s32 @!p0 $0x8  }
0xae: {  	_ =	swait.ge @!p0 [sflag:s13], $0x2780  }
0xaf: {  	[sflag:s13] =	ssyncset.done @!p0 $0x0  }
0xb0: {  	[sflag:s13] =	ssyncadd.s32 @!p0 $0xFFFFD880  }
0xb1: {  	_ =	swait.ge [sflag:s25], $0x2780  }
0xb2: {  	[sflag:s25] =	ssyncset.done $0x0  }
0xb3: {  	[sflag:s25] =	ssyncadd.s32 $0xFFFFD880  }
0xb4: {  	_ =	swait.ge [sflag:s26], $0x2780  }
0xb5: {  	[sflag:s26] =	ssyncset.done $0x0  }
0xb6: {  	[sflag:s26] =	ssyncadd.s32 $0xFFFFD880  }
0xb7: {  	[bflag:$0x0] =	sbarrier.arrive $0xFFFF  }
0xb8: {  	s21 =	simm.s32 $0x0;
	s13 =	rddreg [dreg:$0xb]  }
0xb9: {  	[tilespmem:s21], [sflag:$0xD] =	stream.linear.gather [hbm4b:s13+s21], $0x2700, $0x38;
	[tilespmem:$0x1E290] =	vst v63  }
0xba: {  	_ =	swait.ge [sflag:s31], $0x2700  }
0xbb: {  	[sflag:s31] =	ssyncset.done $0x0  }
0xbc: {  	s17 =	simm.s32 $0x2700;
	s16 =	rddreg [dreg:$0xc];
	[sflag:s31] =	ssyncadd.s32 $0xFFFFD900  }
0xbd: {  	[tilespmem:s17], [sflag:$0xD] =	stream.linear.gather [hbm4b:s16+s21], $0x2700, $0x38;
	[tilespmem:$0x1E290] =	vst v63  }
0xbe: {  	_ =	swait.ge [sflag:s31], $0x2700  }
0xbf: {  	[sflag:s31] =	ssyncset.done $0x0  }
0xc0: {  	[sflag:s31] =	ssyncadd.s32 $0xFFFFD900  }
0xc1: {  	[tilespmem:s2], [sflag:$0x1] =	stream.indirect.gather [spmem:s3], $0x10, s21, s22, $0xb8;
	[tilespmem:$0x1E290] =	vst v63  }
0xc2: {  	_ = 	snop  }
0xc3: {  	[tilespmem:s19], [sflag:$0x2] =	stream.indirect.gather [spmem:s3], $0x10, s22, s22, $0xb8;
	[tilespmem:$0x1E290] =	vst v63  }
0xc4: {  	s18 =	simm.s32 $0x100  }
0xc5: {  	[tilespmem:s23], [sflag:$0x3] =	stream.indirect.gather [spmem:s3], $0x10, s18, s22, $0xb8;
	[tilespmem:$0x1E290] =	vst v63  }
0xc6: {  	_ =	swait.ge [sflag:s25], $0x800  }
0xc7: {  	[sflag:s25] =	ssyncset.done $0x0  }
0xc8: {  	[sflag:s25] =	ssyncadd.s32 $0xFFFFF800  }
0xc9: {  	[spmem:s4] =	stream.indirect.scatter.add.f32 [tilespmem:s2], [sflag:$0x7], $0x10, s17, s22, $0xb8;
	[tilespmem:$0x1E290] =	vst v63  }
0xca: {  	s16 =	simm.s32 $0x180  }
0xcb: {  	[tilespmem:s30], [sflag:$0x4] =	stream.indirect.gather [spmem:s3], $0x10, s16, s22, $0xb8;
	[tilespmem:$0x1E290] =	vst v63  }
0xcc: {  	_ =	swait.ge [sflag:s26], $0x800  }
0xcd: {  	[sflag:s26] =	ssyncset.done $0x0  }
0xce: {  	s17 =	simm.s32 $0x2780;
	[sflag:s26] =	ssyncadd.s32 $0xFFFFF800  }
0xcf: {  	[spmem:s4] =	stream.indirect.scatter.add.f32 [tilespmem:s19], [sflag:$0x8], $0x10, s17, s22, $0xb8;
	[tilespmem:$0x1E290] =	vst v63  }
0xd0: {  	s18 =	simm.s32 $0x200  }
0xd1: {  	[tilespmem:s20], [sflag:$0x5] =	stream.indirect.gather [spmem:s3], $0x10, s18, s22, $0xb8;
	[tilespmem:$0x1E290] =	vst v63  }
0xd2: {  	_ =	swait.ge [sflag:s28], $0x800  }
0xd3: {  	[sflag:s28] =	ssyncset.done $0x0  }
0xd4: {  	s13 =	simm.s32 $0x2800;
	[sflag:s28] =	ssyncadd.s32 $0xFFFFF800  }
0xd5: {  	[spmem:s4] =	stream.indirect.scatter.add.f32 [tilespmem:s23], [sflag:$0x9], $0x10, s13, s22, $0xb8;
	[tilespmem:$0x1E290] =	vst v63  }
0xd6: {  	s16 =	simm.s32 $0x280  }
0xd7: {  	[tilespmem:s24], [sflag:$0x6] =	stream.indirect.gather [spmem:s3], $0x10, s16, s22, $0xb8;
	[tilespmem:$0x1E290] =	vst v63  }
0xd8: {  	_ =	swait.ge [sflag:s29], $0x800  }
0xd9: {  	[sflag:s29] =	ssyncset.done $0x0  }
0xda: {  	s17 =	simm.s32 $0x2880;
	[sflag:s29] =	ssyncadd.s32 $0xFFFFF800  }
0xdb: {  	[spmem:s4] =	stream.indirect.scatter.add.f32 [tilespmem:s30], [sflag:$0xA], $0x10, s17, s22, $0xb8;
	[tilespmem:$0x1E290] =	vst v63  }
0xdc: {  	_ =	swait.ge [sflag:s1], $0x800  }
0xdd: {  	[sflag:s1] =	ssyncset.done $0x0  }
0xde: {  	s18 =	simm.s32 $0x300;
	[sflag:s1] =	ssyncadd.s32 $0xFFFFF800  }
0xdf: {  	[tilespmem:s2], [sflag:$0x1] =	stream.indirect.gather [spmem:s3], $0x10, s18, s22, $0xb8;
	[tilespmem:$0x1E290] =	vst v63  }
0xe0: {  	_ =	swait.ge [sflag:s6], $0x800  }
0xe1: {  	[sflag:s6] =	ssyncset.done $0x0  }
0xe2: {  	s13 =	simm.s32 $0x2900;
	[sflag:s6] =	ssyncadd.s32 $0xFFFFF800  }
0xe3: {  	[spmem:s4] =	stream.indirect.scatter.add.f32 [tilespmem:s20], [sflag:$0xB], $0x10, s13, s22, $0xb8;
	[tilespmem:$0x1E290] =	vst v63  }
0xe4: {  	_ =	swait.ge [sflag:s7], $0x800  }
0xe5: {  	[sflag:s7] =	ssyncset.done $0x0  }
0xe6: {  	s16 =	simm.s32 $0x380;
	[sflag:s7] =	ssyncadd.s32 $0xFFFFF800  }
0xe7: {  	[tilespmem:s19], [sflag:$0x2] =	stream.indirect.gather [spmem:s3], $0x10, s16, s22, $0xb8;
	[tilespmem:$0x1E290] =	vst v63  }
0xe8: {  	_ =	swait.ge [sflag:s8], $0x800  }
0xe9: {  	[sflag:s8] =	ssyncset.done $0x0  }
0xea: {  	s17 =	simm.s32 $0x2980;
	[sflag:s8] =	ssyncadd.s32 $0xFFFFF800  }
0xeb: {  	[spmem:s4] =	stream.indirect.scatter.add.f32 [tilespmem:s24], [sflag:$0xC], $0x10, s17, s22, $0xb8;
	[tilespmem:$0x1E290] =	vst v63  }
0xec: {  	_ =	swait.ge [sflag:s9], $0x800  }
0xed: {  	[sflag:s9] =	ssyncset.done $0x0  }
0xee: {  	s18 =	simm.s32 $0x400;
	[sflag:s9] =	ssyncadd.s32 $0xFFFFF800  }
0xef: {  	[tilespmem:s23], [sflag:$0x3] =	stream.indirect.gather [spmem:s3], $0x10, s18, s22, $0xb8;
	[tilespmem:$0x1E290] =	vst v63  }
.LBB2_6:
0xf0: {  	_ =	swait.ge [sflag:s25], $0x800  }
0xf1: {  	s16 =	sshra.s32 s21, $0x2;
	[sflag:s25] =	ssyncset.done $0x0  }
0xf2: {  	s13 =	sadd.s32 $0x2A00, s16;
	[sflag:s25] =	ssyncadd.s32 $0xFFFFF800  }
0xf3: {  	[spmem:s4] =	stream.indirect.scatter.add.f32 [tilespmem:s2], [sflag:$0x7], $0x10, s13, s22, $0xb8;
	[tilespmem:$0x1E290] =	vst v63  }
0xf4: {  	_ =	swait.ge [sflag:s11], $0x800  }
0xf5: {  	[sflag:s11] =	ssyncset.done $0x0  }
0xf6: {  	s18 =	sadd.s32 $0x480, s16;
	[sflag:s11] =	ssyncadd.s32 $0xFFFFF800  }
0xf7: {  	[tilespmem:s30], [sflag:$0x4] =	stream.indirect.gather [spmem:s3], $0x10, s18, s22, $0xb8;
	[tilespmem:$0x1E290] =	vst v63  }
0xf8: {  	_ =	swait.ge [sflag:s26], $0x800  }
0xf9: {  	[sflag:s26] =	ssyncset.done $0x0  }
0xfa: {  	s0 =	sadd.s32 $0x2A80, s16;
	[sflag:s26] =	ssyncadd.s32 $0xFFFFF800  }
0xfb: {  	[spmem:s4] =	stream.indirect.scatter.add.f32 [tilespmem:s19], [sflag:$0x8], $0x10, s0, s22, $0xb8;
	[tilespmem:$0x1E290] =	vst v63  }
0xfc: {  	_ =	swait.ge [sflag:s12], $0x800  }
0xfd: {  	[sflag:s12] =	ssyncset.done $0x0  }
0xfe: {  	s17 =	sadd.s32 $0x500, s16;
	[sflag:s12] =	ssyncadd.s32 $0xFFFFF800  }
0xff: {  	[tilespmem:s20], [sflag:$0x5] =	stream.indirect.gather [spmem:s3], $0x10, s17, s22, $0xb8;
	[tilespmem:$0x1E290] =	vst v63  }
0x100: {  	_ =	swait.ge [sflag:s28], $0x800  }
0x101: {  	[sflag:s28] =	ssyncset.done $0x0  }
0x102: {  	s18 =	sadd.s32 $0x2B00, s16;
	[sflag:s28] =	ssyncadd.s32 $0xFFFFF800  }
0x103: {  	[spmem:s4] =	stream.indirect.scatter.add.f32 [tilespmem:s23], [sflag:$0x9], $0x10, s18, s22, $0xb8;
	[tilespmem:$0x1E290] =	vst v63  }
0x104: {  	_ =	swait.ge [sflag:s14], $0x800  }
0x105: {  	[sflag:s14] =	ssyncset.done $0x0  }
0x106: {  	s0 =	sadd.s32 $0x580, s16;
	[sflag:s14] =	ssyncadd.s32 $0xFFFFF800  }
0x107: {  	[tilespmem:s24], [sflag:$0x6] =	stream.indirect.gather [spmem:s3], $0x10, s0, s22, $0xb8;
	[tilespmem:$0x1E290] =	vst v63  }
0x108: {  	_ =	swait.ge [sflag:s29], $0x800  }
0x109: {  	p2 =	seq.s32 s21, $0x8400;
	[sflag:s29] =	ssyncset.done $0x0  }
0x10a: {  	s13 =	simm.s32 @p2 $0x5;
	s17 =	sadd.s32 $0x2B80, s16;
	[sflag:s29] =	ssyncadd.s32 $0xFFFFF800  }
0x10b: {  	[spmem:s4] =	stream.indirect.scatter.add.f32 [tilespmem:s30], [sflag:$0xA], $0x10, s17, s22, $0xb8;
	[tilespmem:$0x1E290] =	vst v63  }
0x10c: {  	_ =	swait.ge @p2 [sflag:s13], $0x800  }
0x10d: {  	[sflag:s13] =	ssyncset.done @p2 $0x0  }
0x10e: {  	[sflag:s13] =	ssyncadd.s32 @p2 $0xFFFFF800;
	s13 =	sshra.s32 @p2 s21, $0x2  }
0x10f: {  	s18 =	simm.s32 @p2 $0x6E00;
	s17 =	simm.s32 @p2 $0x80;
	s13 =	sadd.s32 @p2 $0x2C00, s13  }
0x110: {  	[spmem:s4] =	stream.indirect.scatter.add.f32 @p2 [tilespmem:s18], [sflag:$0xB], $0x10, s13, s17, $0xb8;
	[tilespmem:$0x1E290] =	vst v63  }
0x111: {  	s13 =	simm.s32 @!p2 $0x7  }
0x112: {  	_ =	swait.ge @!p2 [sflag:s13], $0x800  }
0x113: {  	[sflag:s13] =	ssyncset.done @!p2 $0x0  }
0x114: {  	[sflag:s13] =	ssyncadd.s32 @!p2 $0xFFFFF800;
	s13 =	sshra.s32 @!p2 s21, $0x2  }
0x115: {  	s0 =	simm.s32 @!p2 $0x4E00;
	s18 =	simm.s32 @!p2 $0x80;
	s17 =	sadd.s32 @!p2 $0x600, s13  }
0x116: {  	[tilespmem:s0], [sflag:$0x1] =	stream.indirect.gather @!p2 [spmem:s3], $0x10, s17, s18, $0xb8;
	[tilespmem:$0x1E290] =	vst v63  }
0x117: {  	s0 =	simm.s32 @!p2 $0x5  }
0x118: {  	_ =	swait.ge @!p2 [sflag:s0], $0x800  }
0x119: {  	[sflag:s0] =	ssyncset.done @!p2 $0x0  }
0x11a: {  	s17 =	simm.s32 @!p2 $0x6E00;
	[sflag:s0] =	ssyncadd.s32 @!p2 $0xFFFFF800;
	s0 =	sadd.s32 @!p2 $0x2C00, s13  }
0x11b: {  	[spmem:s4] =	stream.indirect.scatter.add.f32 @!p2 [tilespmem:s17], [sflag:$0xB], $0x10, s0, s18, $0xb8;
	[tilespmem:$0x1E290] =	vst v63  }
0x11c: {  	s0 =	simm.s32 @!p2 $0x8  }
0x11d: {  	_ =	swait.ge @!p2 [sflag:s0], $0x800  }
0x11e: {  	[sflag:s0] =	ssyncset.done @!p2 $0x0  }
0x11f: {  	[sflag:s0] =	ssyncadd.s32 @!p2 $0xFFFFF800;
	s0 =	sadd.s32 @!p2 $0x680, s13;
	s13 =	simm.s32 @!p2 $0x5600  }
0x120: {  	[tilespmem:s13], [sflag:$0x2] =	stream.indirect.gather @!p2 [spmem:s3], $0x10, s0, s18, $0xb8;
	[tilespmem:$0x1E290] =	vst v63  }
.Ltmp4:
0x121: {  	_ = 	snop;
	(pc) =	sbr.rel @p2 .LBB2_8-.Ltmp4, $4  }
0x122: {  	_ =	swait.ge [sflag:s8], $0x800  }
0x123: {  	[sflag:s8] =	ssyncset.done $0x0  }
0x124: {  	s18 =	sadd.s32 $0x2C80, s16;
	[sflag:s8] =	ssyncadd.s32 $0xFFFFF800  }
0x125: {  	[spmem:s4] =	stream.indirect.scatter.add.f32 [tilespmem:s24], [sflag:$0xC], $0x10, s18, s22, $0xb8;
	[tilespmem:$0x1E290] =	vst v63  }
.Ltmp5:
0x126: {  	(pc) =	sbr.rel .LBB2_6-.Ltmp5, $4  }
0x127: {  	_ =	swait.ge [sflag:s9], $0x800  }
0x128: {  	[sflag:s9] =	ssyncset.done $0x0  }
0x129: {  	s0 =	sadd.s32 $0x700, s16;
	s21 =	sadd.s32 $0xC00, s21;
	[sflag:s9] =	ssyncadd.s32 $0xFFFFF800  }
0x12a: {  	[tilespmem:s23], [sflag:$0x3] =	stream.indirect.gather [spmem:s3], $0x10, s0, s22, $0xb8;
	[tilespmem:$0x1E290] =	vst v63  }
.LBB2_9:
0x12b: {  	_ =	sfence.sel $0x180000  }
0x12c: {  	[bflag:$0x0] =	sbarrier.arrive $0xFFFF  }
0x12d: {  	_ =	strace $0x9000004A  }
0x12e: {  	s0 =	stileid.u32;
	[bflag:$0x2] =	sbarrier.arrive $0xFFFF  }
0x12f: {  	p0 =	sne.s32 s0, $0x0;
	s0 =	rddreg [dreg:$0x4]  }
0x130: {  	s0 =	sadd.s32 @!p0 $0x100000, s0  }
0x131: {  	[sflag:s0] =	ssyncadd.tile.s32 @!p0 $0x1;
	_ =	shalt  }
.Lfunc_end2:
_tile_overlayer_lowered:
.L_overlay_start_2:
0x132: {  	(tag) =	ssettag $0x2  }
0x133: {  	s0 =	rddreg [dreg:$0x0];
	s2 =	stileid.u32  }
0x134: {  	s1 =	rddreg [dreg:$0x1];
	p0 =	sne.s32 s2, $0x0  }
0x135: {  	s3 =	rddreg [dreg:$0x2];
	[bflag:$0x3] =	sbarrier.arrive $0xFFFF;
	s2 =	simm.s32 @!p0 $0x1C0D  }
0x136: {  	[timem:s3], [sflag:s2] =	dma.local @!p0 [hbm:s0], s1  }
0x137: {  	s0 =	simm.s32 @!p0 $0xD  }
0x138: {  	_ =	swait.ge @!p0 [sflag:s0], s1  }
0x139: {  	s1 =	ssub.s32 @!p0 $0x0, s1;
	[sflag:s0] =	ssyncset.done @!p0 $0x0  }
0x13a: {  	[sflag:s0] =	ssyncadd.s32 @!p0 s1  }
0x13b: {  	[bflag:$0x3] =	sbarrier.arrive $0xFFFF  }
0x13c: {  	_ =	shalt  }

</sc_bundles>
